<compile_context>
chip_gen: v7x
topology: tpu7x:2x2x1
jax: 0.10.2.dev20260603
libtpu: 0.0.44.dev20260713+nightly
codegen_flags: <defaults>
</compile_context>

<pallas_src>
import functools

import jax
import jax.numpy as jnp
from jax import lax
from jax.experimental import pallas as pl
from jax.experimental.pallas import tpu as pltpu
from jax.experimental.pallas import tpu_sc as plsc

N_NODES = 50000
N_EDGES = 1600000
CUTOFF = 10.0
NBASIS = 16

NW = 32
C = 128
EPW = 50176
NCH = EPW // C
NSUP = NCH // 8
NE_PAD = NW * EPW
N_PAD = 50176
DUMMY = N_NODES
NERR = N_EDGES // 128
SQRT3 = 1.7320508075688772

_SC_PARAMS = pltpu.CompilerParams(use_tc_tiling_on_sc=False,
                                  needs_layout_passes=False)


def _sc_edge(T, src_r, dst_r, gto_alpha, zblk):
    mesh = plsc.VectorSubcoreMesh(core_axis_name="c", subcore_axis_name="s")
    rows_per_sub = N_PAD // 16
    i32 = jnp.int32
    f32 = jnp.float32

    @functools.partial(
        pl.kernel,
        out_type=(jax.ShapeDtypeStruct((4, NE_PAD), f32),
                  jax.ShapeDtypeStruct((2, N_PAD, 8), f32)),
        mesh=mesh,
        compiler_params=_SC_PARAMS,
        scratch_types=[pltpu.VMEM((8, C), i32),
                       pltpu.VMEM((8, C), i32),
                       pltpu.VMEM((C, 8), f32),
                       pltpu.VMEM((C, 8), f32),
                       pltpu.VMEM((C, 8), f32),
                       pltpu.VMEM((1024,), f32),
                       pltpu.VMEM((1024,), f32),
                       pltpu.VMEM((1024,), f32),
                       pltpu.VMEM((1024,), f32),
                       pltpu.VMEM((32,), f32),
                       pltpu.VMEM_SHARED((N_PAD, 8), f32),
                       pltpu.SemaphoreType.DMA,
                       pltpu.SemaphoreType.DMA],
    )
    def k(T_hbm, si_hbm, di_hbm, alpha_hbm, z_hbm, geom_hbm, sph_hbm,
          si_v, di_v, rs_v, rd_v, mb, pb0, pb1, pb2, pb3, alpha_v, acc,
          sem1, sem2):
        cid = lax.axis_index("c")
        sid = lax.axis_index("s")
        wid = cid * 16 + sid
        pltpu.sync_copy(alpha_hbm, alpha_v)
        pltpu.sync_copy(z_hbm, acc.at[pl.ds(sid * rows_per_sub, rows_per_sub)])
        na0 = alpha_v[pl.ds(0, 16)]
        na1 = alpha_v[pl.ds(16, 16)]
        iota = lax.iota(i32, 16)
        zeros16 = jnp.zeros((16,), f32)
        for cc in range(4, 8):
            ccv = jnp.full((16,), cc, i32)
            for g in range(8):
                plsc.store_scatter(mb, [g * 16 + iota, ccv], zeros16)
        plsc.subcore_barrier()
        base = wid * EPW
        pbs = (pb0, pb1, pb2, pb3)

        def group(g, poff):
            rowi = g * 16 + iota
            cid8 = [jnp.full((16,), cc, i32) for cc in range(7)]
            ps = [plsc.load_gather(rs_v, [rowi, cid8[cc]]) for cc in range(7)]
            pd = [plsc.load_gather(rd_v, [rowi, cid8[cc]]) for cc in range(3)]
            vx = pd[0] - ps[0]
            vy = pd[1] - ps[1]
            vz = pd[2] - ps[2]
            d2 = vx * vx + vy * vy + vz * vz + 1e-12
            ii = plsc.bitcast(d2, i32)
            y = plsc.bitcast(1597463007 - jnp.right_shift(ii, 1), f32)
            for _ in range(3):
                y = y * (1.5 - (0.5 * d2) * (y * y))
            dist = d2 * y
            ux = vx * y
            uy = vy * y
            uz = vz * y
            t = dist * (1.0 / CUTOFF)
            t2 = t * t
            t3 = t2 * t
            t6 = t3 * t3
            t7 = t6 * t
            t8 = t7 * t
            fc = 1.0 - 28.0 * t6 + 48.0 * t7 - 21.0 * t8
            fc = jnp.where(t < 1.0, fc, jnp.zeros((16,), f32))
            rad0 = jnp.exp(na0 * d2) * fc
            g1 = (SQRT3 * jnp.exp(na1 * d2)) * fc
            plsc.store_scatter(mb, [rowi, cid8[0]], ps[3] * rad0)
            plsc.store_scatter(mb, [rowi, cid8[1]], ps[4] * (g1 * ux))
            plsc.store_scatter(mb, [rowi, cid8[2]], ps[5] * (g1 * uy))
            plsc.store_scatter(mb, [rowi, cid8[3]], ps[6] * (g1 * uz))
            off = poff + g * 16
            pb0[pl.ds(off, 16)] = dist
            pb1[pl.ds(off, 16)] = ux
            pb2[pl.ds(off, 16)] = uy
            pb3[pl.ds(off, 16)] = uz

        @pl.loop(0, NSUP)
        def _(sj):
            pltpu.sync_copy(si_hbm.at[wid, pl.ds(sj * 8, 8)], si_v)
            pltpu.sync_copy(di_hbm.at[wid, pl.ds(sj * 8, 8)], di_v)

            @pl.loop(0, 8)
            def _(jj):
                a = pltpu.async_copy(T_hbm.at[si_v.at[jj]], rs_v, sem1)
                b = pltpu.async_copy(T_hbm.at[di_v.at[jj]], rd_v, sem2)
                a.wait()
                b.wait()
                poff = jj * 128
                for g in range(8):
                    group(g, poff)
                pltpu.sync_copy(mb, acc.at[di_v.at[jj]], add=True)

            sbase = base + sj * 1024
            for cp in range(4):
                pltpu.sync_copy(pbs[cp], geom_hbm.at[cp, pl.ds(sbase, 1024)])

        plsc.subcore_barrier()

        @pl.when(sid == 0)
        def _():
            pltpu.sync_copy(acc, sph_hbm.at[cid])

    return k(T, src_r, dst_r, gto_alpha, zblk)


def _erbf_body(geom_ref, erbf_ref):
    d = geom_ref[0]
    invd = 1.0 / d
    t = d * (1.0 / CUTOFF)
    t2 = t * t
    t3 = t2 * t
    t6 = t3 * t3
    t7 = t6 * t
    t8 = t7 * t
    fc = 1.0 - 28.0 * t6 + 48.0 * t7 - 21.0 * t8
    fc = jnp.where(t < 1.0, fc, 0.0)
    theta = d * (jnp.pi / CUTOFF)
    s1 = jnp.sin(theta)
    c2 = 2.0 * jnp.cos(theta)
    pf = jnp.sqrt(2.0 / CUTOFF) * fc * invd
    sm2 = jnp.zeros_like(s1)
    sm1 = s1
    erbf_ref[0] = sm1 * pf
    for n in range(1, NBASIS):
        sn = c2 * sm1 - sm2
        sm2 = sm1
        sm1 = sn
        erbf_ref[n] = sn * pf


def _tc_erbf(geom_r):
    BR = 64
    ner = NE_PAD // 128
    return pl.pallas_call(
        _erbf_body,
        grid=(ner // BR,),
        in_specs=[pl.BlockSpec((1, BR, 128), lambda i: (0, i, 0))],
        out_specs=pl.BlockSpec((NBASIS, BR, 128), lambda i: (0, i, 0)),
        out_shape=jax.ShapeDtypeStruct((NBASIS, ner, 128), jnp.float32),
    )(geom_r)


def _br(a):
    return a.astype(jnp.bfloat16).astype(jnp.float32)


def _node_math(sph, w_ref, W01_ref, W11_ref, W02_ref, W12_ref):
    s = sph[:, 0:1]
    vx = sph[:, 1:2]
    vy = sph[:, 2:3]
    vz = sph[:, 3:4]
    w0 = w_ref[0]
    w1 = w_ref[1]
    w2 = w_ref[2]
    w3 = w_ref[3]
    o0a = w0 * s * s
    o0b = (w1 / SQRT3) * (vx * vx + vy * vy + vz * vz)
    W01 = _br(W01_ref[...] * (1.0 / jnp.sqrt(2.0)))
    ns = _br(o0a) * W01[0:1, :] + _br(o0b) * W01[1:2, :]
    W11 = _br(W11_ref[...] * (1.0 / jnp.sqrt(2.0)))
    sv = s
    nvx = _br(w2 * sv * vx) * W11[0:1, :] + _br(w3 * sv * vx) * W11[1:2, :]
    nvy = _br(w2 * sv * vy) * W11[0:1, :] + _br(w3 * sv * vy) * W11[1:2, :]
    nvz = _br(w2 * sv * vz) * W11[0:1, :] + _br(w3 * sv * vz) * W11[1:2, :]
    ns = jax.nn.sigmoid(ns)
    vnorm = jnp.sqrt(nvx * nvx + nvy * nvy + nvz * nvz + 1e-12)
    gate = jax.nn.sigmoid(vnorm)
    nvx = nvx * gate
    nvy = nvy * gate
    nvz = nvz * gate
    bf = jnp.bfloat16
    f32 = jnp.float32
    W02 = (W02_ref[...] * (1.0 / jnp.sqrt(128.0))).astype(bf)
    ns2 = jnp.dot(ns.astype(bf), W02, preferred_element_type=f32)
    W12 = (W12_ref[...] * (1.0 / 8.0)).astype(bf)
    nvx2 = jnp.dot(nvx.astype(bf), W12, preferred_element_type=f32)
    nvy2 = jnp.dot(nvy.astype(bf), W12, preferred_element_type=f32)
    nvz2 = jnp.dot(nvz.astype(bf), W12, preferred_element_type=f32)
    return ns2, nvx2, nvy2, nvz2


BN = 2000


def _stats_body(sph_ref, w_ref, W01_ref, W11_ref, W02_ref, W12_ref, st_ref):
    sph = sph_ref[0] + sph_ref[1]
    ns2, nvx2, nvy2, nvz2 = _node_math(sph, w_ref, W01_ref, W11_ref,
                                       W02_ref, W12_ref)
    ssum = jnp.sum(ns2, axis=0).reshape(1, 128)
    ssq = jnp.sum(ns2 * ns2, axis=0).reshape(1, 128)
    vn2 = jnp.sum(nvx2 * nvx2 + nvy2 * nvy2 + nvz2 * nvz2, axis=0)
    vn2 = jnp.concatenate([vn2, jnp.zeros((64,), jnp.float32)]).reshape(1, 128)
    contrib = jnp.concatenate(
        [ssum, ssq, vn2, jnp.zeros((5, 128), jnp.float32)], axis=0)

    @pl.when(pl.program_id(0) == 0)
    def _():
        st_ref[...] = jnp.zeros_like(st_ref)

    st_ref[...] += contrib


def _norm_body(sph_ref, st_ref, w_ref, W01_ref, W11_ref, W02_ref, W12_ref,
               gs_ref, bs_ref, gv_ref, ns_ref, nvx_ref, nvy_ref, nvz_ref):
    sph = sph_ref[0] + sph_ref[1]
    ns2, nvx2, nvy2, nvz2 = _node_math(sph, w_ref, W01_ref, W11_ref,
                                       W02_ref, W12_ref)
    st = st_ref[...]
    inv_n = 1.0 / N_NODES
    mean = st[0:1, :] * inv_n
    var = st[1:2, :] * inv_n - mean * mean
    scale = gs_ref[...] / jnp.sqrt(var + 1e-5)
    ns_ref[...] = (ns2 - mean) * scale + bs_ref[...]
    vn2m = st[2:3, 0:64] * inv_n
    vfac = gv_ref[...] / jnp.sqrt(vn2m + 1e-5)
    nvx_ref[...] = nvx2 * vfac
    nvy_ref[...] = nvy2 * vfac
    nvz_ref[...] = nvz2 * vfac


def _tc_node(parts, w_self, W0_1, W1_1, W0_2, W1_2, gamma_s, beta_s, gamma_v):
    nb = N_NODES // BN
    wspec = [
        pl.BlockSpec(memory_space=pltpu.SMEM),
        pl.BlockSpec((2, 128), lambda i: (0, 0)),
        pl.BlockSpec((2, 64), lambda i: (0, 0)),
        pl.BlockSpec((128, 128), lambda i: (0, 0)),
        pl.BlockSpec((64, 64), lambda i: (0, 0)),
    ]
    sph_spec = pl.BlockSpec((2, BN, 8), lambda i: (0, i, 0))
    stats = pl.pallas_call(
        _stats_body,
        grid=(nb,),
        in_specs=[sph_spec] + wspec,
        out_specs=pl.BlockSpec((8, 128), lambda i: (0, 0)),
        out_shape=jax.ShapeDtypeStruct((8, 128), jnp.float32),
    )(parts, w_self, W0_1, W1_1, W0_2, W1_2)
    ns, nvx, nvy, nvz = pl.pallas_call(
        _norm_body,
        grid=(nb,),
        in_specs=[sph_spec, pl.BlockSpec((8, 128), lambda i: (0, 0))] + wspec
        + [pl.BlockSpec((1, 128), lambda i: (0, 0)),
           pl.BlockSpec((1, 128), lambda i: (0, 0)),
           pl.BlockSpec((1, 64), lambda i: (0, 0))],
        out_specs=[
            pl.BlockSpec((BN, 128), lambda i: (i, 0)),
            pl.BlockSpec((BN, 64), lambda i: (i, 0)),
            pl.BlockSpec((BN, 64), lambda i: (i, 0)),
            pl.BlockSpec((BN, 64), lambda i: (i, 0)),
        ],
        out_shape=[
            jax.ShapeDtypeStruct((N_NODES, 128), jnp.float32),
            jax.ShapeDtypeStruct((N_NODES, 64), jnp.float32),
            jax.ShapeDtypeStruct((N_NODES, 64), jnp.float32),
            jax.ShapeDtypeStruct((N_NODES, 64), jnp.float32),
        ],
    )(parts, stats, w_self, W0_1, W1_1, W0_2, W1_2,
      gamma_s.reshape(1, 128), beta_s.reshape(1, 128), gamma_v.reshape(1, 64))
    return ns, nvx, nvy, nvz


def kernel(x, pos, edge_index, w_self, W0_1, W1_1, W0_2, W1_2,
           gamma_s, beta_s, gamma_v, gto_alpha):
    f32 = jnp.float32
    pos_p = pos[:, jnp.array([1, 2, 0])]
    T = jnp.zeros((N_PAD, 8), f32)
    T = T.at[:N_NODES, 0:3].set(pos_p).at[:N_NODES, 3:7].set(x)
    npad = NE_PAD - N_EDGES
    src = jnp.concatenate([edge_index[0], jnp.zeros((npad,), jnp.int32)])
    dst = jnp.concatenate([edge_index[1],
                           jnp.full((npad,), DUMMY, jnp.int32)])
    src_r = src.reshape(NW, NCH, C)
    dst_r = dst.reshape(NW, NCH, C)
    zblk = jnp.zeros((N_PAD // 16, 8), f32)
    alpha32 = jnp.repeat(-gto_alpha, 16)

    geom, parts = _sc_edge(T, src_r, dst_r, alpha32, zblk)

    geom_r = geom.reshape(4, NE_PAD // 128, 128)
    erbf_p = _tc_erbf(geom_r)
    erbf = erbf_p.reshape(NBASIS, NE_PAD)[:, :N_EDGES].T
    u_t = geom[1:4, :N_EDGES].T
    ersh = jnp.concatenate(
        [jnp.ones((N_EDGES, 1), f32), -SQRT3 * u_t], axis=1)

    ns, nvx, nvy, nvz = _tc_node(parts, w_self, W0_1, W1_1, W0_2, W1_2,
                                 gamma_s, beta_s, gamma_v)
    nv = jnp.stack([nvx, nvy, nvz], axis=-1).reshape(N_NODES, 192)
    node = jnp.concatenate([ns, nv], axis=1)
    return node, erbf, ersh

# --- scband reference (transcript-rebuilt; emitter-appended) ---
"""Pipeline reference for scband-xembedding-72808285602169 (READ-ONLY COPY).

The authoritative reference and input builder live on the scoring server;
editing this copy changes nothing except your own understanding.
"""

import jax, jax.numpy as jnp
import numpy as np

N_NODES = 50000
N_EDGES = 1600000
CUTOFF = 10.0
NBASIS = 16

def poly_cutoff(d, c=CUTOFF, p=6.0):
    u = d / c
    f = 1.0 - (p + 1.0) * (p + 2.0) / 2.0 * u ** p + p * (p + 2.0) * u ** (p + 1.0) - p * (p + 1.0) / 2.0 * u ** (p + 2.0)
    return jnp.where(u < 1.0, f, 0.0)

def setup_inputs(seed: int = 0):
    key = jax.random.key(seed)
    ks = jax.random.split(key, 16)
    x = jax.random.normal(ks[0], (N_NODES, 4), dtype=jnp.float32)
    pos = jax.random.normal(ks[1], (N_NODES, 3), dtype=jnp.float32)
    edge_index = jax.random.randint(ks[2], (2, N_EDGES), 0, N_NODES, dtype=jnp.int32)
    w_self = jax.random.normal(ks[3], (4,), dtype=jnp.float32)
    W0_1 = jax.random.normal(ks[4], (2, 128), dtype=jnp.float32)
    W1_1 = jax.random.normal(ks[5], (2, 64), dtype=jnp.float32)
    W0_2 = jax.random.normal(ks[6], (128, 128), dtype=jnp.float32)
    W1_2 = jax.random.normal(ks[7], (64, 64), dtype=jnp.float32)
    gamma_s = jnp.ones((128,), dtype=jnp.float32)
    beta_s = jnp.zeros((128,), dtype=jnp.float32)
    gamma_v = jnp.ones((64,), dtype=jnp.float32)
    gto_alpha = jnp.array([0.5, 1.5], dtype=jnp.float32)
    return {"x": x, "pos": pos, "edge_index": edge_index, "w_self": w_self, "W0_1": W0_1, "W1_1": W1_1, "W0_2": W0_2, "W1_2": W1_2, "gamma_s": gamma_s, "beta_s": beta_s, "gamma_v": gamma_v, "gto_alpha": gto_alpha}

def reference(x, pos, edge_index, w_self, W0_1, W1_1, W0_2, W1_2, gamma_s, beta_s, gamma_v, gto_alpha):
    pos = pos[:, jnp.array([1, 2, 0])]
    src = edge_index[0]
    dst = edge_index[1]
    vec = pos[dst] - pos[src]
    dist = jnp.sqrt(jnp.sum(vec * vec, axis=-1, keepdims=True) + 1e-12)
    u = vec / dist
    fc = poly_cutoff(dist)
    nrsh = jnp.concatenate([jnp.ones_like(dist), jnp.sqrt(3.0) * u], axis=-1)
    rad = jnp.exp(-gto_alpha[None, :] * dist * dist) * fc
    nrsh_conv = jnp.concatenate([nrsh[:, :1] * rad[:, :1], nrsh[:, 1:4] * rad[:, 1:2]], axis=-1)
    msg = x[src] * nrsh_conv
    sph_x = jax.ops.segment_sum(msg, dst, num_segments=N_NODES)
    s = sph_x[:, :1]
    v = sph_x[:, 1:4]
    o0a = w_self[0] * s * s
    o0b = w_self[1] * jnp.sum(v * v, axis=-1, keepdims=True) / jnp.sqrt(3.0)
    o1a = w_self[2] * s * v
    o1b = w_self[3] * s * v
    s2 = jnp.concatenate([o0a, o0b], axis=-1)
    v2 = jnp.stack([o1a, o1b], axis=1)
    ns = s2 @ (W0_1 / jnp.sqrt(2.0))
    nv = jnp.einsum("nci,ch->nhi", v2, W1_1 / jnp.sqrt(2.0))
    ns = jax.nn.sigmoid(ns)
    vnorm = jnp.sqrt(jnp.sum(nv * nv, axis=-1, keepdims=True) + 1e-12)
    nv = nv * jax.nn.sigmoid(vnorm)
    ns = ns @ (W0_2 / jnp.sqrt(128.0))
    nv = jnp.einsum("nci,ch->nhi", nv, W1_2 / jnp.sqrt(64.0))
    mean = jnp.mean(ns, axis=0)
    var = jnp.var(ns, axis=0)
    ns = (ns - mean) / jnp.sqrt(var + 1e-5) * gamma_s + beta_s
    vn2 = jnp.mean(jnp.sum(nv * nv, axis=-1), axis=0)
    nv = nv / jnp.sqrt(vn2 + 1e-5)[None, :, None] * gamma_v[None, :, None]
    node = jnp.concatenate([ns, nv.reshape(nv.shape[0], -1)], axis=-1)
    n = jnp.arange(1, NBASIS + 1, dtype=jnp.float32)
    erbf = jnp.sqrt(2.0 / CUTOFF) * jnp.sin(n[None, :] * jnp.pi * dist / CUTOFF) / dist * fc
    ersh = jnp.concatenate([jnp.ones_like(dist), -jnp.sqrt(3.0) * u], axis=-1)
    return (node, erbf, ersh)

if __name__ == "__main__":
    import jax
    _d = setup_inputs()
    print(jax.jit(kernel)(*tuple(_d.values())))

</pallas_src>

<mosaic_0001>
#map = affine_map<(d0, d1) -> (0, 0)>
#map1 = affine_map<(d0, d1) -> (0, 0, 0)>
#map2 = affine_map<(d0, d1) -> (0)>
module attributes {stable_mosaic.version = 14 : i64} {
  func.func @k(%arg0: i32, %arg1: i32, %arg2: memref<50176x8xf32, #tpu.memory_space<hbm>>, %arg3: memref<32x392x128xi32, #tpu.memory_space<hbm>>, %arg4: memref<32x392x128xi32, #tpu.memory_space<hbm>>, %arg5: memref<32xf32, #tpu.memory_space<hbm>>, %arg6: memref<3136x8xf32, #tpu.memory_space<hbm>>, %arg7: memref<4x1605632xf32, #tpu.memory_space<hbm>>, %arg8: memref<2x50176x8xf32, #tpu.memory_space<hbm>>, %arg9: memref<8x128xi32, #tpu.memory_space<vmem>>, %arg10: memref<8x128xi32, #tpu.memory_space<vmem>>, %arg11: memref<128x8xf32, #tpu.memory_space<vmem>>, %arg12: memref<128x8xf32, #tpu.memory_space<vmem>>, %arg13: memref<128x8xf32, #tpu.memory_space<vmem>>, %arg14: memref<1024xf32, #tpu.memory_space<vmem>>, %arg15: memref<1024xf32, #tpu.memory_space<vmem>>, %arg16: memref<1024xf32, #tpu.memory_space<vmem>>, %arg17: memref<1024xf32, #tpu.memory_space<vmem>>, %arg18: memref<32xf32, #tpu.memory_space<vmem>>, %arg19: memref<50176x8xf32, #tpu.memory_space<vmem_shared>>, %arg20: memref<!tpu.dma_semaphore, #tpu.memory_space<semaphore_mem>>, %arg21: memref<!tpu.dma_semaphore, #tpu.memory_space<semaphore_mem>>) attributes {dimension_semantics = [#tpu.dimension_semantics<core_parallel>, #tpu.dimension_semantics<subcore_parallel>], iteration_bounds = array<i64: 2, 16>, scalar_prefetch = 0 : i64, scratch_operands = 13 : i64, tpu.core_type = #tpu.core_type<sc_vector_subcore>, window_params = [{transform_indices = #map}, {transform_indices = #map1}, {transform_indices = #map1}, {transform_indices = #map2}, {transform_indices = #map}, {transform_indices = #map}, {transform_indices = #map1}]} {
    %mul3A = arith.constant 16 : i32
    %mul3A_0 = arith.muli %arg0, %mul3A : i32
    %add3A = arith.addi %mul3A_0, %arg1 : i32
    "tpu.region"() ({
      %run_scoped3A = tpu.sem_alloc : memref<!tpu.dma_semaphore, #tpu.memory_space<semaphore_mem>>
      tpu.enqueue_dma source(%arg5 : memref<32xf32, #tpu.memory_space<hbm>>) target(%arg18 : memref<32xf32, #tpu.memory_space<vmem>>) target_semaphore(%run_scoped3A : memref<!tpu.dma_semaphore, #tpu.memory_space<semaphore_mem>>)
      tpu.wait_dma2 semaphore(%run_scoped3A : memref<!tpu.dma_semaphore, #tpu.memory_space<semaphore_mem>>) src(%arg5 : memref<32xf32, #tpu.memory_space<hbm>>) dst(%arg18 : memref<32xf32, #tpu.memory_space<vmem>>)
      tpu.yield
    }) : () -> ()
    %mul3A_1 = arith.constant 3136 : i32
    %mul3A_2 = arith.muli %arg1, %mul3A_1 : i32
    "tpu.region"() ({
      %run_scoped3A = tpu.sem_alloc : memref<!tpu.dma_semaphore, #tpu.memory_space<semaphore_mem>>
      %dma_start3A = arith.constant 0 : i32
      %dma_start3A_120 = tpu.memref_slice %arg19[%mul3A_2, %dma_start3A] : memref<50176x8xf32, #tpu.memory_space<vmem_shared>> -> memref<3136x8xf32, #tpu.memory_space<vmem_shared>>
      tpu.enqueue_dma source(%arg6 : memref<3136x8xf32, #tpu.memory_space<hbm>>) target(%dma_start3A_120 : memref<3136x8xf32, #tpu.memory_space<vmem_shared>>) target_semaphore(%run_scoped3A : memref<!tpu.dma_semaphore, #tpu.memory_space<semaphore_mem>>)
      %dma_wait3A = arith.constant 0 : i32
      %dma_wait3A_121 = tpu.memref_slice %arg19[%mul3A_2, %dma_wait3A] : memref<50176x8xf32, #tpu.memory_space<vmem_shared>> -> memref<3136x8xf32, #tpu.memory_space<vmem_shared>>
      tpu.wait_dma2 semaphore(%run_scoped3A : memref<!tpu.dma_semaphore, #tpu.memory_space<semaphore_mem>>) src(%arg6 : memref<3136x8xf32, #tpu.memory_space<hbm>>) dst(%dma_wait3A_121 : memref<3136x8xf32, #tpu.memory_space<vmem_shared>>)
      tpu.yield
    }) : () -> ()
    %get3A = arith.constant 0 : index
    %get3A_3 = tpu.vector_load %arg18[%get3A] {strides = array<i32>} : memref<32xf32, #tpu.memory_space<vmem>>, vector<16xf32>,
    %get3A_4 = arith.constant 16 : index
    %get3A_5 = tpu.vector_load %arg18[%get3A_4] {strides = array<i32>} : memref<32xf32, #tpu.memory_space<vmem>>, vector<16xf32>,
    %iota3A = tpu.iota {dimensions = array<i32: 0>} : vector<16xi32>
    %broadcast_in_dim3A = arith.constant 0.000000e+00 : f32
    %broadcast_in_dim3A_6 = vector.broadcast %broadcast_in_dim3A : f32 to vector<16xf32>
    %broadcast_in_dim3A_7 = arith.constant 4 : i32
    %broadcast_in_dim3A_8 = vector.broadcast %broadcast_in_dim3A_7 : i32 to vector<16xi32>
    %add3A_9 = arith.constant 0 : i32
    %add3A_10 = vector.broadcast %add3A_9 : i32 to vector<16xi32>
    %add3A_11 = arith.addi %add3A_10, %iota3A : vector<16xi32>
    tpu.vector_store_idx %arg13[%add3A_11, %broadcast_in_dim3A_8], %broadcast_in_dim3A_6 : memref<128x8xf32, #tpu.memory_space<vmem>>[vector<16xi32>, vector<16xi32>], vector<16xf32>,
    %add3A_12 = arith.constant 16 : i32
    %add3A_13 = vector.broadcast %add3A_12 : i32 to vector<16xi32>
    %add3A_14 = arith.addi %add3A_13, %iota3A : vector<16xi32>
    tpu.vector_store_idx %arg13[%add3A_14, %broadcast_in_dim3A_8], %broadcast_in_dim3A_6 : memref<128x8xf32, #tpu.memory_space<vmem>>[vector<16xi32>, vector<16xi32>], vector<16xf32>,
    %add3A_15 = arith.constant 32 : i32
    %add3A_16 = vector.broadcast %add3A_15 : i32 to vector<16xi32>
    %add3A_17 = arith.addi %add3A_16, %iota3A : vector<16xi32>
    tpu.vector_store_idx %arg13[%add3A_17, %broadcast_in_dim3A_8], %broadcast_in_dim3A_6 : memref<128x8xf32, #tpu.memory_space<vmem>>[vector<16xi32>, vector<16xi32>], vector<16xf32>,
    %add3A_18 = arith.constant 48 : i32
    %add3A_19 = vector.broadcast %add3A_18 : i32 to vector<16xi32>
    %add3A_20 = arith.addi %add3A_19, %iota3A : vector<16xi32>
    tpu.vector_store_idx %arg13[%add3A_20, %broadcast_in_dim3A_8], %broadcast_in_dim3A_6 : memref<128x8xf32, #tpu.memory_space<vmem>>[vector<16xi32>, vector<16xi32>], vector<16xf32>,
    %add3A_21 = arith.constant 64 : i32
    %add3A_22 = vector.broadcast %add3A_21 : i32 to vector<16xi32>
    %add3A_23 = arith.addi %add3A_22, %iota3A : vector<16xi32>
    tpu.vector_store_idx %arg13[%add3A_23, %broadcast_in_dim3A_8], %broadcast_in_dim3A_6 : memref<128x8xf32, #tpu.memory_space<vmem>>[vector<16xi32>, vector<16xi32>], vector<16xf32>,
    %add3A_24 = arith.constant 80 : i32
    %add3A_25 = vector.broadcast %add3A_24 : i32 to vector<16xi32>
    %add3A_26 = arith.addi %add3A_25, %iota3A : vector<16xi32>
    tpu.vector_store_idx %arg13[%add3A_26, %broadcast_in_dim3A_8], %broadcast_in_dim3A_6 : memref<128x8xf32, #tpu.memory_space<vmem>>[vector<16xi32>, vector<16xi32>], vector<16xf32>,
    %add3A_27 = arith.constant 96 : i32
    %add3A_28 = vector.broadcast %add3A_27 : i32 to vector<16xi32>
    %add3A_29 = arith.addi %add3A_28, %iota3A : vector<16xi32>
    tpu.vector_store_idx %arg13[%add3A_29, %broadcast_in_dim3A_8], %broadcast_in_dim3A_6 : memref<128x8xf32, #tpu.memory_space<vmem>>[vector<16xi32>, vector<16xi32>], vector<16xf32>,
    %add3A_30 = arith.constant 112 : i32
    %add3A_31 = vector.broadcast %add3A_30 : i32 to vector<16xi32>
    %add3A_32 = arith.addi %add3A_31, %iota3A : vector<16xi32>
    tpu.vector_store_idx %arg13[%add3A_32, %broadcast_in_dim3A_8], %broadcast_in_dim3A_6 : memref<128x8xf32, #tpu.memory_space<vmem>>[vector<16xi32>, vector<16xi32>], vector<16xf32>,
    %broadcast_in_dim3A_33 = arith.constant 5 : i32
    %broadcast_in_dim3A_34 = vector.broadcast %broadcast_in_dim3A_33 : i32 to vector<16xi32>
    %add3A_35 = arith.constant 0 : i32
    %add3A_36 = vector.broadcast %add3A_35 : i32 to vector<16xi32>
    %add3A_37 = arith.addi %add3A_36, %iota3A : vector<16xi32>
    tpu.vector_store_idx %arg13[%add3A_37, %broadcast_in_dim3A_34], %broadcast_in_dim3A_6 : memref<128x8xf32, #tpu.memory_space<vmem>>[vector<16xi32>, vector<16xi32>], vector<16xf32>,
    %add3A_38 = arith.constant 16 : i32
    %add3A_39 = vector.broadcast %add3A_38 : i32 to vector<16xi32>
    %add3A_40 = arith.addi %add3A_39, %iota3A : vector<16xi32>
    tpu.vector_store_idx %arg13[%add3A_40, %broadcast_in_dim3A_34], %broadcast_in_dim3A_6 : memref<128x8xf32, #tpu.memory_space<vmem>>[vector<16xi32>, vector<16xi32>], vector<16xf32>,
    %add3A_41 = arith.constant 32 : i32
    %add3A_42 = vector.broadcast %add3A_41 : i32 to vector<16xi32>
    %add3A_43 = arith.addi %add3A_42, %iota3A : vector<16xi32>
    tpu.vector_store_idx %arg13[%add3A_43, %broadcast_in_dim3A_34], %broadcast_in_dim3A_6 : memref<128x8xf32, #tpu.memory_space<vmem>>[vector<16xi32>, vector<16xi32>], vector<16xf32>,
    %add3A_44 = arith.constant 48 : i32
    %add3A_45 = vector.broadcast %add3A_44 : i32 to vector<16xi32>
    %add3A_46 = arith.addi %add3A_45, %iota3A : vector<16xi32>
    tpu.vector_store_idx %arg13[%add3A_46, %broadcast_in_dim3A_34], %broadcast_in_dim3A_6 : memref<128x8xf32, #tpu.memory_space<vmem>>[vector<16xi32>, vector<16xi32>], vector<16xf32>,
    %add3A_47 = arith.constant 64 : i32
    %add3A_48 = vector.broadcast %add3A_47 : i32 to vector<16xi32>
    %add3A_49 = arith.addi %add3A_48, %iota3A : vector<16xi32>
    tpu.vector_store_idx %arg13[%add3A_49, %broadcast_in_dim3A_34], %broadcast_in_dim3A_6 : memref<128x8xf32, #tpu.memory_space<vmem>>[vector<16xi32>, vector<16xi32>], vector<16xf32>,
    %add3A_50 = arith.constant 80 : i32
    %add3A_51 = vector.broadcast %add3A_50 : i32 to vector<16xi32>
    %add3A_52 = arith.addi %add3A_51, %iota3A : vector<16xi32>
    tpu.vector_store_idx %arg13[%add3A_52, %broadcast_in_dim3A_34], %broadcast_in_dim3A_6 : memref<128x8xf32, #tpu.memory_space<vmem>>[vector<16xi32>, vector<16xi32>], vector<16xf32>,
    %add3A_53 = arith.constant 96 : i32
    %add3A_54 = vector.broadcast %add3A_53 : i32 to vector<16xi32>
    %add3A_55 = arith.addi %add3A_54, %iota3A : vector<16xi32>
    tpu.vector_store_idx %arg13[%add3A_55, %broadcast_in_dim3A_34], %broadcast_in_dim3A_6 : memref<128x8xf32, #tpu.memory_space<vmem>>[vector<16xi32>, vector<16xi32>], vector<16xf32>,
    %add3A_56 = arith.constant 112 : i32
    %add3A_57 = vector.broadcast %add3A_56 : i32 to vector<16xi32>
    %add3A_58 = arith.addi %add3A_57, %iota3A : vector<16xi32>
    tpu.vector_store_idx %arg13[%add3A_58, %broadcast_in_dim3A_34], %broadcast_in_dim3A_6 : memref<128x8xf32, #tpu.memory_space<vmem>>[vector<16xi32>, vector<16xi32>], vector<16xf32>,
    %broadcast_in_dim3A_59 = arith.constant 6 : i32
    %broadcast_in_dim3A_60 = vector.broadcast %broadcast_in_dim3A_59 : i32 to vector<16xi32>
    %add3A_61 = arith.constant 0 : i32
    %add3A_62 = vector.broadcast %add3A_61 : i32 to vector<16xi32>
    %add3A_63 = arith.addi %add3A_62, %iota3A : vector<16xi32>
    tpu.vector_store_idx %arg13[%add3A_63, %broadcast_in_dim3A_60], %broadcast_in_dim3A_6 : memref<128x8xf32, #tpu.memory_space<vmem>>[vector<16xi32>, vector<16xi32>], vector<16xf32>,
    %add3A_64 = arith.constant 16 : i32
    %add3A_65 = vector.broadcast %add3A_64 : i32 to vector<16xi32>
    %add3A_66 = arith.addi %add3A_65, %iota3A : vector<16xi32>
    tpu.vector_store_idx %arg13[%add3A_66, %broadcast_in_dim3A_60], %broadcast_in_dim3A_6 : memref<128x8xf32, #tpu.memory_space<vmem>>[vector<16xi32>, vector<16xi32>], vector<16xf32>,
    %add3A_67 = arith.constant 32 : i32
    %add3A_68 = vector.broadcast %add3A_67 : i32 to vector<16xi32>
    %add3A_69 = arith.addi %add3A_68, %iota3A : vector<16xi32>
    tpu.vector_store_idx %arg13[%add3A_69, %broadcast_in_dim3A_60], %broadcast_in_dim3A_6 : memref<128x8xf32, #tpu.memory_space<vmem>>[vector<16xi32>, vector<16xi32>], vector<16xf32>,
    %add3A_70 = arith.constant 48 : i32
    %add3A_71 = vector.broadcast %add3A_70 : i32 to vector<16xi32>
    %add3A_72 = arith.addi %add3A_71, %iota3A : vector<16xi32>
    tpu.vector_store_idx %arg13[%add3A_72, %broadcast_in_dim3A_60], %broadcast_in_dim3A_6 : memref<128x8xf32, #tpu.memory_space<vmem>>[vector<16xi32>, vector<16xi32>], vector<16xf32>,
    %add3A_73 = arith.constant 64 : i32
    %add3A_74 = vector.broadcast %add3A_73 : i32 to vector<16xi32>
    %add3A_75 = arith.addi %add3A_74, %iota3A : vector<16xi32>
    tpu.vector_store_idx %arg13[%add3A_75, %broadcast_in_dim3A_60], %broadcast_in_dim3A_6 : memref<128x8xf32, #tpu.memory_space<vmem>>[vector<16xi32>, vector<16xi32>], vector<16xf32>,
    %add3A_76 = arith.constant 80 : i32
    %add3A_77 = vector.broadcast %add3A_76 : i32 to vector<16xi32>
    %add3A_78 = arith.addi %add3A_77, %iota3A : vector<16xi32>
    tpu.vector_store_idx %arg13[%add3A_78, %broadcast_in_dim3A_60], %broadcast_in_dim3A_6 : memref<128x8xf32, #tpu.memory_space<vmem>>[vector<16xi32>, vector<16xi32>], vector<16xf32>,
    %add3A_79 = arith.constant 96 : i32
    %add3A_80 = vector.broadcast %add3A_79 : i32 to vector<16xi32>
    %add3A_81 = arith.addi %add3A_80, %iota3A : vector<16xi32>
    tpu.vector_store_idx %arg13[%add3A_81, %broadcast_in_dim3A_60], %broadcast_in_dim3A_6 : memref<128x8xf32, #tpu.memory_space<vmem>>[vector<16xi32>, vector<16xi32>], vector<16xf32>,
    %add3A_82 = arith.constant 112 : i32
    %add3A_83 = vector.broadcast %add3A_82 : i32 to vector<16xi32>
    %add3A_84 = arith.addi %add3A_83, %iota3A : vector<16xi32>
    tpu.vector_store_idx %arg13[%add3A_84, %broadcast_in_dim3A_60], %broadcast_in_dim3A_6 : memref<128x8xf32, #tpu.memory_space<vmem>>[vector<16xi32>, vector<16xi32>], vector<16xf32>,
    %broadcast_in_dim3A_85 = arith.constant 7 : i32
    %broadcast_in_dim3A_86 = vector.broadcast %broadcast_in_dim3A_85 : i32 to vector<16xi32>
    %add3A_87 = arith.constant 0 : i32
    %add3A_88 = vector.broadcast %add3A_87 : i32 to vector<16xi32>
    %add3A_89 = arith.addi %add3A_88, %iota3A : vector<16xi32>
    tpu.vector_store_idx %arg13[%add3A_89, %broadcast_in_dim3A_86], %broadcast_in_dim3A_6 : memref<128x8xf32, #tpu.memory_space<vmem>>[vector<16xi32>, vector<16xi32>], vector<16xf32>,
    %add3A_90 = arith.constant 16 : i32
    %add3A_91 = vector.broadcast %add3A_90 : i32 to vector<16xi32>
    %add3A_92 = arith.addi %add3A_91, %iota3A : vector<16xi32>
    tpu.vector_store_idx %arg13[%add3A_92, %broadcast_in_dim3A_86], %broadcast_in_dim3A_6 : memref<128x8xf32, #tpu.memory_space<vmem>>[vector<16xi32>, vector<16xi32>], vector<16xf32>,
    %add3A_93 = arith.constant 32 : i32
    %add3A_94 = vector.broadcast %add3A_93 : i32 to vector<16xi32>
    %add3A_95 = arith.addi %add3A_94, %iota3A : vector<16xi32>
    tpu.vector_store_idx %arg13[%add3A_95, %broadcast_in_dim3A_86], %broadcast_in_dim3A_6 : memref<128x8xf32, #tpu.memory_space<vmem>>[vector<16xi32>, vector<16xi32>], vector<16xf32>,
    %add3A_96 = arith.constant 48 : i32
    %add3A_97 = vector.broadcast %add3A_96 : i32 to vector<16xi32>
    %add3A_98 = arith.addi %add3A_97, %iota3A : vector<16xi32>
    tpu.vector_store_idx %arg13[%add3A_98, %broadcast_in_dim3A_86], %broadcast_in_dim3A_6 : memref<128x8xf32, #tpu.memory_space<vmem>>[vector<16xi32>, vector<16xi32>], vector<16xf32>,
    %add3A_99 = arith.constant 64 : i32
    %add3A_100 = vector.broadcast %add3A_99 : i32 to vector<16xi32>
    %add3A_101 = arith.addi %add3A_100, %iota3A : vector<16xi32>
    tpu.vector_store_idx %arg13[%add3A_101, %broadcast_in_dim3A_86], %broadcast_in_dim3A_6 : memref<128x8xf32, #tpu.memory_space<vmem>>[vector<16xi32>, vector<16xi32>], vector<16xf32>,
    %add3A_102 = arith.constant 80 : i32
    %add3A_103 = vector.broadcast %add3A_102 : i32 to vector<16xi32>
    %add3A_104 = arith.addi %add3A_103, %iota3A : vector<16xi32>
    tpu.vector_store_idx %arg13[%add3A_104, %broadcast_in_dim3A_86], %broadcast_in_dim3A_6 : memref<128x8xf32, #tpu.memory_space<vmem>>[vector<16xi32>, vector<16xi32>], vector<16xf32>,
    %add3A_105 = arith.constant 96 : i32
    %add3A_106 = vector.broadcast %add3A_105 : i32 to vector<16xi32>
    %add3A_107 = arith.addi %add3A_106, %iota3A : vector<16xi32>
    tpu.vector_store_idx %arg13[%add3A_107, %broadcast_in_dim3A_86], %broadcast_in_dim3A_6 : memref<128x8xf32, #tpu.memory_space<vmem>>[vector<16xi32>, vector<16xi32>], vector<16xf32>,
    %add3A_108 = arith.constant 112 : i32
    %add3A_109 = vector.broadcast %add3A_108 : i32 to vector<16xi32>
    %add3A_110 = arith.addi %add3A_109, %iota3A : vector<16xi32>
    tpu.vector_store_idx %arg13[%add3A_110, %broadcast_in_dim3A_86], %broadcast_in_dim3A_6 : memref<128x8xf32, #tpu.memory_space<vmem>>[vector<16xi32>, vector<16xi32>], vector<16xf32>,
    %barrier3A = arith.constant 0 : index
    tpu.barrier barrier_id(%barrier3A)
    %mul3A_111 = arith.constant 50176 : i32
    %mul3A_112 = arith.muli %add3A, %mul3A_111 : i32
    %scan3A = arith.constant 0 : i32
    %scan3A_113 = arith.constant 49 : i32
    %scan3A_114 = arith.addi %scan3A, %scan3A_113 : i32
    %scan3A_115 = arith.constant 1 : i32
    scf.for %scan3A_120 = %scan3A to %scan3A_114 step %scan3A_115  : i32 {
      %mul3A_121 = arith.constant 1 : i32
      %mul3A_122 = arith.muli %scan3A_120, %mul3A_121 : i32
      %add3A_123 = arith.constant 0 : i32
      %add3A_124 = arith.addi %add3A_123, %mul3A_122 : i32
      %mul3A_125 = arith.constant 8 : i32
      %mul3A_126 = arith.muli %add3A_124, %mul3A_125 : i32
      "tpu.region"() ({
        %run_scoped3A_140 = tpu.sem_alloc : memref<!tpu.dma_semaphore, #tpu.memory_space<semaphore_mem>>
        %dma_start3A = arith.constant 0 : i32
        %dma_start3A_141 = tpu.memref_slice %arg3[%add3A, %mul3A_126, %dma_start3A] : memref<32x392x128xi32, #tpu.memory_space<hbm>> -> memref<1x8x128xi32, #tpu.memory_space<hbm>>
        %dma_start3A_142 = tpu.memref_squeeze %dma_start3A_141 : memref<1x8x128xi32, #tpu.memory_space<hbm>> -> memref<8x128xi32, #tpu.memory_space<hbm>>
        %dma_start3A_143 = arith.constant 0 : i32
        %dma_start3A_144 = tpu.memref_slice %arg3[%add3A, %mul3A_126, %dma_start3A_143] : memref<32x392x128xi32, #tpu.memory_space<hbm>> -> memref<1x8x128xi32, #tpu.memory_space<hbm>>
        %dma_start3A_145 = tpu.memref_squeeze %dma_start3A_144 : memref<1x8x128xi32, #tpu.memory_space<hbm>> -> memref<8x128xi32, #tpu.memory_space<hbm>>
        tpu.enqueue_dma source(%dma_start3A_145 : memref<8x128xi32, #tpu.memory_space<hbm>>) target(%arg9 : memref<8x128xi32, #tpu.memory_space<vmem>>) target_semaphore(%run_scoped3A_140 : memref<!tpu.dma_semaphore, #tpu.memory_space<semaphore_mem>>)
        %dma_wait3A = arith.constant 0 : i32
        %dma_wait3A_146 = tpu.memref_slice %arg3[%add3A, %mul3A_126, %dma_wait3A] : memref<32x392x128xi32, #tpu.memory_space<hbm>> -> memref<1x8x128xi32, #tpu.memory_space<hbm>>
        %dma_wait3A_147 = tpu.memref_squeeze %dma_wait3A_146 : memref<1x8x128xi32, #tpu.memory_space<hbm>> -> memref<8x128xi32, #tpu.memory_space<hbm>>
        %dma_wait3A_148 = arith.constant 0 : i32
        %dma_wait3A_149 = tpu.memref_slice %arg3[%add3A, %mul3A_126, %dma_wait3A_148] : memref<32x392x128xi32, #tpu.memory_space<hbm>> -> memref<1x8x128xi32, #tpu.memory_space<hbm>>
        %dma_wait3A_150 = tpu.memref_squeeze %dma_wait3A_149 : memref<1x8x128xi32, #tpu.memory_space<hbm>> -> memref<8x128xi32, #tpu.memory_space<hbm>>
        tpu.wait_dma2 semaphore(%run_scoped3A_140 : memref<!tpu.dma_semaphore, #tpu.memory_space<semaphore_mem>>) src(%dma_wait3A_150 : memref<8x128xi32, #tpu.memory_space<hbm>>) dst(%arg9 : memref<8x128xi32, #tpu.memory_space<vmem>>)
        tpu.yield
      }) : () -> ()
      %mul3A_127 = arith.constant 8 : i32
      %mul3A_128 = arith.muli %add3A_124, %mul3A_127 : i32
      "tpu.region"() ({
        %run_scoped3A_140 = tpu.sem_alloc : memref<!tpu.dma_semaphore, #tpu.memory_space<semaphore_mem>>
        %dma_start3A = arith.constant 0 : i32
        %dma_start3A_141 = tpu.memref_slice %arg4[%add3A, %mul3A_128, %dma_start3A] : memref<32x392x128xi32, #tpu.memory_space<hbm>> -> memref<1x8x128xi32, #tpu.memory_space<hbm>>
        %dma_start3A_142 = tpu.memref_squeeze %dma_start3A_141 : memref<1x8x128xi32, #tpu.memory_space<hbm>> -> memref<8x128xi32, #tpu.memory_space<hbm>>
        %dma_start3A_143 = arith.constant 0 : i32
        %dma_start3A_144 = tpu.memref_slice %arg4[%add3A, %mul3A_128, %dma_start3A_143] : memref<32x392x128xi32, #tpu.memory_space<hbm>> -> memref<1x8x128xi32, #tpu.memory_space<hbm>>
        %dma_start3A_145 = tpu.memref_squeeze %dma_start3A_144 : memref<1x8x128xi32, #tpu.memory_space<hbm>> -> memref<8x128xi32, #tpu.memory_space<hbm>>
        tpu.enqueue_dma source(%dma_start3A_145 : memref<8x128xi32, #tpu.memory_space<hbm>>) target(%arg10 : memref<8x128xi32, #tpu.memory_space<vmem>>) target_semaphore(%run_scoped3A_140 : memref<!tpu.dma_semaphore, #tpu.memory_space<semaphore_mem>>)
        %dma_wait3A = arith.constant 0 : i32
        %dma_wait3A_146 = tpu.memref_slice %arg4[%add3A, %mul3A_128, %dma_wait3A] : memref<32x392x128xi32, #tpu.memory_space<hbm>> -> memref<1x8x128xi32, #tpu.memory_space<hbm>>
        %dma_wait3A_147 = tpu.memref_squeeze %dma_wait3A_146 : memref<1x8x128xi32, #tpu.memory_space<hbm>> -> memref<8x128xi32, #tpu.memory_space<hbm>>
        %dma_wait3A_148 = arith.constant 0 : i32
        %dma_wait3A_149 = tpu.memref_slice %arg4[%add3A, %mul3A_128, %dma_wait3A_148] : memref<32x392x128xi32, #tpu.memory_space<hbm>> -> memref<1x8x128xi32, #tpu.memory_space<hbm>>
        %dma_wait3A_150 = tpu.memref_squeeze %dma_wait3A_149 : memref<1x8x128xi32, #tpu.memory_space<hbm>> -> memref<8x128xi32, #tpu.memory_space<hbm>>
        tpu.wait_dma2 semaphore(%run_scoped3A_140 : memref<!tpu.dma_semaphore, #tpu.memory_space<semaphore_mem>>) src(%dma_wait3A_150 : memref<8x128xi32, #tpu.memory_space<hbm>>) dst(%arg10 : memref<8x128xi32, #tpu.memory_space<vmem>>)
        tpu.yield
      }) : () -> ()
      %scan3A_129 = arith.constant 0 : i32
      %scan3A_130 = arith.constant 8 : i32
      %scan3A_131 = arith.addi %scan3A_129, %scan3A_130 : i32
      %scan3A_132 = arith.constant 1 : i32
      scf.for %scan3A_140 = %scan3A_129 to %scan3A_131 step %scan3A_132  : i32 {
        %mul3A_141 = arith.constant 1 : i32
        %mul3A_142 = arith.muli %scan3A_140, %mul3A_141 : i32
        %add3A_143 = arith.constant 0 : i32
        %add3A_144 = arith.addi %add3A_143, %mul3A_142 : i32
        %dma_start3A = arith.constant 0 : i32
        %dma_start3A_145 = tpu.memref_slice %arg9[%add3A_144, %dma_start3A] : memref<8x128xi32, #tpu.memory_space<vmem>> -> memref<1x128xi32, #tpu.memory_space<vmem>>
        %dma_start3A_146 = tpu.memref_squeeze %dma_start3A_145 : memref<1x128xi32, #tpu.memory_space<vmem>> -> memref<128xi32, #tpu.memory_space<vmem>>
        %dma_start3A_147 = arith.constant 0 : i32
        %dma_start3A_148 = arith.constant 0 : i32
        %dma_start3A_149 = tpu.memref_slice %arg2[%dma_start3A_147, %dma_start3A_148] : memref<50176x8xf32, #tpu.memory_space<hbm>> -> memref<50176x8xf32, #tpu.memory_space<hbm>>
        tpu.enqueue_indirect_dma source(%dma_start3A_149 : memref<50176x8xf32, #tpu.memory_space<hbm>>) target(%arg11 : memref<128x8xf32, #tpu.memory_space<vmem>>) offsets(%dma_start3A_146 : memref<128xi32, #tpu.memory_space<vmem>>) semaphore(%arg20 : memref<!tpu.dma_semaphore, #tpu.memory_space<semaphore_mem>>)
        %dma_start3A_150 = arith.constant 0 : i32
        %dma_start3A_151 = tpu.memref_slice %arg10[%add3A_144, %dma_start3A_150] : memref<8x128xi32, #tpu.memory_space<vmem>> -> memref<1x128xi32, #tpu.memory_space<vmem>>
        %dma_start3A_152 = tpu.memref_squeeze %dma_start3A_151 : memref<1x128xi32, #tpu.memory_space<vmem>> -> memref<128xi32, #tpu.memory_space<vmem>>
        %dma_start3A_153 = arith.constant 0 : i32
        %dma_start3A_154 = arith.constant 0 : i32
        %dma_start3A_155 = tpu.memref_slice %arg2[%dma_start3A_153, %dma_start3A_154] : memref<50176x8xf32, #tpu.memory_space<hbm>> -> memref<50176x8xf32, #tpu.memory_space<hbm>>
        tpu.enqueue_indirect_dma source(%dma_start3A_155 : memref<50176x8xf32, #tpu.memory_space<hbm>>) target(%arg12 : memref<128x8xf32, #tpu.memory_space<vmem>>) offsets(%dma_start3A_152 : memref<128xi32, #tpu.memory_space<vmem>>) semaphore(%arg21 : memref<!tpu.dma_semaphore, #tpu.memory_space<semaphore_mem>>)
        %dma_wait3A = arith.constant 0 : i32
        %dma_wait3A_156 = tpu.memref_slice %arg9[%add3A_144, %dma_wait3A] : memref<8x128xi32, #tpu.memory_space<vmem>> -> memref<1x128xi32, #tpu.memory_space<vmem>>
        %dma_wait3A_157 = tpu.memref_squeeze %dma_wait3A_156 : memref<1x128xi32, #tpu.memory_space<vmem>> -> memref<128xi32, #tpu.memory_space<vmem>>
        %dma_wait3A_158 = arith.constant 0 : i32
        %dma_wait3A_159 = arith.constant 0 : i32
        %dma_wait3A_160 = tpu.memref_slice %arg2[%dma_wait3A_158, %dma_wait3A_159] : memref<50176x8xf32, #tpu.memory_space<hbm>> -> memref<50176x8xf32, #tpu.memory_space<hbm>>
        tpu.wait_indirect_dma semaphore(%arg20 : memref<!tpu.dma_semaphore, #tpu.memory_space<semaphore_mem>>) src(%dma_wait3A_160 : memref<50176x8xf32, #tpu.memory_space<hbm>>) dst(%arg11 : memref<128x8xf32, #tpu.memory_space<vmem>>)
        %dma_wait3A_161 = arith.constant 0 : i32
        %dma_wait3A_162 = tpu.memref_slice %arg10[%add3A_144, %dma_wait3A_161] : memref<8x128xi32, #tpu.memory_space<vmem>> -> memref<1x128xi32, #tpu.memory_space<vmem>>
        %dma_wait3A_163 = tpu.memref_squeeze %dma_wait3A_162 : memref<1x128xi32, #tpu.memory_space<vmem>> -> memref<128xi32, #tpu.memory_space<vmem>>
        %dma_wait3A_164 = arith.constant 0 : i32
        %dma_wait3A_165 = arith.constant 0 : i32
        %dma_wait3A_166 = tpu.memref_slice %arg2[%dma_wait3A_164, %dma_wait3A_165] : memref<50176x8xf32, #tpu.memory_space<hbm>> -> memref<50176x8xf32, #tpu.memory_space<hbm>>
        tpu.wait_indirect_dma semaphore(%arg21 : memref<!tpu.dma_semaphore, #tpu.memory_space<semaphore_mem>>) src(%dma_wait3A_166 : memref<50176x8xf32, #tpu.memory_space<hbm>>) dst(%arg12 : memref<128x8xf32, #tpu.memory_space<vmem>>)
        %mul3A_167 = arith.constant 128 : i32
        %mul3A_168 = arith.muli %add3A_144, %mul3A_167 : i32
        %add3A_169 = arith.constant 0 : i32
        %add3A_170 = vector.broadcast %add3A_169 : i32 to vector<16xi32>
        %add3A_171 = arith.addi %add3A_170, %iota3A : vector<16xi32>
        %broadcast_in_dim3A_172 = arith.constant 0 : i32
        %broadcast_in_dim3A_173 = vector.broadcast %broadcast_in_dim3A_172 : i32 to vector<16xi32>
        %broadcast_in_dim3A_174 = arith.constant 1 : i32
        %broadcast_in_dim3A_175 = vector.broadcast %broadcast_in_dim3A_174 : i32 to vector<16xi32>
        %broadcast_in_dim3A_176 = arith.constant 2 : i32
        %broadcast_in_dim3A_177 = vector.broadcast %broadcast_in_dim3A_176 : i32 to vector<16xi32>
        %broadcast_in_dim3A_178 = arith.constant 3 : i32
        %broadcast_in_dim3A_179 = vector.broadcast %broadcast_in_dim3A_178 : i32 to vector<16xi32>
        %broadcast_in_dim3A_180 = arith.constant 4 : i32
        %broadcast_in_dim3A_181 = vector.broadcast %broadcast_in_dim3A_180 : i32 to vector<16xi32>
        %broadcast_in_dim3A_182 = arith.constant 5 : i32
        %broadcast_in_dim3A_183 = vector.broadcast %broadcast_in_dim3A_182 : i32 to vector<16xi32>
        %broadcast_in_dim3A_184 = arith.constant 6 : i32
        %broadcast_in_dim3A_185 = vector.broadcast %broadcast_in_dim3A_184 : i32 to vector<16xi32>
        %gather3A = tpu.vector_load_idx %arg11[%add3A_171, %broadcast_in_dim3A_173] : memref<128x8xf32, #tpu.memory_space<vmem>>[vector<16xi32>, vector<16xi32>], vector<16xf32>,
        %gather3A_186 = tpu.vector_load_idx %arg11[%add3A_171, %broadcast_in_dim3A_175] : memref<128x8xf32, #tpu.memory_space<vmem>>[vector<16xi32>, vector<16xi32>], vector<16xf32>,
        %gather3A_187 = tpu.vector_load_idx %arg11[%add3A_171, %broadcast_in_dim3A_177] : memref<128x8xf32, #tpu.memory_space<vmem>>[vector<16xi32>, vector<16xi32>], vector<16xf32>,
        %gather3A_188 = tpu.vector_load_idx %arg11[%add3A_171, %broadcast_in_dim3A_179] : memref<128x8xf32, #tpu.memory_space<vmem>>[vector<16xi32>, vector<16xi32>], vector<16xf32>,
        %gather3A_189 = tpu.vector_load_idx %arg11[%add3A_171, %broadcast_in_dim3A_181] : memref<128x8xf32, #tpu.memory_space<vmem>>[vector<16xi32>, vector<16xi32>], vector<16xf32>,
        %gather3A_190 = tpu.vector_load_idx %arg11[%add3A_171, %broadcast_in_dim3A_183] : memref<128x8xf32, #tpu.memory_space<vmem>>[vector<16xi32>, vector<16xi32>], vector<16xf32>,
        %gather3A_191 = tpu.vector_load_idx %arg11[%add3A_171, %broadcast_in_dim3A_185] : memref<128x8xf32, #tpu.memory_space<vmem>>[vector<16xi32>, vector<16xi32>], vector<16xf32>,
        %gather3A_192 = tpu.vector_load_idx %arg12[%add3A_171, %broadcast_in_dim3A_173] : memref<128x8xf32, #tpu.memory_space<vmem>>[vector<16xi32>, vector<16xi32>], vector<16xf32>,
        %gather3A_193 = tpu.vector_load_idx %arg12[%add3A_171, %broadcast_in_dim3A_175] : memref<128x8xf32, #tpu.memory_space<vmem>>[vector<16xi32>, vector<16xi32>], vector<16xf32>,
        %gather3A_194 = tpu.vector_load_idx %arg12[%add3A_171, %broadcast_in_dim3A_177] : memref<128x8xf32, #tpu.memory_space<vmem>>[vector<16xi32>, vector<16xi32>], vector<16xf32>,
        %sub3A = arith.subf %gather3A_192, %gather3A : vector<16xf32>
        %sub3A_195 = arith.subf %gather3A_193, %gather3A_186 : vector<16xf32>
        %sub3A_196 = arith.subf %gather3A_194, %gather3A_187 : vector<16xf32>
        %mul3A_197 = arith.mulf %sub3A, %sub3A : vector<16xf32>
        %mul3A_198 = arith.mulf %sub3A_195, %sub3A_195 : vector<16xf32>
        %add3A_199 = arith.addf %mul3A_197, %mul3A_198 : vector<16xf32>
        %mul3A_200 = arith.mulf %sub3A_196, %sub3A_196 : vector<16xf32>
        %add3A_201 = arith.addf %add3A_199, %mul3A_200 : vector<16xf32>
        %add3A_202 = arith.constant 9.99999996E-13 : f32
        %add3A_203 = vector.broadcast %add3A_202 : f32 to vector<16xf32>
        %add3A_204 = arith.addf %add3A_201, %add3A_203 : vector<16xf32>
        %bitcast3A = vector.bitcast %add3A_204 : vector<16xf32> to vector<16xi32>
        %shift_right_arithmetic3A = arith.constant 1 : i32
        %shift_right_arithmetic3A_205 = vector.broadcast %shift_right_arithmetic3A : i32 to vector<16xi32>
        %shift_right_arithmetic3A_206 = arith.shrsi %bitcast3A, %shift_right_arithmetic3A_205 : vector<16xi32>
        %sub3A_207 = arith.constant 1597463007 : i32
        %sub3A_208 = vector.broadcast %sub3A_207 : i32 to vector<16xi32>
        %sub3A_209 = arith.subi %sub3A_208, %shift_right_arithmetic3A_206 : vector<16xi32>
        %bitcast3A_210 = vector.bitcast %sub3A_209 : vector<16xi32> to vector<16xf32>
        %mul3A_211 = arith.constant 5.000000e-01 : f32
        %mul3A_212 = vector.broadcast %mul3A_211 : f32 to vector<16xf32>
        %mul3A_213 = arith.mulf %mul3A_212, %add3A_204 : vector<16xf32>
        %mul3A_214 = arith.mulf %bitcast3A_210, %bitcast3A_210 : vector<16xf32>
        %mul3A_215 = arith.mulf %mul3A_213, %mul3A_214 : vector<16xf32>
        %sub3A_216 = arith.constant 1.500000e+00 : f32
        %sub3A_217 = vector.broadcast %sub3A_216 : f32 to vector<16xf32>
        %sub3A_218 = arith.subf %sub3A_217, %mul3A_215 : vector<16xf32>
        %mul3A_219 = arith.mulf %bitcast3A_210, %sub3A_218 : vector<16xf32>
        %mul3A_220 = arith.constant 5.000000e-01 : f32
        %mul3A_221 = vector.broadcast %mul3A_220 : f32 to vector<16xf32>
        %mul3A_222 = arith.mulf %mul3A_221, %add3A_204 : vector<16xf32>
        %mul3A_223 = arith.mulf %mul3A_219, %mul3A_219 : vector<16xf32>
        %mul3A_224 = arith.mulf %mul3A_222, %mul3A_223 : vector<16xf32>
        %sub3A_225 = arith.constant 1.500000e+00 : f32
        %sub3A_226 = vector.broadcast %sub3A_225 : f32 to vector<16xf32>
        %sub3A_227 = arith.subf %sub3A_226, %mul3A_224 : vector<16xf32>
        %mul3A_228 = arith.mulf %mul3A_219, %sub3A_227 : vector<16xf32>
        %mul3A_229 = arith.constant 5.000000e-01 : f32
        %mul3A_230 = vector.broadcast %mul3A_229 : f32 to vector<16xf32>
        %mul3A_231 = arith.mulf %mul3A_230, %add3A_204 : vector<16xf32>
        %mul3A_232 = arith.mulf %mul3A_228, %mul3A_228 : vector<16xf32>
        %mul3A_233 = arith.mulf %mul3A_231, %mul3A_232 : vector<16xf32>
        %sub3A_234 = arith.constant 1.500000e+00 : f32
        %sub3A_235 = vector.broadcast %sub3A_234 : f32 to vector<16xf32>
        %sub3A_236 = arith.subf %sub3A_235, %mul3A_233 : vector<16xf32>
        %mul3A_237 = arith.mulf %mul3A_228, %sub3A_236 : vector<16xf32>
        %mul3A_238 = arith.mulf %add3A_204, %mul3A_237 : vector<16xf32>
        %mul3A_239 = arith.mulf %sub3A, %mul3A_237 : vector<16xf32>
        %mul3A_240 = arith.mulf %sub3A_195, %mul3A_237 : vector<16xf32>
        %mul3A_241 = arith.mulf %sub3A_196, %mul3A_237 : vector<16xf32>
        %mul3A_242 = arith.constant 1.000000e-01 : f32
        %mul3A_243 = vector.broadcast %mul3A_242 : f32 to vector<16xf32>
        %mul3A_244 = arith.mulf %mul3A_238, %mul3A_243 : vector<16xf32>
        %mul3A_245 = arith.mulf %mul3A_244, %mul3A_244 : vector<16xf32>
        %mul3A_246 = arith.mulf %mul3A_245, %mul3A_244 : vector<16xf32>
        %mul3A_247 = arith.mulf %mul3A_246, %mul3A_246 : vector<16xf32>
        %mul3A_248 = arith.mulf %mul3A_247, %mul3A_244 : vector<16xf32>
        %mul3A_249 = arith.mulf %mul3A_248, %mul3A_244 : vector<16xf32>
        %mul3A_250 = arith.constant 2.800000e+01 : f32
        %mul3A_251 = vector.broadcast %mul3A_250 : f32 to vector<16xf32>
        %mul3A_252 = arith.mulf %mul3A_251, %mul3A_247 : vector<16xf32>
        %sub3A_253 = arith.constant 1.000000e+00 : f32
        %sub3A_254 = vector.broadcast %sub3A_253 : f32 to vector<16xf32>
        %sub3A_255 = arith.subf %sub3A_254, %mul3A_252 : vector<16xf32>
        %mul3A_256 = arith.constant 4.800000e+01 : f32
        %mul3A_257 = vector.broadcast %mul3A_256 : f32 to vector<16xf32>
        %mul3A_258 = arith.mulf %mul3A_257, %mul3A_248 : vector<16xf32>
        %add3A_259 = arith.addf %sub3A_255, %mul3A_258 : vector<16xf32>
        %mul3A_260 = arith.constant 2.100000e+01 : f32
        %mul3A_261 = vector.broadcast %mul3A_260 : f32 to vector<16xf32>
        %mul3A_262 = arith.mulf %mul3A_261, %mul3A_249 : vector<16xf32>
        %sub3A_263 = arith.subf %add3A_259, %mul3A_262 : vector<16xf32>
        %lt3A = arith.constant 1.000000e+00 : f32
        %lt3A_264 = vector.broadcast %lt3A : f32 to vector<16xf32>
        %lt3A_265 = arith.cmpf olt, %mul3A_244, %lt3A_264 : vector<16xf32>
        %broadcast_in_dim3A_266 = arith.constant 0.000000e+00 : f32
        %broadcast_in_dim3A_267 = vector.broadcast %broadcast_in_dim3A_266 : f32 to vector<16xf32>
        %select_n3A = arith.select %lt3A_265, %sub3A_263, %broadcast_in_dim3A_267 : vector<16xi1>, vector<16xf32>
        %mul3A_268 = arith.mulf %get3A_3, %add3A_204 : vector<16xf32>
        %exp3A = math.exp %mul3A_268 : vector<16xf32>
        %mul3A_269 = arith.mulf %exp3A, %select_n3A : vector<16xf32>
        %mul3A_270 = arith.mulf %get3A_5, %add3A_204 : vector<16xf32>
        %exp3A_271 = math.exp %mul3A_270 : vector<16xf32>
        %mul3A_272 = arith.constant 1.73205078 : f32
        %mul3A_273 = vector.broadcast %mul3A_272 : f32 to vector<16xf32>
        %mul3A_274 = arith.mulf %mul3A_273, %exp3A_271 : vector<16xf32>
        %mul3A_275 = arith.mulf %mul3A_274, %select_n3A : vector<16xf32>
        %mul3A_276 = arith.mulf %gather3A_188, %mul3A_269 : vector<16xf32>
        tpu.vector_store_idx %arg13[%add3A_171, %broadcast_in_dim3A_173], %mul3A_276 : memref<128x8xf32, #tpu.memory_space<vmem>>[vector<16xi32>, vector<16xi32>], vector<16xf32>,
        %mul3A_277 = arith.mulf %mul3A_275, %mul3A_239 : vector<16xf32>
        %mul3A_278 = arith.mulf %gather3A_189, %mul3A_277 : vector<16xf32>
        tpu.vector_store_idx %arg13[%add3A_171, %broadcast_in_dim3A_175], %mul3A_278 : memref<128x8xf32, #tpu.memory_space<vmem>>[vector<16xi32>, vector<16xi32>], vector<16xf32>,
        %mul3A_279 = arith.mulf %mul3A_275, %mul3A_240 : vector<16xf32>
        %mul3A_280 = arith.mulf %gather3A_190, %mul3A_279 : vector<16xf32>
        tpu.vector_store_idx %arg13[%add3A_171, %broadcast_in_dim3A_177], %mul3A_280 : memref<128x8xf32, #tpu.memory_space<vmem>>[vector<16xi32>, vector<16xi32>], vector<16xf32>,
        %mul3A_281 = arith.mulf %mul3A_275, %mul3A_241 : vector<16xf32>
        %mul3A_282 = arith.mulf %gather3A_191, %mul3A_281 : vector<16xf32>
        tpu.vector_store_idx %arg13[%add3A_171, %broadcast_in_dim3A_179], %mul3A_282 : memref<128x8xf32, #tpu.memory_space<vmem>>[vector<16xi32>, vector<16xi32>], vector<16xf32>,
        %add3A_283 = arith.constant 0 : i32
        %add3A_284 = arith.addi %mul3A_168, %add3A_283 : i32
        %swap3A = arith.index_cast %add3A_284 : i32 to index
        %swap3A_285 = tpu.vector_load %arg14[%swap3A] {strides = array<i32>} : memref<1024xf32, #tpu.memory_space<vmem>>, vector<16xf32>,
        tpu.vector_store %arg14[%swap3A], %mul3A_238 {strides = array<i32>} : memref<1024xf32, #tpu.memory_space<vmem>>, vector<16xf32>,
        %swap3A_286 = arith.index_cast %add3A_284 : i32 to index
        %swap3A_287 = tpu.vector_load %arg15[%swap3A_286] {strides = array<i32>} : memref<1024xf32, #tpu.memory_space<vmem>>, vector<16xf32>,
        tpu.vector_store %arg15[%swap3A_286], %mul3A_239 {strides = array<i32>} : memref<1024xf32, #tpu.memory_space<vmem>>, vector<16xf32>,
        %swap3A_288 = arith.index_cast %add3A_284 : i32 to index
        %swap3A_289 = tpu.vector_load %arg16[%swap3A_288] {strides = array<i32>} : memref<1024xf32, #tpu.memory_space<vmem>>, vector<16xf32>,
        tpu.vector_store %arg16[%swap3A_288], %mul3A_240 {strides = array<i32>} : memref<1024xf32, #tpu.memory_space<vmem>>, vector<16xf32>,
        %swap3A_290 = arith.index_cast %add3A_284 : i32 to index
        %swap3A_291 = tpu.vector_load %arg17[%swap3A_290] {strides = array<i32>} : memref<1024xf32, #tpu.memory_space<vmem>>, vector<16xf32>,
        tpu.vector_store %arg17[%swap3A_290], %mul3A_241 {strides = array<i32>} : memref<1024xf32, #tpu.memory_space<vmem>>, vector<16xf32>,
        %add3A_292 = arith.constant 16 : i32
        %add3A_293 = vector.broadcast %add3A_292 : i32 to vector<16xi32>
        %add3A_294 = arith.addi %add3A_293, %iota3A : vector<16xi32>
        %broadcast_in_dim3A_295 = arith.constant 0 : i32
        %broadcast_in_dim3A_296 = vector.broadcast %broadcast_in_dim3A_295 : i32 to vector<16xi32>
        %broadcast_in_dim3A_297 = arith.constant 1 : i32
        %broadcast_in_dim3A_298 = vector.broadcast %broadcast_in_dim3A_297 : i32 to vector<16xi32>
        %broadcast_in_dim3A_299 = arith.constant 2 : i32
        %broadcast_in_dim3A_300 = vector.broadcast %broadcast_in_dim3A_299 : i32 to vector<16xi32>
        %broadcast_in_dim3A_301 = arith.constant 3 : i32
        %broadcast_in_dim3A_302 = vector.broadcast %broadcast_in_dim3A_301 : i32 to vector<16xi32>
        %broadcast_in_dim3A_303 = arith.constant 4 : i32
        %broadcast_in_dim3A_304 = vector.broadcast %broadcast_in_dim3A_303 : i32 to vector<16xi32>
        %broadcast_in_dim3A_305 = arith.constant 5 : i32
        %broadcast_in_dim3A_306 = vector.broadcast %broadcast_in_dim3A_305 : i32 to vector<16xi32>
        %broadcast_in_dim3A_307 = arith.constant 6 : i32
        %broadcast_in_dim3A_308 = vector.broadcast %broadcast_in_dim3A_307 : i32 to vector<16xi32>
        %gather3A_309 = tpu.vector_load_idx %arg11[%add3A_294, %broadcast_in_dim3A_296] : memref<128x8xf32, #tpu.memory_space<vmem>>[vector<16xi32>, vector<16xi32>], vector<16xf32>,
        %gather3A_310 = tpu.vector_load_idx %arg11[%add3A_294, %broadcast_in_dim3A_298] : memref<128x8xf32, #tpu.memory_space<vmem>>[vector<16xi32>, vector<16xi32>], vector<16xf32>,
        %gather3A_311 = tpu.vector_load_idx %arg11[%add3A_294, %broadcast_in_dim3A_300] : memref<128x8xf32, #tpu.memory_space<vmem>>[vector<16xi32>, vector<16xi32>], vector<16xf32>,
        %gather3A_312 = tpu.vector_load_idx %arg11[%add3A_294, %broadcast_in_dim3A_302] : memref<128x8xf32, #tpu.memory_space<vmem>>[vector<16xi32>, vector<16xi32>], vector<16xf32>,
        %gather3A_313 = tpu.vector_load_idx %arg11[%add3A_294, %broadcast_in_dim3A_304] : memref<128x8xf32, #tpu.memory_space<vmem>>[vector<16xi32>, vector<16xi32>], vector<16xf32>,
        %gather3A_314 = tpu.vector_load_idx %arg11[%add3A_294, %broadcast_in_dim3A_306] : memref<128x8xf32, #tpu.memory_space<vmem>>[vector<16xi32>, vector<16xi32>], vector<16xf32>,
        %gather3A_315 = tpu.vector_load_idx %arg11[%add3A_294, %broadcast_in_dim3A_308] : memref<128x8xf32, #tpu.memory_space<vmem>>[vector<16xi32>, vector<16xi32>], vector<16xf32>,
        %gather3A_316 = tpu.vector_load_idx %arg12[%add3A_294, %broadcast_in_dim3A_296] : memref<128x8xf32, #tpu.memory_space<vmem>>[vector<16xi32>, vector<16xi32>], vector<16xf32>,
        %gather3A_317 = tpu.vector_load_idx %arg12[%add3A_294, %broadcast_in_dim3A_298] : memref<128x8xf32, #tpu.memory_space<vmem>>[vector<16xi32>, vector<16xi32>], vector<16xf32>,
        %gather3A_318 = tpu.vector_load_idx %arg12[%add3A_294, %broadcast_in_dim3A_300] : memref<128x8xf32, #tpu.memory_space<vmem>>[vector<16xi32>, vector<16xi32>], vector<16xf32>,
        %sub3A_319 = arith.subf %gather3A_316, %gather3A_309 : vector<16xf32>
        %sub3A_320 = arith.subf %gather3A_317, %gather3A_310 : vector<16xf32>
        %sub3A_321 = arith.subf %gather3A_318, %gather3A_311 : vector<16xf32>
        %mul3A_322 = arith.mulf %sub3A_319, %sub3A_319 : vector<16xf32>
        %mul3A_323 = arith.mulf %sub3A_320, %sub3A_320 : vector<16xf32>
        %add3A_324 = arith.addf %mul3A_322, %mul3A_323 : vector<16xf32>
        %mul3A_325 = arith.mulf %sub3A_321, %sub3A_321 : vector<16xf32>
        %add3A_326 = arith.addf %add3A_324, %mul3A_325 : vector<16xf32>
        %add3A_327 = arith.constant 9.99999996E-13 : f32
        %add3A_328 = vector.broadcast %add3A_327 : f32 to vector<16xf32>
        %add3A_329 = arith.addf %add3A_326, %add3A_328 : vector<16xf32>
        %bitcast3A_330 = vector.bitcast %add3A_329 : vector<16xf32> to vector<16xi32>
        %shift_right_arithmetic3A_331 = arith.constant 1 : i32
        %shift_right_arithmetic3A_332 = vector.broadcast %shift_right_arithmetic3A_331 : i32 to vector<16xi32>
        %shift_right_arithmetic3A_333 = arith.shrsi %bitcast3A_330, %shift_right_arithmetic3A_332 : vector<16xi32>
        %sub3A_334 = arith.constant 1597463007 : i32
        %sub3A_335 = vector.broadcast %sub3A_334 : i32 to vector<16xi32>
        %sub3A_336 = arith.subi %sub3A_335, %shift_right_arithmetic3A_333 : vector<16xi32>
        %bitcast3A_337 = vector.bitcast %sub3A_336 : vector<16xi32> to vector<16xf32>
        %mul3A_338 = arith.constant 5.000000e-01 : f32
        %mul3A_339 = vector.broadcast %mul3A_338 : f32 to vector<16xf32>
        %mul3A_340 = arith.mulf %mul3A_339, %add3A_329 : vector<16xf32>
        %mul3A_341 = arith.mulf %bitcast3A_337, %bitcast3A_337 : vector<16xf32>
        %mul3A_342 = arith.mulf %mul3A_340, %mul3A_341 : vector<16xf32>
        %sub3A_343 = arith.constant 1.500000e+00 : f32
        %sub3A_344 = vector.broadcast %sub3A_343 : f32 to vector<16xf32>
        %sub3A_345 = arith.subf %sub3A_344, %mul3A_342 : vector<16xf32>
        %mul3A_346 = arith.mulf %bitcast3A_337, %sub3A_345 : vector<16xf32>
        %mul3A_347 = arith.constant 5.000000e-01 : f32
        %mul3A_348 = vector.broadcast %mul3A_347 : f32 to vector<16xf32>
        %mul3A_349 = arith.mulf %mul3A_348, %add3A_329 : vector<16xf32>
        %mul3A_350 = arith.mulf %mul3A_346, %mul3A_346 : vector<16xf32>
        %mul3A_351 = arith.mulf %mul3A_349, %mul3A_350 : vector<16xf32>
        %sub3A_352 = arith.constant 1.500000e+00 : f32
        %sub3A_353 = vector.broadcast %sub3A_352 : f32 to vector<16xf32>
        %sub3A_354 = arith.subf %sub3A_353, %mul3A_351 : vector<16xf32>
        %mul3A_355 = arith.mulf %mul3A_346, %sub3A_354 : vector<16xf32>
        %mul3A_356 = arith.constant 5.000000e-01 : f32
        %mul3A_357 = vector.broadcast %mul3A_356 : f32 to vector<16xf32>
        %mul3A_358 = arith.mulf %mul3A_357, %add3A_329 : vector<16xf32>
        %mul3A_359 = arith.mulf %mul3A_355, %mul3A_355 : vector<16xf32>
        %mul3A_360 = arith.mulf %mul3A_358, %mul3A_359 : vector<16xf32>
        %sub3A_361 = arith.constant 1.500000e+00 : f32
        %sub3A_362 = vector.broadcast %sub3A_361 : f32 to vector<16xf32>
        %sub3A_363 = arith.subf %sub3A_362, %mul3A_360 : vector<16xf32>
        %mul3A_364 = arith.mulf %mul3A_355, %sub3A_363 : vector<16xf32>
        %mul3A_365 = arith.mulf %add3A_329, %mul3A_364 : vector<16xf32>
        %mul3A_366 = arith.mulf %sub3A_319, %mul3A_364 : vector<16xf32>
        %mul3A_367 = arith.mulf %sub3A_320, %mul3A_364 : vector<16xf32>
        %mul3A_368 = arith.mulf %sub3A_321, %mul3A_364 : vector<16xf32>
        %mul3A_369 = arith.constant 1.000000e-01 : f32
        %mul3A_370 = vector.broadcast %mul3A_369 : f32 to vector<16xf32>
        %mul3A_371 = arith.mulf %mul3A_365, %mul3A_370 : vector<16xf32>
        %mul3A_372 = arith.mulf %mul3A_371, %mul3A_371 : vector<16xf32>
        %mul3A_373 = arith.mulf %mul3A_372, %mul3A_371 : vector<16xf32>
        %mul3A_374 = arith.mulf %mul3A_373, %mul3A_373 : vector<16xf32>
        %mul3A_375 = arith.mulf %mul3A_374, %mul3A_371 : vector<16xf32>
        %mul3A_376 = arith.mulf %mul3A_375, %mul3A_371 : vector<16xf32>
        %mul3A_377 = arith.constant 2.800000e+01 : f32
        %mul3A_378 = vector.broadcast %mul3A_377 : f32 to vector<16xf32>
        %mul3A_379 = arith.mulf %mul3A_378, %mul3A_374 : vector<16xf32>
        %sub3A_380 = arith.constant 1.000000e+00 : f32
        %sub3A_381 = vector.broadcast %sub3A_380 : f32 to vector<16xf32>
        %sub3A_382 = arith.subf %sub3A_381, %mul3A_379 : vector<16xf32>
        %mul3A_383 = arith.constant 4.800000e+01 : f32
        %mul3A_384 = vector.broadcast %mul3A_383 : f32 to vector<16xf32>
        %mul3A_385 = arith.mulf %mul3A_384, %mul3A_375 : vector<16xf32>
        %add3A_386 = arith.addf %sub3A_382, %mul3A_385 : vector<16xf32>
        %mul3A_387 = arith.constant 2.100000e+01 : f32
        %mul3A_388 = vector.broadcast %mul3A_387 : f32 to vector<16xf32>
        %mul3A_389 = arith.mulf %mul3A_388, %mul3A_376 : vector<16xf32>
        %sub3A_390 = arith.subf %add3A_386, %mul3A_389 : vector<16xf32>
        %lt3A_391 = arith.constant 1.000000e+00 : f32
        %lt3A_392 = vector.broadcast %lt3A_391 : f32 to vector<16xf32>
        %lt3A_393 = arith.cmpf olt, %mul3A_371, %lt3A_392 : vector<16xf32>
        %broadcast_in_dim3A_394 = arith.constant 0.000000e+00 : f32
        %broadcast_in_dim3A_395 = vector.broadcast %broadcast_in_dim3A_394 : f32 to vector<16xf32>
        %select_n3A_396 = arith.select %lt3A_393, %sub3A_390, %broadcast_in_dim3A_395 : vector<16xi1>, vector<16xf32>
        %mul3A_397 = arith.mulf %get3A_3, %add3A_329 : vector<16xf32>
        %exp3A_398 = math.exp %mul3A_397 : vector<16xf32>
        %mul3A_399 = arith.mulf %exp3A_398, %select_n3A_396 : vector<16xf32>
        %mul3A_400 = arith.mulf %get3A_5, %add3A_329 : vector<16xf32>
        %exp3A_401 = math.exp %mul3A_400 : vector<16xf32>
        %mul3A_402 = arith.constant 1.73205078 : f32
        %mul3A_403 = vector.broadcast %mul3A_402 : f32 to vector<16xf32>
        %mul3A_404 = arith.mulf %mul3A_403, %exp3A_401 : vector<16xf32>
        %mul3A_405 = arith.mulf %mul3A_404, %select_n3A_396 : vector<16xf32>
        %mul3A_406 = arith.mulf %gather3A_312, %mul3A_399 : vector<16xf32>
        tpu.vector_store_idx %arg13[%add3A_294, %broadcast_in_dim3A_296], %mul3A_406 : memref<128x8xf32, #tpu.memory_space<vmem>>[vector<16xi32>, vector<16xi32>], vector<16xf32>,
        %mul3A_407 = arith.mulf %mul3A_405, %mul3A_366 : vector<16xf32>
        %mul3A_408 = arith.mulf %gather3A_313, %mul3A_407 : vector<16xf32>
        tpu.vector_store_idx %arg13[%add3A_294, %broadcast_in_dim3A_298], %mul3A_408 : memref<128x8xf32, #tpu.memory_space<vmem>>[vector<16xi32>, vector<16xi32>], vector<16xf32>,
        %mul3A_409 = arith.mulf %mul3A_405, %mul3A_367 : vector<16xf32>
        %mul3A_410 = arith.mulf %gather3A_314, %mul3A_409 : vector<16xf32>
        tpu.vector_store_idx %arg13[%add3A_294, %broadcast_in_dim3A_300], %mul3A_410 : memref<128x8xf32, #tpu.memory_space<vmem>>[vector<16xi32>, vector<16xi32>], vector<16xf32>,
        %mul3A_411 = arith.mulf %mul3A_405, %mul3A_368 : vector<16xf32>
        %mul3A_412 = arith.mulf %gather3A_315, %mul3A_411 : vector<16xf32>
        tpu.vector_store_idx %arg13[%add3A_294, %broadcast_in_dim3A_302], %mul3A_412 : memref<128x8xf32, #tpu.memory_space<vmem>>[vector<16xi32>, vector<16xi32>], vector<16xf32>,
        %add3A_413 = arith.constant 16 : i32
        %add3A_414 = arith.addi %mul3A_168, %add3A_413 : i32
        %swap3A_415 = arith.index_cast %add3A_414 : i32 to index
        %swap3A_416 = tpu.vector_load %arg14[%swap3A_415] {strides = array<i32>} : memref<1024xf32, #tpu.memory_space<vmem>>, vector<16xf32>,
        tpu.vector_store %arg14[%swap3A_415], %mul3A_365 {strides = array<i32>} : memref<1024xf32, #tpu.memory_space<vmem>>, vector<16xf32>,
        %swap3A_417 = arith.index_cast %add3A_414 : i32 to index
        %swap3A_418 = tpu.vector_load %arg15[%swap3A_417] {strides = array<i32>} : memref<1024xf32, #tpu.memory_space<vmem>>, vector<16xf32>,
        tpu.vector_store %arg15[%swap3A_417], %mul3A_366 {strides = array<i32>} : memref<1024xf32, #tpu.memory_space<vmem>>, vector<16xf32>,
        %swap3A_419 = arith.index_cast %add3A_414 : i32 to index
        %swap3A_420 = tpu.vector_load %arg16[%swap3A_419] {strides = array<i32>} : memref<1024xf32, #tpu.memory_space<vmem>>, vector<16xf32>,
        tpu.vector_store %arg16[%swap3A_419], %mul3A_367 {strides = array<i32>} : memref<1024xf32, #tpu.memory_space<vmem>>, vector<16xf32>,
        %swap3A_421 = arith.index_cast %add3A_414 : i32 to index
        %swap3A_422 = tpu.vector_load %arg17[%swap3A_421] {strides = array<i32>} : memref<1024xf32, #tpu.memory_space<vmem>>, vector<16xf32>,
        tpu.vector_store %arg17[%swap3A_421], %mul3A_368 {strides = array<i32>} : memref<1024xf32, #tpu.memory_space<vmem>>, vector<16xf32>,
        %add3A_423 = arith.constant 32 : i32
        %add3A_424 = vector.broadcast %add3A_423 : i32 to vector<16xi32>
        %add3A_425 = arith.addi %add3A_424, %iota3A : vector<16xi32>
        %broadcast_in_dim3A_426 = arith.constant 0 : i32
        %broadcast_in_dim3A_427 = vector.broadcast %broadcast_in_dim3A_426 : i32 to vector<16xi32>
        %broadcast_in_dim3A_428 = arith.constant 1 : i32
        %broadcast_in_dim3A_429 = vector.broadcast %broadcast_in_dim3A_428 : i32 to vector<16xi32>
        %broadcast_in_dim3A_430 = arith.constant 2 : i32
        %broadcast_in_dim3A_431 = vector.broadcast %broadcast_in_dim3A_430 : i32 to vector<16xi32>
        %broadcast_in_dim3A_432 = arith.constant 3 : i32
        %broadcast_in_dim3A_433 = vector.broadcast %broadcast_in_dim3A_432 : i32 to vector<16xi32>
        %broadcast_in_dim3A_434 = arith.constant 4 : i32
        %broadcast_in_dim3A_435 = vector.broadcast %broadcast_in_dim3A_434 : i32 to vector<16xi32>
        %broadcast_in_dim3A_436 = arith.constant 5 : i32
        %broadcast_in_dim3A_437 = vector.broadcast %broadcast_in_dim3A_436 : i32 to vector<16xi32>
        %broadcast_in_dim3A_438 = arith.constant 6 : i32
        %broadcast_in_dim3A_439 = vector.broadcast %broadcast_in_dim3A_438 : i32 to vector<16xi32>
        %gather3A_440 = tpu.vector_load_idx %arg11[%add3A_425, %broadcast_in_dim3A_427] : memref<128x8xf32, #tpu.memory_space<vmem>>[vector<16xi32>, vector<16xi32>], vector<16xf32>,
        %gather3A_441 = tpu.vector_load_idx %arg11[%add3A_425, %broadcast_in_dim3A_429] : memref<128x8xf32, #tpu.memory_space<vmem>>[vector<16xi32>, vector<16xi32>], vector<16xf32>,
        %gather3A_442 = tpu.vector_load_idx %arg11[%add3A_425, %broadcast_in_dim3A_431] : memref<128x8xf32, #tpu.memory_space<vmem>>[vector<16xi32>, vector<16xi32>], vector<16xf32>,
        %gather3A_443 = tpu.vector_load_idx %arg11[%add3A_425, %broadcast_in_dim3A_433] : memref<128x8xf32, #tpu.memory_space<vmem>>[vector<16xi32>, vector<16xi32>], vector<16xf32>,
        %gather3A_444 = tpu.vector_load_idx %arg11[%add3A_425, %broadcast_in_dim3A_435] : memref<128x8xf32, #tpu.memory_space<vmem>>[vector<16xi32>, vector<16xi32>], vector<16xf32>,
        %gather3A_445 = tpu.vector_load_idx %arg11[%add3A_425, %broadcast_in_dim3A_437] : memref<128x8xf32, #tpu.memory_space<vmem>>[vector<16xi32>, vector<16xi32>], vector<16xf32>,
        %gather3A_446 = tpu.vector_load_idx %arg11[%add3A_425, %broadcast_in_dim3A_439] : memref<128x8xf32, #tpu.memory_space<vmem>>[vector<16xi32>, vector<16xi32>], vector<16xf32>,
        %gather3A_447 = tpu.vector_load_idx %arg12[%add3A_425, %broadcast_in_dim3A_427] : memref<128x8xf32, #tpu.memory_space<vmem>>[vector<16xi32>, vector<16xi32>], vector<16xf32>,
        %gather3A_448 = tpu.vector_load_idx %arg12[%add3A_425, %broadcast_in_dim3A_429] : memref<128x8xf32, #tpu.memory_space<vmem>>[vector<16xi32>, vector<16xi32>], vector<16xf32>,
        %gather3A_449 = tpu.vector_load_idx %arg12[%add3A_425, %broadcast_in_dim3A_431] : memref<128x8xf32, #tpu.memory_space<vmem>>[vector<16xi32>, vector<16xi32>], vector<16xf32>,
        %sub3A_450 = arith.subf %gather3A_447, %gather3A_440 : vector<16xf32>
        %sub3A_451 = arith.subf %gather3A_448, %gather3A_441 : vector<16xf32>
        %sub3A_452 = arith.subf %gather3A_449, %gather3A_442 : vector<16xf32>
        %mul3A_453 = arith.mulf %sub3A_450, %sub3A_450 : vector<16xf32>
        %mul3A_454 = arith.mulf %sub3A_451, %sub3A_451 : vector<16xf32>
        %add3A_455 = arith.addf %mul3A_453, %mul3A_454 : vector<16xf32>
        %mul3A_456 = arith.mulf %sub3A_452, %sub3A_452 : vector<16xf32>
        %add3A_457 = arith.addf %add3A_455, %mul3A_456 : vector<16xf32>
        %add3A_458 = arith.constant 9.99999996E-13 : f32
        %add3A_459 = vector.broadcast %add3A_458 : f32 to vector<16xf32>
        %add3A_460 = arith.addf %add3A_457, %add3A_459 : vector<16xf32>
        %bitcast3A_461 = vector.bitcast %add3A_460 : vector<16xf32> to vector<16xi32>
        %shift_right_arithmetic3A_462 = arith.constant 1 : i32
        %shift_right_arithmetic3A_463 = vector.broadcast %shift_right_arithmetic3A_462 : i32 to vector<16xi32>
        %shift_right_arithmetic3A_464 = arith.shrsi %bitcast3A_461, %shift_right_arithmetic3A_463 : vector<16xi32>
        %sub3A_465 = arith.constant 1597463007 : i32
        %sub3A_466 = vector.broadcast %sub3A_465 : i32 to vector<16xi32>
        %sub3A_467 = arith.subi %sub3A_466, %shift_right_arithmetic3A_464 : vector<16xi32>
        %bitcast3A_468 = vector.bitcast %sub3A_467 : vector<16xi32> to vector<16xf32>
        %mul3A_469 = arith.constant 5.000000e-01 : f32
        %mul3A_470 = vector.broadcast %mul3A_469 : f32 to vector<16xf32>
        %mul3A_471 = arith.mulf %mul3A_470, %add3A_460 : vector<16xf32>
        %mul3A_472 = arith.mulf %bitcast3A_468, %bitcast3A_468 : vector<16xf32>
        %mul3A_473 = arith.mulf %mul3A_471, %mul3A_472 : vector<16xf32>
        %sub3A_474 = arith.constant 1.500000e+00 : f32
        %sub3A_475 = vector.broadcast %sub3A_474 : f32 to vector<16xf32>
        %sub3A_476 = arith.subf %sub3A_475, %mul3A_473 : vector<16xf32>
        %mul3A_477 = arith.mulf %bitcast3A_468, %sub3A_476 : vector<16xf32>
        %mul3A_478 = arith.constant 5.000000e-01 : f32
        %mul3A_479 = vector.broadcast %mul3A_478 : f32 to vector<16xf32>
        %mul3A_480 = arith.mulf %mul3A_479, %add3A_460 : vector<16xf32>
        %mul3A_481 = arith.mulf %mul3A_477, %mul3A_477 : vector<16xf32>
        %mul3A_482 = arith.mulf %mul3A_480, %mul3A_481 : vector<16xf32>
        %sub3A_483 = arith.constant 1.500000e+00 : f32
        %sub3A_484 = vector.broadcast %sub3A_483 : f32 to vector<16xf32>
        %sub3A_485 = arith.subf %sub3A_484, %mul3A_482 : vector<16xf32>
        %mul3A_486 = arith.mulf %mul3A_477, %sub3A_485 : vector<16xf32>
        %mul3A_487 = arith.constant 5.000000e-01 : f32
        %mul3A_488 = vector.broadcast %mul3A_487 : f32 to vector<16xf32>
        %mul3A_489 = arith.mulf %mul3A_488, %add3A_460 : vector<16xf32>
        %mul3A_490 = arith.mulf %mul3A_486, %mul3A_486 : vector<16xf32>
        %mul3A_491 = arith.mulf %mul3A_489, %mul3A_490 : vector<16xf32>
        %sub3A_492 = arith.constant 1.500000e+00 : f32
        %sub3A_493 = vector.broadcast %sub3A_492 : f32 to vector<16xf32>
        %sub3A_494 = arith.subf %sub3A_493, %mul3A_491 : vector<16xf32>
        %mul3A_495 = arith.mulf %mul3A_486, %sub3A_494 : vector<16xf32>
        %mul3A_496 = arith.mulf %add3A_460, %mul3A_495 : vector<16xf32>
        %mul3A_497 = arith.mulf %sub3A_450, %mul3A_495 : vector<16xf32>
        %mul3A_498 = arith.mulf %sub3A_451, %mul3A_495 : vector<16xf32>
        %mul3A_499 = arith.mulf %sub3A_452, %mul3A_495 : vector<16xf32>
        %mul3A_500 = arith.constant 1.000000e-01 : f32
        %mul3A_501 = vector.broadcast %mul3A_500 : f32 to vector<16xf32>
        %mul3A_502 = arith.mulf %mul3A_496, %mul3A_501 : vector<16xf32>
        %mul3A_503 = arith.mulf %mul3A_502, %mul3A_502 : vector<16xf32>
        %mul3A_504 = arith.mulf %mul3A_503, %mul3A_502 : vector<16xf32>
        %mul3A_505 = arith.mulf %mul3A_504, %mul3A_504 : vector<16xf32>
        %mul3A_506 = arith.mulf %mul3A_505, %mul3A_502 : vector<16xf32>
        %mul3A_507 = arith.mulf %mul3A_506, %mul3A_502 : vector<16xf32>
        %mul3A_508 = arith.constant 2.800000e+01 : f32
        %mul3A_509 = vector.broadcast %mul3A_508 : f32 to vector<16xf32>
        %mul3A_510 = arith.mulf %mul3A_509, %mul3A_505 : vector<16xf32>
        %sub3A_511 = arith.constant 1.000000e+00 : f32
        %sub3A_512 = vector.broadcast %sub3A_511 : f32 to vector<16xf32>
        %sub3A_513 = arith.subf %sub3A_512, %mul3A_510 : vector<16xf32>
        %mul3A_514 = arith.constant 4.800000e+01 : f32
        %mul3A_515 = vector.broadcast %mul3A_514 : f32 to vector<16xf32>
        %mul3A_516 = arith.mulf %mul3A_515, %mul3A_506 : vector<16xf32>
        %add3A_517 = arith.addf %sub3A_513, %mul3A_516 : vector<16xf32>
        %mul3A_518 = arith.constant 2.100000e+01 : f32
        %mul3A_519 = vector.broadcast %mul3A_518 : f32 to vector<16xf32>
        %mul3A_520 = arith.mulf %mul3A_519, %mul3A_507 : vector<16xf32>
        %sub3A_521 = arith.subf %add3A_517, %mul3A_520 : vector<16xf32>
        %lt3A_522 = arith.constant 1.000000e+00 : f32
        %lt3A_523 = vector.broadcast %lt3A_522 : f32 to vector<16xf32>
        %lt3A_524 = arith.cmpf olt, %mul3A_502, %lt3A_523 : vector<16xf32>
        %broadcast_in_dim3A_525 = arith.constant 0.000000e+00 : f32
        %broadcast_in_dim3A_526 = vector.broadcast %broadcast_in_dim3A_525 : f32 to vector<16xf32>
        %select_n3A_527 = arith.select %lt3A_524, %sub3A_521, %broadcast_in_dim3A_526 : vector<16xi1>, vector<16xf32>
        %mul3A_528 = arith.mulf %get3A_3, %add3A_460 : vector<16xf32>
        %exp3A_529 = math.exp %mul3A_528 : vector<16xf32>
        %mul3A_530 = arith.mulf %exp3A_529, %select_n3A_527 : vector<16xf32>
        %mul3A_531 = arith.mulf %get3A_5, %add3A_460 : vector<16xf32>
        %exp3A_532 = math.exp %mul3A_531 : vector<16xf32>
        %mul3A_533 = arith.constant 1.73205078 : f32
        %mul3A_534 = vector.broadcast %mul3A_533 : f32 to vector<16xf32>
        %mul3A_535 = arith.mulf %mul3A_534, %exp3A_532 : vector<16xf32>
        %mul3A_536 = arith.mulf %mul3A_535, %select_n3A_527 : vector<16xf32>
        %mul3A_537 = arith.mulf %gather3A_443, %mul3A_530 : vector<16xf32>
        tpu.vector_store_idx %arg13[%add3A_425, %broadcast_in_dim3A_427], %mul3A_537 : memref<128x8xf32, #tpu.memory_space<vmem>>[vector<16xi32>, vector<16xi32>], vector<16xf32>,
        %mul3A_538 = arith.mulf %mul3A_536, %mul3A_497 : vector<16xf32>
        %mul3A_539 = arith.mulf %gather3A_444, %mul3A_538 : vector<16xf32>
        tpu.vector_store_idx %arg13[%add3A_425, %broadcast_in_dim3A_429], %mul3A_539 : memref<128x8xf32, #tpu.memory_space<vmem>>[vector<16xi32>, vector<16xi32>], vector<16xf32>,
        %mul3A_540 = arith.mulf %mul3A_536, %mul3A_498 : vector<16xf32>
        %mul3A_541 = arith.mulf %gather3A_445, %mul3A_540 : vector<16xf32>
        tpu.vector_store_idx %arg13[%add3A_425, %broadcast_in_dim3A_431], %mul3A_541 : memref<128x8xf32, #tpu.memory_space<vmem>>[vector<16xi32>, vector<16xi32>], vector<16xf32>,
        %mul3A_542 = arith.mulf %mul3A_536, %mul3A_499 : vector<16xf32>
        %mul3A_543 = arith.mulf %gather3A_446, %mul3A_542 : vector<16xf32>
        tpu.vector_store_idx %arg13[%add3A_425, %broadcast_in_dim3A_433], %mul3A_543 : memref<128x8xf32, #tpu.memory_space<vmem>>[vector<16xi32>, vector<16xi32>], vector<16xf32>,
        %add3A_544 = arith.constant 32 : i32
        %add3A_545 = arith.addi %mul3A_168, %add3A_544 : i32
        %swap3A_546 = arith.index_cast %add3A_545 : i32 to index
        %swap3A_547 = tpu.vector_load %arg14[%swap3A_546] {strides = array<i32>} : memref<1024xf32, #tpu.memory_space<vmem>>, vector<16xf32>,
        tpu.vector_store %arg14[%swap3A_546], %mul3A_496 {strides = array<i32>} : memref<1024xf32, #tpu.memory_space<vmem>>, vector<16xf32>,
        %swap3A_548 = arith.index_cast %add3A_545 : i32 to index
        %swap3A_549 = tpu.vector_load %arg15[%swap3A_548] {strides = array<i32>} : memref<1024xf32, #tpu.memory_space<vmem>>, vector<16xf32>,
        tpu.vector_store %arg15[%swap3A_548], %mul3A_497 {strides = array<i32>} : memref<1024xf32, #tpu.memory_space<vmem>>, vector<16xf32>,
        %swap3A_550 = arith.index_cast %add3A_545 : i32 to index
        %swap3A_551 = tpu.vector_load %arg16[%swap3A_550] {strides = array<i32>} : memref<1024xf32, #tpu.memory_space<vmem>>, vector<16xf32>,
        tpu.vector_store %arg16[%swap3A_550], %mul3A_498 {strides = array<i32>} : memref<1024xf32, #tpu.memory_space<vmem>>, vector<16xf32>,
        %swap3A_552 = arith.index_cast %add3A_545 : i32 to index
        %swap3A_553 = tpu.vector_load %arg17[%swap3A_552] {strides = array<i32>} : memref<1024xf32, #tpu.memory_space<vmem>>, vector<16xf32>,
        tpu.vector_store %arg17[%swap3A_552], %mul3A_499 {strides = array<i32>} : memref<1024xf32, #tpu.memory_space<vmem>>, vector<16xf32>,
        %add3A_554 = arith.constant 48 : i32
        %add3A_555 = vector.broadcast %add3A_554 : i32 to vector<16xi32>
        %add3A_556 = arith.addi %add3A_555, %iota3A : vector<16xi32>
        %broadcast_in_dim3A_557 = arith.constant 0 : i32
        %broadcast_in_dim3A_558 = vector.broadcast %broadcast_in_dim3A_557 : i32 to vector<16xi32>
        %broadcast_in_dim3A_559 = arith.constant 1 : i32
        %broadcast_in_dim3A_560 = vector.broadcast %broadcast_in_dim3A_559 : i32 to vector<16xi32>
        %broadcast_in_dim3A_561 = arith.constant 2 : i32
        %broadcast_in_dim3A_562 = vector.broadcast %broadcast_in_dim3A_561 : i32 to vector<16xi32>
        %broadcast_in_dim3A_563 = arith.constant 3 : i32
        %broadcast_in_dim3A_564 = vector.broadcast %broadcast_in_dim3A_563 : i32 to vector<16xi32>
        %broadcast_in_dim3A_565 = arith.constant 4 : i32
        %broadcast_in_dim3A_566 = vector.broadcast %broadcast_in_dim3A_565 : i32 to vector<16xi32>
        %broadcast_in_dim3A_567 = arith.constant 5 : i32
        %broadcast_in_dim3A_568 = vector.broadcast %broadcast_in_dim3A_567 : i32 to vector<16xi32>
        %broadcast_in_dim3A_569 = arith.constant 6 : i32
        %broadcast_in_dim3A_570 = vector.broadcast %broadcast_in_dim3A_569 : i32 to vector<16xi32>
        %gather3A_571 = tpu.vector_load_idx %arg11[%add3A_556, %broadcast_in_dim3A_558] : memref<128x8xf32, #tpu.memory_space<vmem>>[vector<16xi32>, vector<16xi32>], vector<16xf32>,
        %gather3A_572 = tpu.vector_load_idx %arg11[%add3A_556, %broadcast_in_dim3A_560] : memref<128x8xf32, #tpu.memory_space<vmem>>[vector<16xi32>, vector<16xi32>], vector<16xf32>,
        %gather3A_573 = tpu.vector_load_idx %arg11[%add3A_556, %broadcast_in_dim3A_562] : memref<128x8xf32, #tpu.memory_space<vmem>>[vector<16xi32>, vector<16xi32>], vector<16xf32>,
        %gather3A_574 = tpu.vector_load_idx %arg11[%add3A_556, %broadcast_in_dim3A_564] : memref<128x8xf32, #tpu.memory_space<vmem>>[vector<16xi32>, vector<16xi32>], vector<16xf32>,
        %gather3A_575 = tpu.vector_load_idx %arg11[%add3A_556, %broadcast_in_dim3A_566] : memref<128x8xf32, #tpu.memory_space<vmem>>[vector<16xi32>, vector<16xi32>], vector<16xf32>,
        %gather3A_576 = tpu.vector_load_idx %arg11[%add3A_556, %broadcast_in_dim3A_568] : memref<128x8xf32, #tpu.memory_space<vmem>>[vector<16xi32>, vector<16xi32>], vector<16xf32>,
        %gather3A_577 = tpu.vector_load_idx %arg11[%add3A_556, %broadcast_in_dim3A_570] : memref<128x8xf32, #tpu.memory_space<vmem>>[vector<16xi32>, vector<16xi32>], vector<16xf32>,
        %gather3A_578 = tpu.vector_load_idx %arg12[%add3A_556, %broadcast_in_dim3A_558] : memref<128x8xf32, #tpu.memory_space<vmem>>[vector<16xi32>, vector<16xi32>], vector<16xf32>,
        %gather3A_579 = tpu.vector_load_idx %arg12[%add3A_556, %broadcast_in_dim3A_560] : memref<128x8xf32, #tpu.memory_space<vmem>>[vector<16xi32>, vector<16xi32>], vector<16xf32>,
        %gather3A_580 = tpu.vector_load_idx %arg12[%add3A_556, %broadcast_in_dim3A_562] : memref<128x8xf32, #tpu.memory_space<vmem>>[vector<16xi32>, vector<16xi32>], vector<16xf32>,
        %sub3A_581 = arith.subf %gather3A_578, %gather3A_571 : vector<16xf32>
        %sub3A_582 = arith.subf %gather3A_579, %gather3A_572 : vector<16xf32>
        %sub3A_583 = arith.subf %gather3A_580, %gather3A_573 : vector<16xf32>
        %mul3A_584 = arith.mulf %sub3A_581, %sub3A_581 : vector<16xf32>
        %mul3A_585 = arith.mulf %sub3A_582, %sub3A_582 : vector<16xf32>
        %add3A_586 = arith.addf %mul3A_584, %mul3A_585 : vector<16xf32>
        %mul3A_587 = arith.mulf %sub3A_583, %sub3A_583 : vector<16xf32>
        %add3A_588 = arith.addf %add3A_586, %mul3A_587 : vector<16xf32>
        %add3A_589 = arith.constant 9.99999996E-13 : f32
        %add3A_590 = vector.broadcast %add3A_589 : f32 to vector<16xf32>
        %add3A_591 = arith.addf %add3A_588, %add3A_590 : vector<16xf32>
        %bitcast3A_592 = vector.bitcast %add3A_591 : vector<16xf32> to vector<16xi32>
        %shift_right_arithmetic3A_593 = arith.constant 1 : i32
        %shift_right_arithmetic3A_594 = vector.broadcast %shift_right_arithmetic3A_593 : i32 to vector<16xi32>
        %shift_right_arithmetic3A_595 = arith.shrsi %bitcast3A_592, %shift_right_arithmetic3A_594 : vector<16xi32>
        %sub3A_596 = arith.constant 1597463007 : i32
        %sub3A_597 = vector.broadcast %sub3A_596 : i32 to vector<16xi32>
        %sub3A_598 = arith.subi %sub3A_597, %shift_right_arithmetic3A_595 : vector<16xi32>
        %bitcast3A_599 = vector.bitcast %sub3A_598 : vector<16xi32> to vector<16xf32>
        %mul3A_600 = arith.constant 5.000000e-01 : f32
        %mul3A_601 = vector.broadcast %mul3A_600 : f32 to vector<16xf32>
        %mul3A_602 = arith.mulf %mul3A_601, %add3A_591 : vector<16xf32>
        %mul3A_603 = arith.mulf %bitcast3A_599, %bitcast3A_599 : vector<16xf32>
        %mul3A_604 = arith.mulf %mul3A_602, %mul3A_603 : vector<16xf32>
        %sub3A_605 = arith.constant 1.500000e+00 : f32
        %sub3A_606 = vector.broadcast %sub3A_605 : f32 to vector<16xf32>
        %sub3A_607 = arith.subf %sub3A_606, %mul3A_604 : vector<16xf32>
        %mul3A_608 = arith.mulf %bitcast3A_599, %sub3A_607 : vector<16xf32>
        %mul3A_609 = arith.constant 5.000000e-01 : f32
        %mul3A_610 = vector.broadcast %mul3A_609 : f32 to vector<16xf32>
        %mul3A_611 = arith.mulf %mul3A_610, %add3A_591 : vector<16xf32>
        %mul3A_612 = arith.mulf %mul3A_608, %mul3A_608 : vector<16xf32>
        %mul3A_613 = arith.mulf %mul3A_611, %mul3A_612 : vector<16xf32>
        %sub3A_614 = arith.constant 1.500000e+00 : f32
        %sub3A_615 = vector.broadcast %sub3A_614 : f32 to vector<16xf32>
        %sub3A_616 = arith.subf %sub3A_615, %mul3A_613 : vector<16xf32>
        %mul3A_617 = arith.mulf %mul3A_608, %sub3A_616 : vector<16xf32>
        %mul3A_618 = arith.constant 5.000000e-01 : f32
        %mul3A_619 = vector.broadcast %mul3A_618 : f32 to vector<16xf32>
        %mul3A_620 = arith.mulf %mul3A_619, %add3A_591 : vector<16xf32>
        %mul3A_621 = arith.mulf %mul3A_617, %mul3A_617 : vector<16xf32>
        %mul3A_622 = arith.mulf %mul3A_620, %mul3A_621 : vector<16xf32>
        %sub3A_623 = arith.constant 1.500000e+00 : f32
        %sub3A_624 = vector.broadcast %sub3A_623 : f32 to vector<16xf32>
        %sub3A_625 = arith.subf %sub3A_624, %mul3A_622 : vector<16xf32>
        %mul3A_626 = arith.mulf %mul3A_617, %sub3A_625 : vector<16xf32>
        %mul3A_627 = arith.mulf %add3A_591, %mul3A_626 : vector<16xf32>
        %mul3A_628 = arith.mulf %sub3A_581, %mul3A_626 : vector<16xf32>
        %mul3A_629 = arith.mulf %sub3A_582, %mul3A_626 : vector<16xf32>
        %mul3A_630 = arith.mulf %sub3A_583, %mul3A_626 : vector<16xf32>
        %mul3A_631 = arith.constant 1.000000e-01 : f32
        %mul3A_632 = vector.broadcast %mul3A_631 : f32 to vector<16xf32>
        %mul3A_633 = arith.mulf %mul3A_627, %mul3A_632 : vector<16xf32>
        %mul3A_634 = arith.mulf %mul3A_633, %mul3A_633 : vector<16xf32>
        %mul3A_635 = arith.mulf %mul3A_634, %mul3A_633 : vector<16xf32>
        %mul3A_636 = arith.mulf %mul3A_635, %mul3A_635 : vector<16xf32>
        %mul3A_637 = arith.mulf %mul3A_636, %mul3A_633 : vector<16xf32>
        %mul3A_638 = arith.mulf %mul3A_637, %mul3A_633 : vector<16xf32>
        %mul3A_639 = arith.constant 2.800000e+01 : f32
        %mul3A_640 = vector.broadcast %mul3A_639 : f32 to vector<16xf32>
        %mul3A_641 = arith.mulf %mul3A_640, %mul3A_636 : vector<16xf32>
        %sub3A_642 = arith.constant 1.000000e+00 : f32
        %sub3A_643 = vector.broadcast %sub3A_642 : f32 to vector<16xf32>
        %sub3A_644 = arith.subf %sub3A_643, %mul3A_641 : vector<16xf32>
        %mul3A_645 = arith.constant 4.800000e+01 : f32
        %mul3A_646 = vector.broadcast %mul3A_645 : f32 to vector<16xf32>
        %mul3A_647 = arith.mulf %mul3A_646, %mul3A_637 : vector<16xf32>
        %add3A_648 = arith.addf %sub3A_644, %mul3A_647 : vector<16xf32>
        %mul3A_649 = arith.constant 2.100000e+01 : f32
        %mul3A_650 = vector.broadcast %mul3A_649 : f32 to vector<16xf32>
        %mul3A_651 = arith.mulf %mul3A_650, %mul3A_638 : vector<16xf32>
        %sub3A_652 = arith.subf %add3A_648, %mul3A_651 : vector<16xf32>
        %lt3A_653 = arith.constant 1.000000e+00 : f32
        %lt3A_654 = vector.broadcast %lt3A_653 : f32 to vector<16xf32>
        %lt3A_655 = arith.cmpf olt, %mul3A_633, %lt3A_654 : vector<16xf32>
        %broadcast_in_dim3A_656 = arith.constant 0.000000e+00 : f32
        %broadcast_in_dim3A_657 = vector.broadcast %broadcast_in_dim3A_656 : f32 to vector<16xf32>
        %select_n3A_658 = arith.select %lt3A_655, %sub3A_652, %broadcast_in_dim3A_657 : vector<16xi1>, vector<16xf32>
        %mul3A_659 = arith.mulf %get3A_3, %add3A_591 : vector<16xf32>
        %exp3A_660 = math.exp %mul3A_659 : vector<16xf32>
        %mul3A_661 = arith.mulf %exp3A_660, %select_n3A_658 : vector<16xf32>
        %mul3A_662 = arith.mulf %get3A_5, %add3A_591 : vector<16xf32>
        %exp3A_663 = math.exp %mul3A_662 : vector<16xf32>
        %mul3A_664 = arith.constant 1.73205078 : f32
        %mul3A_665 = vector.broadcast %mul3A_664 : f32 to vector<16xf32>
        %mul3A_666 = arith.mulf %mul3A_665, %exp3A_663 : vector<16xf32>
        %mul3A_667 = arith.mulf %mul3A_666, %select_n3A_658 : vector<16xf32>
        %mul3A_668 = arith.mulf %gather3A_574, %mul3A_661 : vector<16xf32>
        tpu.vector_store_idx %arg13[%add3A_556, %broadcast_in_dim3A_558], %mul3A_668 : memref<128x8xf32, #tpu.memory_space<vmem>>[vector<16xi32>, vector<16xi32>], vector<16xf32>,
        %mul3A_669 = arith.mulf %mul3A_667, %mul3A_628 : vector<16xf32>
        %mul3A_670 = arith.mulf %gather3A_575, %mul3A_669 : vector<16xf32>
        tpu.vector_store_idx %arg13[%add3A_556, %broadcast_in_dim3A_560], %mul3A_670 : memref<128x8xf32, #tpu.memory_space<vmem>>[vector<16xi32>, vector<16xi32>], vector<16xf32>,
        %mul3A_671 = arith.mulf %mul3A_667, %mul3A_629 : vector<16xf32>
        %mul3A_672 = arith.mulf %gather3A_576, %mul3A_671 : vector<16xf32>
        tpu.vector_store_idx %arg13[%add3A_556, %broadcast_in_dim3A_562], %mul3A_672 : memref<128x8xf32, #tpu.memory_space<vmem>>[vector<16xi32>, vector<16xi32>], vector<16xf32>,
        %mul3A_673 = arith.mulf %mul3A_667, %mul3A_630 : vector<16xf32>
        %mul3A_674 = arith.mulf %gather3A_577, %mul3A_673 : vector<16xf32>
        tpu.vector_store_idx %arg13[%add3A_556, %broadcast_in_dim3A_564], %mul3A_674 : memref<128x8xf32, #tpu.memory_space<vmem>>[vector<16xi32>, vector<16xi32>], vector<16xf32>,
        %add3A_675 = arith.constant 48 : i32
        %add3A_676 = arith.addi %mul3A_168, %add3A_675 : i32
        %swap3A_677 = arith.index_cast %add3A_676 : i32 to index
        %swap3A_678 = tpu.vector_load %arg14[%swap3A_677] {strides = array<i32>} : memref<1024xf32, #tpu.memory_space<vmem>>, vector<16xf32>,
        tpu.vector_store %arg14[%swap3A_677], %mul3A_627 {strides = array<i32>} : memref<1024xf32, #tpu.memory_space<vmem>>, vector<16xf32>,
        %swap3A_679 = arith.index_cast %add3A_676 : i32 to index
        %swap3A_680 = tpu.vector_load %arg15[%swap3A_679] {strides = array<i32>} : memref<1024xf32, #tpu.memory_space<vmem>>, vector<16xf32>,
        tpu.vector_store %arg15[%swap3A_679], %mul3A_628 {strides = array<i32>} : memref<1024xf32, #tpu.memory_space<vmem>>, vector<16xf32>,
        %swap3A_681 = arith.index_cast %add3A_676 : i32 to index
        %swap3A_682 = tpu.vector_load %arg16[%swap3A_681] {strides = array<i32>} : memref<1024xf32, #tpu.memory_space<vmem>>, vector<16xf32>,
        tpu.vector_store %arg16[%swap3A_681], %mul3A_629 {strides = array<i32>} : memref<1024xf32, #tpu.memory_space<vmem>>, vector<16xf32>,
        %swap3A_683 = arith.index_cast %add3A_676 : i32 to index
        %swap3A_684 = tpu.vector_load %arg17[%swap3A_683] {strides = array<i32>} : memref<1024xf32, #tpu.memory_space<vmem>>, vector<16xf32>,
        tpu.vector_store %arg17[%swap3A_683], %mul3A_630 {strides = array<i32>} : memref<1024xf32, #tpu.memory_space<vmem>>, vector<16xf32>,
        %add3A_685 = arith.constant 64 : i32
        %add3A_686 = vector.broadcast %add3A_685 : i32 to vector<16xi32>
        %add3A_687 = arith.addi %add3A_686, %iota3A : vector<16xi32>
        %broadcast_in_dim3A_688 = arith.constant 0 : i32
        %broadcast_in_dim3A_689 = vector.broadcast %broadcast_in_dim3A_688 : i32 to vector<16xi32>
        %broadcast_in_dim3A_690 = arith.constant 1 : i32
        %broadcast_in_dim3A_691 = vector.broadcast %broadcast_in_dim3A_690 : i32 to vector<16xi32>
        %broadcast_in_dim3A_692 = arith.constant 2 : i32
        %broadcast_in_dim3A_693 = vector.broadcast %broadcast_in_dim3A_692 : i32 to vector<16xi32>
        %broadcast_in_dim3A_694 = arith.constant 3 : i32
        %broadcast_in_dim3A_695 = vector.broadcast %broadcast_in_dim3A_694 : i32 to vector<16xi32>
        %broadcast_in_dim3A_696 = arith.constant 4 : i32
        %broadcast_in_dim3A_697 = vector.broadcast %broadcast_in_dim3A_696 : i32 to vector<16xi32>
        %broadcast_in_dim3A_698 = arith.constant 5 : i32
        %broadcast_in_dim3A_699 = vector.broadcast %broadcast_in_dim3A_698 : i32 to vector<16xi32>
        %broadcast_in_dim3A_700 = arith.constant 6 : i32
        %broadcast_in_dim3A_701 = vector.broadcast %broadcast_in_dim3A_700 : i32 to vector<16xi32>
        %gather3A_702 = tpu.vector_load_idx %arg11[%add3A_687, %broadcast_in_dim3A_689] : memref<128x8xf32, #tpu.memory_space<vmem>>[vector<16xi32>, vector<16xi32>], vector<16xf32>,
        %gather3A_703 = tpu.vector_load_idx %arg11[%add3A_687, %broadcast_in_dim3A_691] : memref<128x8xf32, #tpu.memory_space<vmem>>[vector<16xi32>, vector<16xi32>], vector<16xf32>,
        %gather3A_704 = tpu.vector_load_idx %arg11[%add3A_687, %broadcast_in_dim3A_693] : memref<128x8xf32, #tpu.memory_space<vmem>>[vector<16xi32>, vector<16xi32>], vector<16xf32>,
        %gather3A_705 = tpu.vector_load_idx %arg11[%add3A_687, %broadcast_in_dim3A_695] : memref<128x8xf32, #tpu.memory_space<vmem>>[vector<16xi32>, vector<16xi32>], vector<16xf32>,
        %gather3A_706 = tpu.vector_load_idx %arg11[%add3A_687, %broadcast_in_dim3A_697] : memref<128x8xf32, #tpu.memory_space<vmem>>[vector<16xi32>, vector<16xi32>], vector<16xf32>,
        %gather3A_707 = tpu.vector_load_idx %arg11[%add3A_687, %broadcast_in_dim3A_699] : memref<128x8xf32, #tpu.memory_space<vmem>>[vector<16xi32>, vector<16xi32>], vector<16xf32>,
        %gather3A_708 = tpu.vector_load_idx %arg11[%add3A_687, %broadcast_in_dim3A_701] : memref<128x8xf32, #tpu.memory_space<vmem>>[vector<16xi32>, vector<16xi32>], vector<16xf32>,
        %gather3A_709 = tpu.vector_load_idx %arg12[%add3A_687, %broadcast_in_dim3A_689] : memref<128x8xf32, #tpu.memory_space<vmem>>[vector<16xi32>, vector<16xi32>], vector<16xf32>,
        %gather3A_710 = tpu.vector_load_idx %arg12[%add3A_687, %broadcast_in_dim3A_691] : memref<128x8xf32, #tpu.memory_space<vmem>>[vector<16xi32>, vector<16xi32>], vector<16xf32>,
        %gather3A_711 = tpu.vector_load_idx %arg12[%add3A_687, %broadcast_in_dim3A_693] : memref<128x8xf32, #tpu.memory_space<vmem>>[vector<16xi32>, vector<16xi32>], vector<16xf32>,
        %sub3A_712 = arith.subf %gather3A_709, %gather3A_702 : vector<16xf32>
        %sub3A_713 = arith.subf %gather3A_710, %gather3A_703 : vector<16xf32>
        %sub3A_714 = arith.subf %gather3A_711, %gather3A_704 : vector<16xf32>
        %mul3A_715 = arith.mulf %sub3A_712, %sub3A_712 : vector<16xf32>
        %mul3A_716 = arith.mulf %sub3A_713, %sub3A_713 : vector<16xf32>
        %add3A_717 = arith.addf %mul3A_715, %mul3A_716 : vector<16xf32>
        %mul3A_718 = arith.mulf %sub3A_714, %sub3A_714 : vector<16xf32>
        %add3A_719 = arith.addf %add3A_717, %mul3A_718 : vector<16xf32>
        %add3A_720 = arith.constant 9.99999996E-13 : f32
        %add3A_721 = vector.broadcast %add3A_720 : f32 to vector<16xf32>
        %add3A_722 = arith.addf %add3A_719, %add3A_721 : vector<16xf32>
        %bitcast3A_723 = vector.bitcast %add3A_722 : vector<16xf32> to vector<16xi32>
        %shift_right_arithmetic3A_724 = arith.constant 1 : i32
        %shift_right_arithmetic3A_725 = vector.broadcast %shift_right_arithmetic3A_724 : i32 to vector<16xi32>
        %shift_right_arithmetic3A_726 = arith.shrsi %bitcast3A_723, %shift_right_arithmetic3A_725 : vector<16xi32>
        %sub3A_727 = arith.constant 1597463007 : i32
        %sub3A_728 = vector.broadcast %sub3A_727 : i32 to vector<16xi32>
        %sub3A_729 = arith.subi %sub3A_728, %shift_right_arithmetic3A_726 : vector<16xi32>
        %bitcast3A_730 = vector.bitcast %sub3A_729 : vector<16xi32> to vector<16xf32>
        %mul3A_731 = arith.constant 5.000000e-01 : f32
        %mul3A_732 = vector.broadcast %mul3A_731 : f32 to vector<16xf32>
        %mul3A_733 = arith.mulf %mul3A_732, %add3A_722 : vector<16xf32>
        %mul3A_734 = arith.mulf %bitcast3A_730, %bitcast3A_730 : vector<16xf32>
        %mul3A_735 = arith.mulf %mul3A_733, %mul3A_734 : vector<16xf32>
        %sub3A_736 = arith.constant 1.500000e+00 : f32
        %sub3A_737 = vector.broadcast %sub3A_736 : f32 to vector<16xf32>
        %sub3A_738 = arith.subf %sub3A_737, %mul3A_735 : vector<16xf32>
        %mul3A_739 = arith.mulf %bitcast3A_730, %sub3A_738 : vector<16xf32>
        %mul3A_740 = arith.constant 5.000000e-01 : f32
        %mul3A_741 = vector.broadcast %mul3A_740 : f32 to vector<16xf32>
        %mul3A_742 = arith.mulf %mul3A_741, %add3A_722 : vector<16xf32>
        %mul3A_743 = arith.mulf %mul3A_739, %mul3A_739 : vector<16xf32>
        %mul3A_744 = arith.mulf %mul3A_742, %mul3A_743 : vector<16xf32>
        %sub3A_745 = arith.constant 1.500000e+00 : f32
        %sub3A_746 = vector.broadcast %sub3A_745 : f32 to vector<16xf32>
        %sub3A_747 = arith.subf %sub3A_746, %mul3A_744 : vector<16xf32>
        %mul3A_748 = arith.mulf %mul3A_739, %sub3A_747 : vector<16xf32>
        %mul3A_749 = arith.constant 5.000000e-01 : f32
        %mul3A_750 = vector.broadcast %mul3A_749 : f32 to vector<16xf32>
        %mul3A_751 = arith.mulf %mul3A_750, %add3A_722 : vector<16xf32>
        %mul3A_752 = arith.mulf %mul3A_748, %mul3A_748 : vector<16xf32>
        %mul3A_753 = arith.mulf %mul3A_751, %mul3A_752 : vector<16xf32>
        %sub3A_754 = arith.constant 1.500000e+00 : f32
        %sub3A_755 = vector.broadcast %sub3A_754 : f32 to vector<16xf32>
        %sub3A_756 = arith.subf %sub3A_755, %mul3A_753 : vector<16xf32>
        %mul3A_757 = arith.mulf %mul3A_748, %sub3A_756 : vector<16xf32>
        %mul3A_758 = arith.mulf %add3A_722, %mul3A_757 : vector<16xf32>
        %mul3A_759 = arith.mulf %sub3A_712, %mul3A_757 : vector<16xf32>
        %mul3A_760 = arith.mulf %sub3A_713, %mul3A_757 : vector<16xf32>
        %mul3A_761 = arith.mulf %sub3A_714, %mul3A_757 : vector<16xf32>
        %mul3A_762 = arith.constant 1.000000e-01 : f32
        %mul3A_763 = vector.broadcast %mul3A_762 : f32 to vector<16xf32>
        %mul3A_764 = arith.mulf %mul3A_758, %mul3A_763 : vector<16xf32>
        %mul3A_765 = arith.mulf %mul3A_764, %mul3A_764 : vector<16xf32>
        %mul3A_766 = arith.mulf %mul3A_765, %mul3A_764 : vector<16xf32>
        %mul3A_767 = arith.mulf %mul3A_766, %mul3A_766 : vector<16xf32>
        %mul3A_768 = arith.mulf %mul3A_767, %mul3A_764 : vector<16xf32>
        %mul3A_769 = arith.mulf %mul3A_768, %mul3A_764 : vector<16xf32>
        %mul3A_770 = arith.constant 2.800000e+01 : f32
        %mul3A_771 = vector.broadcast %mul3A_770 : f32 to vector<16xf32>
        %mul3A_772 = arith.mulf %mul3A_771, %mul3A_767 : vector<16xf32>
        %sub3A_773 = arith.constant 1.000000e+00 : f32
        %sub3A_774 = vector.broadcast %sub3A_773 : f32 to vector<16xf32>
        %sub3A_775 = arith.subf %sub3A_774, %mul3A_772 : vector<16xf32>
        %mul3A_776 = arith.constant 4.800000e+01 : f32
        %mul3A_777 = vector.broadcast %mul3A_776 : f32 to vector<16xf32>
        %mul3A_778 = arith.mulf %mul3A_777, %mul3A_768 : vector<16xf32>
        %add3A_779 = arith.addf %sub3A_775, %mul3A_778 : vector<16xf32>
        %mul3A_780 = arith.constant 2.100000e+01 : f32
        %mul3A_781 = vector.broadcast %mul3A_780 : f32 to vector<16xf32>
        %mul3A_782 = arith.mulf %mul3A_781, %mul3A_769 : vector<16xf32>
        %sub3A_783 = arith.subf %add3A_779, %mul3A_782 : vector<16xf32>
        %lt3A_784 = arith.constant 1.000000e+00 : f32
        %lt3A_785 = vector.broadcast %lt3A_784 : f32 to vector<16xf32>
        %lt3A_786 = arith.cmpf olt, %mul3A_764, %lt3A_785 : vector<16xf32>
        %broadcast_in_dim3A_787 = arith.constant 0.000000e+00 : f32
        %broadcast_in_dim3A_788 = vector.broadcast %broadcast_in_dim3A_787 : f32 to vector<16xf32>
        %select_n3A_789 = arith.select %lt3A_786, %sub3A_783, %broadcast_in_dim3A_788 : vector<16xi1>, vector<16xf32>
        %mul3A_790 = arith.mulf %get3A_3, %add3A_722 : vector<16xf32>
        %exp3A_791 = math.exp %mul3A_790 : vector<16xf32>
        %mul3A_792 = arith.mulf %exp3A_791, %select_n3A_789 : vector<16xf32>
        %mul3A_793 = arith.mulf %get3A_5, %add3A_722 : vector<16xf32>
        %exp3A_794 = math.exp %mul3A_793 : vector<16xf32>
        %mul3A_795 = arith.constant 1.73205078 : f32
        %mul3A_796 = vector.broadcast %mul3A_795 : f32 to vector<16xf32>
        %mul3A_797 = arith.mulf %mul3A_796, %exp3A_794 : vector<16xf32>
        %mul3A_798 = arith.mulf %mul3A_797, %select_n3A_789 : vector<16xf32>
        %mul3A_799 = arith.mulf %gather3A_705, %mul3A_792 : vector<16xf32>
        tpu.vector_store_idx %arg13[%add3A_687, %broadcast_in_dim3A_689], %mul3A_799 : memref<128x8xf32, #tpu.memory_space<vmem>>[vector<16xi32>, vector<16xi32>], vector<16xf32>,
        %mul3A_800 = arith.mulf %mul3A_798, %mul3A_759 : vector<16xf32>
        %mul3A_801 = arith.mulf %gather3A_706, %mul3A_800 : vector<16xf32>
        tpu.vector_store_idx %arg13[%add3A_687, %broadcast_in_dim3A_691], %mul3A_801 : memref<128x8xf32, #tpu.memory_space<vmem>>[vector<16xi32>, vector<16xi32>], vector<16xf32>,
        %mul3A_802 = arith.mulf %mul3A_798, %mul3A_760 : vector<16xf32>
        %mul3A_803 = arith.mulf %gather3A_707, %mul3A_802 : vector<16xf32>
        tpu.vector_store_idx %arg13[%add3A_687, %broadcast_in_dim3A_693], %mul3A_803 : memref<128x8xf32, #tpu.memory_space<vmem>>[vector<16xi32>, vector<16xi32>], vector<16xf32>,
        %mul3A_804 = arith.mulf %mul3A_798, %mul3A_761 : vector<16xf32>
        %mul3A_805 = arith.mulf %gather3A_708, %mul3A_804 : vector<16xf32>
        tpu.vector_store_idx %arg13[%add3A_687, %broadcast_in_dim3A_695], %mul3A_805 : memref<128x8xf32, #tpu.memory_space<vmem>>[vector<16xi32>, vector<16xi32>], vector<16xf32>,
        %add3A_806 = arith.constant 64 : i32
        %add3A_807 = arith.addi %mul3A_168, %add3A_806 : i32
        %swap3A_808 = arith.index_cast %add3A_807 : i32 to index
        %swap3A_809 = tpu.vector_load %arg14[%swap3A_808] {strides = array<i32>} : memref<1024xf32, #tpu.memory_space<vmem>>, vector<16xf32>,
        tpu.vector_store %arg14[%swap3A_808], %mul3A_758 {strides = array<i32>} : memref<1024xf32, #tpu.memory_space<vmem>>, vector<16xf32>,
        %swap3A_810 = arith.index_cast %add3A_807 : i32 to index
        %swap3A_811 = tpu.vector_load %arg15[%swap3A_810] {strides = array<i32>} : memref<1024xf32, #tpu.memory_space<vmem>>, vector<16xf32>,
        tpu.vector_store %arg15[%swap3A_810], %mul3A_759 {strides = array<i32>} : memref<1024xf32, #tpu.memory_space<vmem>>, vector<16xf32>,
        %swap3A_812 = arith.index_cast %add3A_807 : i32 to index
        %swap3A_813 = tpu.vector_load %arg16[%swap3A_812] {strides = array<i32>} : memref<1024xf32, #tpu.memory_space<vmem>>, vector<16xf32>,
        tpu.vector_store %arg16[%swap3A_812], %mul3A_760 {strides = array<i32>} : memref<1024xf32, #tpu.memory_space<vmem>>, vector<16xf32>,
        %swap3A_814 = arith.index_cast %add3A_807 : i32 to index
        %swap3A_815 = tpu.vector_load %arg17[%swap3A_814] {strides = array<i32>} : memref<1024xf32, #tpu.memory_space<vmem>>, vector<16xf32>,
        tpu.vector_store %arg17[%swap3A_814], %mul3A_761 {strides = array<i32>} : memref<1024xf32, #tpu.memory_space<vmem>>, vector<16xf32>,
        %add3A_816 = arith.constant 80 : i32
        %add3A_817 = vector.broadcast %add3A_816 : i32 to vector<16xi32>
        %add3A_818 = arith.addi %add3A_817, %iota3A : vector<16xi32>
        %broadcast_in_dim3A_819 = arith.constant 0 : i32
        %broadcast_in_dim3A_820 = vector.broadcast %broadcast_in_dim3A_819 : i32 to vector<16xi32>
        %broadcast_in_dim3A_821 = arith.constant 1 : i32
        %broadcast_in_dim3A_822 = vector.broadcast %broadcast_in_dim3A_821 : i32 to vector<16xi32>
        %broadcast_in_dim3A_823 = arith.constant 2 : i32
        %broadcast_in_dim3A_824 = vector.broadcast %broadcast_in_dim3A_823 : i32 to vector<16xi32>
        %broadcast_in_dim3A_825 = arith.constant 3 : i32
        %broadcast_in_dim3A_826 = vector.broadcast %broadcast_in_dim3A_825 : i32 to vector<16xi32>
        %broadcast_in_dim3A_827 = arith.constant 4 : i32
        %broadcast_in_dim3A_828 = vector.broadcast %broadcast_in_dim3A_827 : i32 to vector<16xi32>
        %broadcast_in_dim3A_829 = arith.constant 5 : i32
        %broadcast_in_dim3A_830 = vector.broadcast %broadcast_in_dim3A_829 : i32 to vector<16xi32>
        %broadcast_in_dim3A_831 = arith.constant 6 : i32
        %broadcast_in_dim3A_832 = vector.broadcast %broadcast_in_dim3A_831 : i32 to vector<16xi32>
        %gather3A_833 = tpu.vector_load_idx %arg11[%add3A_818, %broadcast_in_dim3A_820] : memref<128x8xf32, #tpu.memory_space<vmem>>[vector<16xi32>, vector<16xi32>], vector<16xf32>,
        %gather3A_834 = tpu.vector_load_idx %arg11[%add3A_818, %broadcast_in_dim3A_822] : memref<128x8xf32, #tpu.memory_space<vmem>>[vector<16xi32>, vector<16xi32>], vector<16xf32>,
        %gather3A_835 = tpu.vector_load_idx %arg11[%add3A_818, %broadcast_in_dim3A_824] : memref<128x8xf32, #tpu.memory_space<vmem>>[vector<16xi32>, vector<16xi32>], vector<16xf32>,
        %gather3A_836 = tpu.vector_load_idx %arg11[%add3A_818, %broadcast_in_dim3A_826] : memref<128x8xf32, #tpu.memory_space<vmem>>[vector<16xi32>, vector<16xi32>], vector<16xf32>,
        %gather3A_837 = tpu.vector_load_idx %arg11[%add3A_818, %broadcast_in_dim3A_828] : memref<128x8xf32, #tpu.memory_space<vmem>>[vector<16xi32>, vector<16xi32>], vector<16xf32>,
        %gather3A_838 = tpu.vector_load_idx %arg11[%add3A_818, %broadcast_in_dim3A_830] : memref<128x8xf32, #tpu.memory_space<vmem>>[vector<16xi32>, vector<16xi32>], vector<16xf32>,
        %gather3A_839 = tpu.vector_load_idx %arg11[%add3A_818, %broadcast_in_dim3A_832] : memref<128x8xf32, #tpu.memory_space<vmem>>[vector<16xi32>, vector<16xi32>], vector<16xf32>,
        %gather3A_840 = tpu.vector_load_idx %arg12[%add3A_818, %broadcast_in_dim3A_820] : memref<128x8xf32, #tpu.memory_space<vmem>>[vector<16xi32>, vector<16xi32>], vector<16xf32>,
        %gather3A_841 = tpu.vector_load_idx %arg12[%add3A_818, %broadcast_in_dim3A_822] : memref<128x8xf32, #tpu.memory_space<vmem>>[vector<16xi32>, vector<16xi32>], vector<16xf32>,
        %gather3A_842 = tpu.vector_load_idx %arg12[%add3A_818, %broadcast_in_dim3A_824] : memref<128x8xf32, #tpu.memory_space<vmem>>[vector<16xi32>, vector<16xi32>], vector<16xf32>,
        %sub3A_843 = arith.subf %gather3A_840, %gather3A_833 : vector<16xf32>
        %sub3A_844 = arith.subf %gather3A_841, %gather3A_834 : vector<16xf32>
        %sub3A_845 = arith.subf %gather3A_842, %gather3A_835 : vector<16xf32>
        %mul3A_846 = arith.mulf %sub3A_843, %sub3A_843 : vector<16xf32>
        %mul3A_847 = arith.mulf %sub3A_844, %sub3A_844 : vector<16xf32>
        %add3A_848 = arith.addf %mul3A_846, %mul3A_847 : vector<16xf32>
        %mul3A_849 = arith.mulf %sub3A_845, %sub3A_845 : vector<16xf32>
        %add3A_850 = arith.addf %add3A_848, %mul3A_849 : vector<16xf32>
        %add3A_851 = arith.constant 9.99999996E-13 : f32
        %add3A_852 = vector.broadcast %add3A_851 : f32 to vector<16xf32>
        %add3A_853 = arith.addf %add3A_850, %add3A_852 : vector<16xf32>
        %bitcast3A_854 = vector.bitcast %add3A_853 : vector<16xf32> to vector<16xi32>
        %shift_right_arithmetic3A_855 = arith.constant 1 : i32
        %shift_right_arithmetic3A_856 = vector.broadcast %shift_right_arithmetic3A_855 : i32 to vector<16xi32>
        %shift_right_arithmetic3A_857 = arith.shrsi %bitcast3A_854, %shift_right_arithmetic3A_856 : vector<16xi32>
        %sub3A_858 = arith.constant 1597463007 : i32
        %sub3A_859 = vector.broadcast %sub3A_858 : i32 to vector<16xi32>
        %sub3A_860 = arith.subi %sub3A_859, %shift_right_arithmetic3A_857 : vector<16xi32>
        %bitcast3A_861 = vector.bitcast %sub3A_860 : vector<16xi32> to vector<16xf32>
        %mul3A_862 = arith.constant 5.000000e-01 : f32
        %mul3A_863 = vector.broadcast %mul3A_862 : f32 to vector<16xf32>
        %mul3A_864 = arith.mulf %mul3A_863, %add3A_853 : vector<16xf32>
        %mul3A_865 = arith.mulf %bitcast3A_861, %bitcast3A_861 : vector<16xf32>
        %mul3A_866 = arith.mulf %mul3A_864, %mul3A_865 : vector<16xf32>
        %sub3A_867 = arith.constant 1.500000e+00 : f32
        %sub3A_868 = vector.broadcast %sub3A_867 : f32 to vector<16xf32>
        %sub3A_869 = arith.subf %sub3A_868, %mul3A_866 : vector<16xf32>
        %mul3A_870 = arith.mulf %bitcast3A_861, %sub3A_869 : vector<16xf32>
        %mul3A_871 = arith.constant 5.000000e-01 : f32
        %mul3A_872 = vector.broadcast %mul3A_871 : f32 to vector<16xf32>
        %mul3A_873 = arith.mulf %mul3A_872, %add3A_853 : vector<16xf32>
        %mul3A_874 = arith.mulf %mul3A_870, %mul3A_870 : vector<16xf32>
        %mul3A_875 = arith.mulf %mul3A_873, %mul3A_874 : vector<16xf32>
        %sub3A_876 = arith.constant 1.500000e+00 : f32
        %sub3A_877 = vector.broadcast %sub3A_876 : f32 to vector<16xf32>
        %sub3A_878 = arith.subf %sub3A_877, %mul3A_875 : vector<16xf32>
        %mul3A_879 = arith.mulf %mul3A_870, %sub3A_878 : vector<16xf32>
        %mul3A_880 = arith.constant 5.000000e-01 : f32
        %mul3A_881 = vector.broadcast %mul3A_880 : f32 to vector<16xf32>
        %mul3A_882 = arith.mulf %mul3A_881, %add3A_853 : vector<16xf32>
        %mul3A_883 = arith.mulf %mul3A_879, %mul3A_879 : vector<16xf32>
        %mul3A_884 = arith.mulf %mul3A_882, %mul3A_883 : vector<16xf32>
        %sub3A_885 = arith.constant 1.500000e+00 : f32
        %sub3A_886 = vector.broadcast %sub3A_885 : f32 to vector<16xf32>
        %sub3A_887 = arith.subf %sub3A_886, %mul3A_884 : vector<16xf32>
        %mul3A_888 = arith.mulf %mul3A_879, %sub3A_887 : vector<16xf32>
        %mul3A_889 = arith.mulf %add3A_853, %mul3A_888 : vector<16xf32>
        %mul3A_890 = arith.mulf %sub3A_843, %mul3A_888 : vector<16xf32>
        %mul3A_891 = arith.mulf %sub3A_844, %mul3A_888 : vector<16xf32>
        %mul3A_892 = arith.mulf %sub3A_845, %mul3A_888 : vector<16xf32>
        %mul3A_893 = arith.constant 1.000000e-01 : f32
        %mul3A_894 = vector.broadcast %mul3A_893 : f32 to vector<16xf32>
        %mul3A_895 = arith.mulf %mul3A_889, %mul3A_894 : vector<16xf32>
        %mul3A_896 = arith.mulf %mul3A_895, %mul3A_895 : vector<16xf32>
        %mul3A_897 = arith.mulf %mul3A_896, %mul3A_895 : vector<16xf32>
        %mul3A_898 = arith.mulf %mul3A_897, %mul3A_897 : vector<16xf32>
        %mul3A_899 = arith.mulf %mul3A_898, %mul3A_895 : vector<16xf32>
        %mul3A_900 = arith.mulf %mul3A_899, %mul3A_895 : vector<16xf32>
        %mul3A_901 = arith.constant 2.800000e+01 : f32
        %mul3A_902 = vector.broadcast %mul3A_901 : f32 to vector<16xf32>
        %mul3A_903 = arith.mulf %mul3A_902, %mul3A_898 : vector<16xf32>
        %sub3A_904 = arith.constant 1.000000e+00 : f32
        %sub3A_905 = vector.broadcast %sub3A_904 : f32 to vector<16xf32>
        %sub3A_906 = arith.subf %sub3A_905, %mul3A_903 : vector<16xf32>
        %mul3A_907 = arith.constant 4.800000e+01 : f32
        %mul3A_908 = vector.broadcast %mul3A_907 : f32 to vector<16xf32>
        %mul3A_909 = arith.mulf %mul3A_908, %mul3A_899 : vector<16xf32>
        %add3A_910 = arith.addf %sub3A_906, %mul3A_909 : vector<16xf32>
        %mul3A_911 = arith.constant 2.100000e+01 : f32
        %mul3A_912 = vector.broadcast %mul3A_911 : f32 to vector<16xf32>
        %mul3A_913 = arith.mulf %mul3A_912, %mul3A_900 : vector<16xf32>
        %sub3A_914 = arith.subf %add3A_910, %mul3A_913 : vector<16xf32>
        %lt3A_915 = arith.constant 1.000000e+00 : f32
        %lt3A_916 = vector.broadcast %lt3A_915 : f32 to vector<16xf32>
        %lt3A_917 = arith.cmpf olt, %mul3A_895, %lt3A_916 : vector<16xf32>
        %broadcast_in_dim3A_918 = arith.constant 0.000000e+00 : f32
        %broadcast_in_dim3A_919 = vector.broadcast %broadcast_in_dim3A_918 : f32 to vector<16xf32>
        %select_n3A_920 = arith.select %lt3A_917, %sub3A_914, %broadcast_in_dim3A_919 : vector<16xi1>, vector<16xf32>
        %mul3A_921 = arith.mulf %get3A_3, %add3A_853 : vector<16xf32>
        %exp3A_922 = math.exp %mul3A_921 : vector<16xf32>
        %mul3A_923 = arith.mulf %exp3A_922, %select_n3A_920 : vector<16xf32>
        %mul3A_924 = arith.mulf %get3A_5, %add3A_853 : vector<16xf32>
        %exp3A_925 = math.exp %mul3A_924 : vector<16xf32>
        %mul3A_926 = arith.constant 1.73205078 : f32
        %mul3A_927 = vector.broadcast %mul3A_926 : f32 to vector<16xf32>
        %mul3A_928 = arith.mulf %mul3A_927, %exp3A_925 : vector<16xf32>
        %mul3A_929 = arith.mulf %mul3A_928, %select_n3A_920 : vector<16xf32>
        %mul3A_930 = arith.mulf %gather3A_836, %mul3A_923 : vector<16xf32>
        tpu.vector_store_idx %arg13[%add3A_818, %broadcast_in_dim3A_820], %mul3A_930 : memref<128x8xf32, #tpu.memory_space<vmem>>[vector<16xi32>, vector<16xi32>], vector<16xf32>,
        %mul3A_931 = arith.mulf %mul3A_929, %mul3A_890 : vector<16xf32>
        %mul3A_932 = arith.mulf %gather3A_837, %mul3A_931 : vector<16xf32>
        tpu.vector_store_idx %arg13[%add3A_818, %broadcast_in_dim3A_822], %mul3A_932 : memref<128x8xf32, #tpu.memory_space<vmem>>[vector<16xi32>, vector<16xi32>], vector<16xf32>,
        %mul3A_933 = arith.mulf %mul3A_929, %mul3A_891 : vector<16xf32>
        %mul3A_934 = arith.mulf %gather3A_838, %mul3A_933 : vector<16xf32>
        tpu.vector_store_idx %arg13[%add3A_818, %broadcast_in_dim3A_824], %mul3A_934 : memref<128x8xf32, #tpu.memory_space<vmem>>[vector<16xi32>, vector<16xi32>], vector<16xf32>,
        %mul3A_935 = arith.mulf %mul3A_929, %mul3A_892 : vector<16xf32>
        %mul3A_936 = arith.mulf %gather3A_839, %mul3A_935 : vector<16xf32>
        tpu.vector_store_idx %arg13[%add3A_818, %broadcast_in_dim3A_826], %mul3A_936 : memref<128x8xf32, #tpu.memory_space<vmem>>[vector<16xi32>, vector<16xi32>], vector<16xf32>,
        %add3A_937 = arith.constant 80 : i32
        %add3A_938 = arith.addi %mul3A_168, %add3A_937 : i32
        %swap3A_939 = arith.index_cast %add3A_938 : i32 to index
        %swap3A_940 = tpu.vector_load %arg14[%swap3A_939] {strides = array<i32>} : memref<1024xf32, #tpu.memory_space<vmem>>, vector<16xf32>,
        tpu.vector_store %arg14[%swap3A_939], %mul3A_889 {strides = array<i32>} : memref<1024xf32, #tpu.memory_space<vmem>>, vector<16xf32>,
        %swap3A_941 = arith.index_cast %add3A_938 : i32 to index
        %swap3A_942 = tpu.vector_load %arg15[%swap3A_941] {strides = array<i32>} : memref<1024xf32, #tpu.memory_space<vmem>>, vector<16xf32>,
        tpu.vector_store %arg15[%swap3A_941], %mul3A_890 {strides = array<i32>} : memref<1024xf32, #tpu.memory_space<vmem>>, vector<16xf32>,
        %swap3A_943 = arith.index_cast %add3A_938 : i32 to index
        %swap3A_944 = tpu.vector_load %arg16[%swap3A_943] {strides = array<i32>} : memref<1024xf32, #tpu.memory_space<vmem>>, vector<16xf32>,
        tpu.vector_store %arg16[%swap3A_943], %mul3A_891 {strides = array<i32>} : memref<1024xf32, #tpu.memory_space<vmem>>, vector<16xf32>,
        %swap3A_945 = arith.index_cast %add3A_938 : i32 to index
        %swap3A_946 = tpu.vector_load %arg17[%swap3A_945] {strides = array<i32>} : memref<1024xf32, #tpu.memory_space<vmem>>, vector<16xf32>,
        tpu.vector_store %arg17[%swap3A_945], %mul3A_892 {strides = array<i32>} : memref<1024xf32, #tpu.memory_space<vmem>>, vector<16xf32>,
        %add3A_947 = arith.constant 96 : i32
        %add3A_948 = vector.broadcast %add3A_947 : i32 to vector<16xi32>
        %add3A_949 = arith.addi %add3A_948, %iota3A : vector<16xi32>
        %broadcast_in_dim3A_950 = arith.constant 0 : i32
        %broadcast_in_dim3A_951 = vector.broadcast %broadcast_in_dim3A_950 : i32 to vector<16xi32>
        %broadcast_in_dim3A_952 = arith.constant 1 : i32
        %broadcast_in_dim3A_953 = vector.broadcast %broadcast_in_dim3A_952 : i32 to vector<16xi32>
        %broadcast_in_dim3A_954 = arith.constant 2 : i32
        %broadcast_in_dim3A_955 = vector.broadcast %broadcast_in_dim3A_954 : i32 to vector<16xi32>
        %broadcast_in_dim3A_956 = arith.constant 3 : i32
        %broadcast_in_dim3A_957 = vector.broadcast %broadcast_in_dim3A_956 : i32 to vector<16xi32>
        %broadcast_in_dim3A_958 = arith.constant 4 : i32
        %broadcast_in_dim3A_959 = vector.broadcast %broadcast_in_dim3A_958 : i32 to vector<16xi32>
        %broadcast_in_dim3A_960 = arith.constant 5 : i32
        %broadcast_in_dim3A_961 = vector.broadcast %broadcast_in_dim3A_960 : i32 to vector<16xi32>
        %broadcast_in_dim3A_962 = arith.constant 6 : i32
        %broadcast_in_dim3A_963 = vector.broadcast %broadcast_in_dim3A_962 : i32 to vector<16xi32>
        %gather3A_964 = tpu.vector_load_idx %arg11[%add3A_949, %broadcast_in_dim3A_951] : memref<128x8xf32, #tpu.memory_space<vmem>>[vector<16xi32>, vector<16xi32>], vector<16xf32>,
        %gather3A_965 = tpu.vector_load_idx %arg11[%add3A_949, %broadcast_in_dim3A_953] : memref<128x8xf32, #tpu.memory_space<vmem>>[vector<16xi32>, vector<16xi32>], vector<16xf32>,
        %gather3A_966 = tpu.vector_load_idx %arg11[%add3A_949, %broadcast_in_dim3A_955] : memref<128x8xf32, #tpu.memory_space<vmem>>[vector<16xi32>, vector<16xi32>], vector<16xf32>,
        %gather3A_967 = tpu.vector_load_idx %arg11[%add3A_949, %broadcast_in_dim3A_957] : memref<128x8xf32, #tpu.memory_space<vmem>>[vector<16xi32>, vector<16xi32>], vector<16xf32>,
        %gather3A_968 = tpu.vector_load_idx %arg11[%add3A_949, %broadcast_in_dim3A_959] : memref<128x8xf32, #tpu.memory_space<vmem>>[vector<16xi32>, vector<16xi32>], vector<16xf32>,
        %gather3A_969 = tpu.vector_load_idx %arg11[%add3A_949, %broadcast_in_dim3A_961] : memref<128x8xf32, #tpu.memory_space<vmem>>[vector<16xi32>, vector<16xi32>], vector<16xf32>,
        %gather3A_970 = tpu.vector_load_idx %arg11[%add3A_949, %broadcast_in_dim3A_963] : memref<128x8xf32, #tpu.memory_space<vmem>>[vector<16xi32>, vector<16xi32>], vector<16xf32>,
        %gather3A_971 = tpu.vector_load_idx %arg12[%add3A_949, %broadcast_in_dim3A_951] : memref<128x8xf32, #tpu.memory_space<vmem>>[vector<16xi32>, vector<16xi32>], vector<16xf32>,
        %gather3A_972 = tpu.vector_load_idx %arg12[%add3A_949, %broadcast_in_dim3A_953] : memref<128x8xf32, #tpu.memory_space<vmem>>[vector<16xi32>, vector<16xi32>], vector<16xf32>,
        %gather3A_973 = tpu.vector_load_idx %arg12[%add3A_949, %broadcast_in_dim3A_955] : memref<128x8xf32, #tpu.memory_space<vmem>>[vector<16xi32>, vector<16xi32>], vector<16xf32>,
        %sub3A_974 = arith.subf %gather3A_971, %gather3A_964 : vector<16xf32>
        %sub3A_975 = arith.subf %gather3A_972, %gather3A_965 : vector<16xf32>
        %sub3A_976 = arith.subf %gather3A_973, %gather3A_966 : vector<16xf32>
        %mul3A_977 = arith.mulf %sub3A_974, %sub3A_974 : vector<16xf32>
        %mul3A_978 = arith.mulf %sub3A_975, %sub3A_975 : vector<16xf32>
        %add3A_979 = arith.addf %mul3A_977, %mul3A_978 : vector<16xf32>
        %mul3A_980 = arith.mulf %sub3A_976, %sub3A_976 : vector<16xf32>
        %add3A_981 = arith.addf %add3A_979, %mul3A_980 : vector<16xf32>
        %add3A_982 = arith.constant 9.99999996E-13 : f32
        %add3A_983 = vector.broadcast %add3A_982 : f32 to vector<16xf32>
        %add3A_984 = arith.addf %add3A_981, %add3A_983 : vector<16xf32>
        %bitcast3A_985 = vector.bitcast %add3A_984 : vector<16xf32> to vector<16xi32>
        %shift_right_arithmetic3A_986 = arith.constant 1 : i32
        %shift_right_arithmetic3A_987 = vector.broadcast %shift_right_arithmetic3A_986 : i32 to vector<16xi32>
        %shift_right_arithmetic3A_988 = arith.shrsi %bitcast3A_985, %shift_right_arithmetic3A_987 : vector<16xi32>
        %sub3A_989 = arith.constant 1597463007 : i32
        %sub3A_990 = vector.broadcast %sub3A_989 : i32 to vector<16xi32>
        %sub3A_991 = arith.subi %sub3A_990, %shift_right_arithmetic3A_988 : vector<16xi32>
        %bitcast3A_992 = vector.bitcast %sub3A_991 : vector<16xi32> to vector<16xf32>
        %mul3A_993 = arith.constant 5.000000e-01 : f32
        %mul3A_994 = vector.broadcast %mul3A_993 : f32 to vector<16xf32>
        %mul3A_995 = arith.mulf %mul3A_994, %add3A_984 : vector<16xf32>
        %mul3A_996 = arith.mulf %bitcast3A_992, %bitcast3A_992 : vector<16xf32>
        %mul3A_997 = arith.mulf %mul3A_995, %mul3A_996 : vector<16xf32>
        %sub3A_998 = arith.constant 1.500000e+00 : f32
        %sub3A_999 = vector.broadcast %sub3A_998 : f32 to vector<16xf32>
        %sub3A_1000 = arith.subf %sub3A_999, %mul3A_997 : vector<16xf32>
        %mul3A_1001 = arith.mulf %bitcast3A_992, %sub3A_1000 : vector<16xf32>
        %mul3A_1002 = arith.constant 5.000000e-01 : f32
        %mul3A_1003 = vector.broadcast %mul3A_1002 : f32 to vector<16xf32>
        %mul3A_1004 = arith.mulf %mul3A_1003, %add3A_984 : vector<16xf32>
        %mul3A_1005 = arith.mulf %mul3A_1001, %mul3A_1001 : vector<16xf32>
        %mul3A_1006 = arith.mulf %mul3A_1004, %mul3A_1005 : vector<16xf32>
        %sub3A_1007 = arith.constant 1.500000e+00 : f32
        %sub3A_1008 = vector.broadcast %sub3A_1007 : f32 to vector<16xf32>
        %sub3A_1009 = arith.subf %sub3A_1008, %mul3A_1006 : vector<16xf32>
        %mul3A_1010 = arith.mulf %mul3A_1001, %sub3A_1009 : vector<16xf32>
        %mul3A_1011 = arith.constant 5.000000e-01 : f32
        %mul3A_1012 = vector.broadcast %mul3A_1011 : f32 to vector<16xf32>
        %mul3A_1013 = arith.mulf %mul3A_1012, %add3A_984 : vector<16xf32>
        %mul3A_1014 = arith.mulf %mul3A_1010, %mul3A_1010 : vector<16xf32>
        %mul3A_1015 = arith.mulf %mul3A_1013, %mul3A_1014 : vector<16xf32>
        %sub3A_1016 = arith.constant 1.500000e+00 : f32
        %sub3A_1017 = vector.broadcast %sub3A_1016 : f32 to vector<16xf32>
        %sub3A_1018 = arith.subf %sub3A_1017, %mul3A_1015 : vector<16xf32>
        %mul3A_1019 = arith.mulf %mul3A_1010, %sub3A_1018 : vector<16xf32>
        %mul3A_1020 = arith.mulf %add3A_984, %mul3A_1019 : vector<16xf32>
        %mul3A_1021 = arith.mulf %sub3A_974, %mul3A_1019 : vector<16xf32>
        %mul3A_1022 = arith.mulf %sub3A_975, %mul3A_1019 : vector<16xf32>
        %mul3A_1023 = arith.mulf %sub3A_976, %mul3A_1019 : vector<16xf32>
        %mul3A_1024 = arith.constant 1.000000e-01 : f32
        %mul3A_1025 = vector.broadcast %mul3A_1024 : f32 to vector<16xf32>
        %mul3A_1026 = arith.mulf %mul3A_1020, %mul3A_1025 : vector<16xf32>
        %mul3A_1027 = arith.mulf %mul3A_1026, %mul3A_1026 : vector<16xf32>
        %mul3A_1028 = arith.mulf %mul3A_1027, %mul3A_1026 : vector<16xf32>
        %mul3A_1029 = arith.mulf %mul3A_1028, %mul3A_1028 : vector<16xf32>
        %mul3A_1030 = arith.mulf %mul3A_1029, %mul3A_1026 : vector<16xf32>
        %mul3A_1031 = arith.mulf %mul3A_1030, %mul3A_1026 : vector<16xf32>
        %mul3A_1032 = arith.constant 2.800000e+01 : f32
        %mul3A_1033 = vector.broadcast %mul3A_1032 : f32 to vector<16xf32>
        %mul3A_1034 = arith.mulf %mul3A_1033, %mul3A_1029 : vector<16xf32>
        %sub3A_1035 = arith.constant 1.000000e+00 : f32
        %sub3A_1036 = vector.broadcast %sub3A_1035 : f32 to vector<16xf32>
        %sub3A_1037 = arith.subf %sub3A_1036, %mul3A_1034 : vector<16xf32>
        %mul3A_1038 = arith.constant 4.800000e+01 : f32
        %mul3A_1039 = vector.broadcast %mul3A_1038 : f32 to vector<16xf32>
        %mul3A_1040 = arith.mulf %mul3A_1039, %mul3A_1030 : vector<16xf32>
        %add3A_1041 = arith.addf %sub3A_1037, %mul3A_1040 : vector<16xf32>
        %mul3A_1042 = arith.constant 2.100000e+01 : f32
        %mul3A_1043 = vector.broadcast %mul3A_1042 : f32 to vector<16xf32>
        %mul3A_1044 = arith.mulf %mul3A_1043, %mul3A_1031 : vector<16xf32>
        %sub3A_1045 = arith.subf %add3A_1041, %mul3A_1044 : vector<16xf32>
        %lt3A_1046 = arith.constant 1.000000e+00 : f32
        %lt3A_1047 = vector.broadcast %lt3A_1046 : f32 to vector<16xf32>
        %lt3A_1048 = arith.cmpf olt, %mul3A_1026, %lt3A_1047 : vector<16xf32>
        %broadcast_in_dim3A_1049 = arith.constant 0.000000e+00 : f32
        %broadcast_in_dim3A_1050 = vector.broadcast %broadcast_in_dim3A_1049 : f32 to vector<16xf32>
        %select_n3A_1051 = arith.select %lt3A_1048, %sub3A_1045, %broadcast_in_dim3A_1050 : vector<16xi1>, vector<16xf32>
        %mul3A_1052 = arith.mulf %get3A_3, %add3A_984 : vector<16xf32>
        %exp3A_1053 = math.exp %mul3A_1052 : vector<16xf32>
        %mul3A_1054 = arith.mulf %exp3A_1053, %select_n3A_1051 : vector<16xf32>
        %mul3A_1055 = arith.mulf %get3A_5, %add3A_984 : vector<16xf32>
        %exp3A_1056 = math.exp %mul3A_1055 : vector<16xf32>
        %mul3A_1057 = arith.constant 1.73205078 : f32
        %mul3A_1058 = vector.broadcast %mul3A_1057 : f32 to vector<16xf32>
        %mul3A_1059 = arith.mulf %mul3A_1058, %exp3A_1056 : vector<16xf32>
        %mul3A_1060 = arith.mulf %mul3A_1059, %select_n3A_1051 : vector<16xf32>
        %mul3A_1061 = arith.mulf %gather3A_967, %mul3A_1054 : vector<16xf32>
        tpu.vector_store_idx %arg13[%add3A_949, %broadcast_in_dim3A_951], %mul3A_1061 : memref<128x8xf32, #tpu.memory_space<vmem>>[vector<16xi32>, vector<16xi32>], vector<16xf32>,
        %mul3A_1062 = arith.mulf %mul3A_1060, %mul3A_1021 : vector<16xf32>
        %mul3A_1063 = arith.mulf %gather3A_968, %mul3A_1062 : vector<16xf32>
        tpu.vector_store_idx %arg13[%add3A_949, %broadcast_in_dim3A_953], %mul3A_1063 : memref<128x8xf32, #tpu.memory_space<vmem>>[vector<16xi32>, vector<16xi32>], vector<16xf32>,
        %mul3A_1064 = arith.mulf %mul3A_1060, %mul3A_1022 : vector<16xf32>
        %mul3A_1065 = arith.mulf %gather3A_969, %mul3A_1064 : vector<16xf32>
        tpu.vector_store_idx %arg13[%add3A_949, %broadcast_in_dim3A_955], %mul3A_1065 : memref<128x8xf32, #tpu.memory_space<vmem>>[vector<16xi32>, vector<16xi32>], vector<16xf32>,
        %mul3A_1066 = arith.mulf %mul3A_1060, %mul3A_1023 : vector<16xf32>
        %mul3A_1067 = arith.mulf %gather3A_970, %mul3A_1066 : vector<16xf32>
        tpu.vector_store_idx %arg13[%add3A_949, %broadcast_in_dim3A_957], %mul3A_1067 : memref<128x8xf32, #tpu.memory_space<vmem>>[vector<16xi32>, vector<16xi32>], vector<16xf32>,
        %add3A_1068 = arith.constant 96 : i32
        %add3A_1069 = arith.addi %mul3A_168, %add3A_1068 : i32
        %swap3A_1070 = arith.index_cast %add3A_1069 : i32 to index
        %swap3A_1071 = tpu.vector_load %arg14[%swap3A_1070] {strides = array<i32>} : memref<1024xf32, #tpu.memory_space<vmem>>, vector<16xf32>,
        tpu.vector_store %arg14[%swap3A_1070], %mul3A_1020 {strides = array<i32>} : memref<1024xf32, #tpu.memory_space<vmem>>, vector<16xf32>,
        %swap3A_1072 = arith.index_cast %add3A_1069 : i32 to index
        %swap3A_1073 = tpu.vector_load %arg15[%swap3A_1072] {strides = array<i32>} : memref<1024xf32, #tpu.memory_space<vmem>>, vector<16xf32>,
        tpu.vector_store %arg15[%swap3A_1072], %mul3A_1021 {strides = array<i32>} : memref<1024xf32, #tpu.memory_space<vmem>>, vector<16xf32>,
        %swap3A_1074 = arith.index_cast %add3A_1069 : i32 to index
        %swap3A_1075 = tpu.vector_load %arg16[%swap3A_1074] {strides = array<i32>} : memref<1024xf32, #tpu.memory_space<vmem>>, vector<16xf32>,
        tpu.vector_store %arg16[%swap3A_1074], %mul3A_1022 {strides = array<i32>} : memref<1024xf32, #tpu.memory_space<vmem>>, vector<16xf32>,
        %swap3A_1076 = arith.index_cast %add3A_1069 : i32 to index
        %swap3A_1077 = tpu.vector_load %arg17[%swap3A_1076] {strides = array<i32>} : memref<1024xf32, #tpu.memory_space<vmem>>, vector<16xf32>,
        tpu.vector_store %arg17[%swap3A_1076], %mul3A_1023 {strides = array<i32>} : memref<1024xf32, #tpu.memory_space<vmem>>, vector<16xf32>,
        %add3A_1078 = arith.constant 112 : i32
        %add3A_1079 = vector.broadcast %add3A_1078 : i32 to vector<16xi32>
        %add3A_1080 = arith.addi %add3A_1079, %iota3A : vector<16xi32>
        %broadcast_in_dim3A_1081 = arith.constant 0 : i32
        %broadcast_in_dim3A_1082 = vector.broadcast %broadcast_in_dim3A_1081 : i32 to vector<16xi32>
        %broadcast_in_dim3A_1083 = arith.constant 1 : i32
        %broadcast_in_dim3A_1084 = vector.broadcast %broadcast_in_dim3A_1083 : i32 to vector<16xi32>
        %broadcast_in_dim3A_1085 = arith.constant 2 : i32
        %broadcast_in_dim3A_1086 = vector.broadcast %broadcast_in_dim3A_1085 : i32 to vector<16xi32>
        %broadcast_in_dim3A_1087 = arith.constant 3 : i32
        %broadcast_in_dim3A_1088 = vector.broadcast %broadcast_in_dim3A_1087 : i32 to vector<16xi32>
        %broadcast_in_dim3A_1089 = arith.constant 4 : i32
        %broadcast_in_dim3A_1090 = vector.broadcast %broadcast_in_dim3A_1089 : i32 to vector<16xi32>
        %broadcast_in_dim3A_1091 = arith.constant 5 : i32
        %broadcast_in_dim3A_1092 = vector.broadcast %broadcast_in_dim3A_1091 : i32 to vector<16xi32>
        %broadcast_in_dim3A_1093 = arith.constant 6 : i32
        %broadcast_in_dim3A_1094 = vector.broadcast %broadcast_in_dim3A_1093 : i32 to vector<16xi32>
        %gather3A_1095 = tpu.vector_load_idx %arg11[%add3A_1080, %broadcast_in_dim3A_1082] : memref<128x8xf32, #tpu.memory_space<vmem>>[vector<16xi32>, vector<16xi32>], vector<16xf32>,
        %gather3A_1096 = tpu.vector_load_idx %arg11[%add3A_1080, %broadcast_in_dim3A_1084] : memref<128x8xf32, #tpu.memory_space<vmem>>[vector<16xi32>, vector<16xi32>], vector<16xf32>,
        %gather3A_1097 = tpu.vector_load_idx %arg11[%add3A_1080, %broadcast_in_dim3A_1086] : memref<128x8xf32, #tpu.memory_space<vmem>>[vector<16xi32>, vector<16xi32>], vector<16xf32>,
        %gather3A_1098 = tpu.vector_load_idx %arg11[%add3A_1080, %broadcast_in_dim3A_1088] : memref<128x8xf32, #tpu.memory_space<vmem>>[vector<16xi32>, vector<16xi32>], vector<16xf32>,
        %gather3A_1099 = tpu.vector_load_idx %arg11[%add3A_1080, %broadcast_in_dim3A_1090] : memref<128x8xf32, #tpu.memory_space<vmem>>[vector<16xi32>, vector<16xi32>], vector<16xf32>,
        %gather3A_1100 = tpu.vector_load_idx %arg11[%add3A_1080, %broadcast_in_dim3A_1092] : memref<128x8xf32, #tpu.memory_space<vmem>>[vector<16xi32>, vector<16xi32>], vector<16xf32>,
        %gather3A_1101 = tpu.vector_load_idx %arg11[%add3A_1080, %broadcast_in_dim3A_1094] : memref<128x8xf32, #tpu.memory_space<vmem>>[vector<16xi32>, vector<16xi32>], vector<16xf32>,
        %gather3A_1102 = tpu.vector_load_idx %arg12[%add3A_1080, %broadcast_in_dim3A_1082] : memref<128x8xf32, #tpu.memory_space<vmem>>[vector<16xi32>, vector<16xi32>], vector<16xf32>,
        %gather3A_1103 = tpu.vector_load_idx %arg12[%add3A_1080, %broadcast_in_dim3A_1084] : memref<128x8xf32, #tpu.memory_space<vmem>>[vector<16xi32>, vector<16xi32>], vector<16xf32>,
        %gather3A_1104 = tpu.vector_load_idx %arg12[%add3A_1080, %broadcast_in_dim3A_1086] : memref<128x8xf32, #tpu.memory_space<vmem>>[vector<16xi32>, vector<16xi32>], vector<16xf32>,
        %sub3A_1105 = arith.subf %gather3A_1102, %gather3A_1095 : vector<16xf32>
        %sub3A_1106 = arith.subf %gather3A_1103, %gather3A_1096 : vector<16xf32>
        %sub3A_1107 = arith.subf %gather3A_1104, %gather3A_1097 : vector<16xf32>
        %mul3A_1108 = arith.mulf %sub3A_1105, %sub3A_1105 : vector<16xf32>
        %mul3A_1109 = arith.mulf %sub3A_1106, %sub3A_1106 : vector<16xf32>
        %add3A_1110 = arith.addf %mul3A_1108, %mul3A_1109 : vector<16xf32>
        %mul3A_1111 = arith.mulf %sub3A_1107, %sub3A_1107 : vector<16xf32>
        %add3A_1112 = arith.addf %add3A_1110, %mul3A_1111 : vector<16xf32>
        %add3A_1113 = arith.constant 9.99999996E-13 : f32
        %add3A_1114 = vector.broadcast %add3A_1113 : f32 to vector<16xf32>
        %add3A_1115 = arith.addf %add3A_1112, %add3A_1114 : vector<16xf32>
        %bitcast3A_1116 = vector.bitcast %add3A_1115 : vector<16xf32> to vector<16xi32>
        %shift_right_arithmetic3A_1117 = arith.constant 1 : i32
        %shift_right_arithmetic3A_1118 = vector.broadcast %shift_right_arithmetic3A_1117 : i32 to vector<16xi32>
        %shift_right_arithmetic3A_1119 = arith.shrsi %bitcast3A_1116, %shift_right_arithmetic3A_1118 : vector<16xi32>
        %sub3A_1120 = arith.constant 1597463007 : i32
        %sub3A_1121 = vector.broadcast %sub3A_1120 : i32 to vector<16xi32>
        %sub3A_1122 = arith.subi %sub3A_1121, %shift_right_arithmetic3A_1119 : vector<16xi32>
        %bitcast3A_1123 = vector.bitcast %sub3A_1122 : vector<16xi32> to vector<16xf32>
        %mul3A_1124 = arith.constant 5.000000e-01 : f32
        %mul3A_1125 = vector.broadcast %mul3A_1124 : f32 to vector<16xf32>
        %mul3A_1126 = arith.mulf %mul3A_1125, %add3A_1115 : vector<16xf32>
        %mul3A_1127 = arith.mulf %bitcast3A_1123, %bitcast3A_1123 : vector<16xf32>
        %mul3A_1128 = arith.mulf %mul3A_1126, %mul3A_1127 : vector<16xf32>
        %sub3A_1129 = arith.constant 1.500000e+00 : f32
        %sub3A_1130 = vector.broadcast %sub3A_1129 : f32 to vector<16xf32>
        %sub3A_1131 = arith.subf %sub3A_1130, %mul3A_1128 : vector<16xf32>
        %mul3A_1132 = arith.mulf %bitcast3A_1123, %sub3A_1131 : vector<16xf32>
        %mul3A_1133 = arith.constant 5.000000e-01 : f32
        %mul3A_1134 = vector.broadcast %mul3A_1133 : f32 to vector<16xf32>
        %mul3A_1135 = arith.mulf %mul3A_1134, %add3A_1115 : vector<16xf32>
        %mul3A_1136 = arith.mulf %mul3A_1132, %mul3A_1132 : vector<16xf32>
        %mul3A_1137 = arith.mulf %mul3A_1135, %mul3A_1136 : vector<16xf32>
        %sub3A_1138 = arith.constant 1.500000e+00 : f32
        %sub3A_1139 = vector.broadcast %sub3A_1138 : f32 to vector<16xf32>
        %sub3A_1140 = arith.subf %sub3A_1139, %mul3A_1137 : vector<16xf32>
        %mul3A_1141 = arith.mulf %mul3A_1132, %sub3A_1140 : vector<16xf32>
        %mul3A_1142 = arith.constant 5.000000e-01 : f32
        %mul3A_1143 = vector.broadcast %mul3A_1142 : f32 to vector<16xf32>
        %mul3A_1144 = arith.mulf %mul3A_1143, %add3A_1115 : vector<16xf32>
        %mul3A_1145 = arith.mulf %mul3A_1141, %mul3A_1141 : vector<16xf32>
        %mul3A_1146 = arith.mulf %mul3A_1144, %mul3A_1145 : vector<16xf32>
        %sub3A_1147 = arith.constant 1.500000e+00 : f32
        %sub3A_1148 = vector.broadcast %sub3A_1147 : f32 to vector<16xf32>
        %sub3A_1149 = arith.subf %sub3A_1148, %mul3A_1146 : vector<16xf32>
        %mul3A_1150 = arith.mulf %mul3A_1141, %sub3A_1149 : vector<16xf32>
        %mul3A_1151 = arith.mulf %add3A_1115, %mul3A_1150 : vector<16xf32>
        %mul3A_1152 = arith.mulf %sub3A_1105, %mul3A_1150 : vector<16xf32>
        %mul3A_1153 = arith.mulf %sub3A_1106, %mul3A_1150 : vector<16xf32>
        %mul3A_1154 = arith.mulf %sub3A_1107, %mul3A_1150 : vector<16xf32>
        %mul3A_1155 = arith.constant 1.000000e-01 : f32
        %mul3A_1156 = vector.broadcast %mul3A_1155 : f32 to vector<16xf32>
        %mul3A_1157 = arith.mulf %mul3A_1151, %mul3A_1156 : vector<16xf32>
        %mul3A_1158 = arith.mulf %mul3A_1157, %mul3A_1157 : vector<16xf32>
        %mul3A_1159 = arith.mulf %mul3A_1158, %mul3A_1157 : vector<16xf32>
        %mul3A_1160 = arith.mulf %mul3A_1159, %mul3A_1159 : vector<16xf32>
        %mul3A_1161 = arith.mulf %mul3A_1160, %mul3A_1157 : vector<16xf32>
        %mul3A_1162 = arith.mulf %mul3A_1161, %mul3A_1157 : vector<16xf32>
        %mul3A_1163 = arith.constant 2.800000e+01 : f32
        %mul3A_1164 = vector.broadcast %mul3A_1163 : f32 to vector<16xf32>
        %mul3A_1165 = arith.mulf %mul3A_1164, %mul3A_1160 : vector<16xf32>
        %sub3A_1166 = arith.constant 1.000000e+00 : f32
        %sub3A_1167 = vector.broadcast %sub3A_1166 : f32 to vector<16xf32>
        %sub3A_1168 = arith.subf %sub3A_1167, %mul3A_1165 : vector<16xf32>
        %mul3A_1169 = arith.constant 4.800000e+01 : f32
        %mul3A_1170 = vector.broadcast %mul3A_1169 : f32 to vector<16xf32>
        %mul3A_1171 = arith.mulf %mul3A_1170, %mul3A_1161 : vector<16xf32>
        %add3A_1172 = arith.addf %sub3A_1168, %mul3A_1171 : vector<16xf32>
        %mul3A_1173 = arith.constant 2.100000e+01 : f32
        %mul3A_1174 = vector.broadcast %mul3A_1173 : f32 to vector<16xf32>
        %mul3A_1175 = arith.mulf %mul3A_1174, %mul3A_1162 : vector<16xf32>
        %sub3A_1176 = arith.subf %add3A_1172, %mul3A_1175 : vector<16xf32>
        %lt3A_1177 = arith.constant 1.000000e+00 : f32
        %lt3A_1178 = vector.broadcast %lt3A_1177 : f32 to vector<16xf32>
        %lt3A_1179 = arith.cmpf olt, %mul3A_1157, %lt3A_1178 : vector<16xf32>
        %broadcast_in_dim3A_1180 = arith.constant 0.000000e+00 : f32
        %broadcast_in_dim3A_1181 = vector.broadcast %broadcast_in_dim3A_1180 : f32 to vector<16xf32>
        %select_n3A_1182 = arith.select %lt3A_1179, %sub3A_1176, %broadcast_in_dim3A_1181 : vector<16xi1>, vector<16xf32>
        %mul3A_1183 = arith.mulf %get3A_3, %add3A_1115 : vector<16xf32>
        %exp3A_1184 = math.exp %mul3A_1183 : vector<16xf32>
        %mul3A_1185 = arith.mulf %exp3A_1184, %select_n3A_1182 : vector<16xf32>
        %mul3A_1186 = arith.mulf %get3A_5, %add3A_1115 : vector<16xf32>
        %exp3A_1187 = math.exp %mul3A_1186 : vector<16xf32>
        %mul3A_1188 = arith.constant 1.73205078 : f32
        %mul3A_1189 = vector.broadcast %mul3A_1188 : f32 to vector<16xf32>
        %mul3A_1190 = arith.mulf %mul3A_1189, %exp3A_1187 : vector<16xf32>
        %mul3A_1191 = arith.mulf %mul3A_1190, %select_n3A_1182 : vector<16xf32>
        %mul3A_1192 = arith.mulf %gather3A_1098, %mul3A_1185 : vector<16xf32>
        tpu.vector_store_idx %arg13[%add3A_1080, %broadcast_in_dim3A_1082], %mul3A_1192 : memref<128x8xf32, #tpu.memory_space<vmem>>[vector<16xi32>, vector<16xi32>], vector<16xf32>,
        %mul3A_1193 = arith.mulf %mul3A_1191, %mul3A_1152 : vector<16xf32>
        %mul3A_1194 = arith.mulf %gather3A_1099, %mul3A_1193 : vector<16xf32>
        tpu.vector_store_idx %arg13[%add3A_1080, %broadcast_in_dim3A_1084], %mul3A_1194 : memref<128x8xf32, #tpu.memory_space<vmem>>[vector<16xi32>, vector<16xi32>], vector<16xf32>,
        %mul3A_1195 = arith.mulf %mul3A_1191, %mul3A_1153 : vector<16xf32>
        %mul3A_1196 = arith.mulf %gather3A_1100, %mul3A_1195 : vector<16xf32>
        tpu.vector_store_idx %arg13[%add3A_1080, %broadcast_in_dim3A_1086], %mul3A_1196 : memref<128x8xf32, #tpu.memory_space<vmem>>[vector<16xi32>, vector<16xi32>], vector<16xf32>,
        %mul3A_1197 = arith.mulf %mul3A_1191, %mul3A_1154 : vector<16xf32>
        %mul3A_1198 = arith.mulf %gather3A_1101, %mul3A_1197 : vector<16xf32>
        tpu.vector_store_idx %arg13[%add3A_1080, %broadcast_in_dim3A_1088], %mul3A_1198 : memref<128x8xf32, #tpu.memory_space<vmem>>[vector<16xi32>, vector<16xi32>], vector<16xf32>,
        %add3A_1199 = arith.constant 112 : i32
        %add3A_1200 = arith.addi %mul3A_168, %add3A_1199 : i32
        %swap3A_1201 = arith.index_cast %add3A_1200 : i32 to index
        %swap3A_1202 = tpu.vector_load %arg14[%swap3A_1201] {strides = array<i32>} : memref<1024xf32, #tpu.memory_space<vmem>>, vector<16xf32>,
        tpu.vector_store %arg14[%swap3A_1201], %mul3A_1151 {strides = array<i32>} : memref<1024xf32, #tpu.memory_space<vmem>>, vector<16xf32>,
        %swap3A_1203 = arith.index_cast %add3A_1200 : i32 to index
        %swap3A_1204 = tpu.vector_load %arg15[%swap3A_1203] {strides = array<i32>} : memref<1024xf32, #tpu.memory_space<vmem>>, vector<16xf32>,
        tpu.vector_store %arg15[%swap3A_1203], %mul3A_1152 {strides = array<i32>} : memref<1024xf32, #tpu.memory_space<vmem>>, vector<16xf32>,
        %swap3A_1205 = arith.index_cast %add3A_1200 : i32 to index
        %swap3A_1206 = tpu.vector_load %arg16[%swap3A_1205] {strides = array<i32>} : memref<1024xf32, #tpu.memory_space<vmem>>, vector<16xf32>,
        tpu.vector_store %arg16[%swap3A_1205], %mul3A_1153 {strides = array<i32>} : memref<1024xf32, #tpu.memory_space<vmem>>, vector<16xf32>,
        %swap3A_1207 = arith.index_cast %add3A_1200 : i32 to index
        %swap3A_1208 = tpu.vector_load %arg17[%swap3A_1207] {strides = array<i32>} : memref<1024xf32, #tpu.memory_space<vmem>>, vector<16xf32>,
        tpu.vector_store %arg17[%swap3A_1207], %mul3A_1154 {strides = array<i32>} : memref<1024xf32, #tpu.memory_space<vmem>>, vector<16xf32>,
        "tpu.region"() ({
          %run_scoped3A_1209 = tpu.sem_alloc : memref<!tpu.dma_semaphore, #tpu.memory_space<semaphore_mem>>
          %dma_start3A_1210 = arith.constant 0 : i32
          %dma_start3A_1211 = tpu.memref_slice %arg10[%add3A_144, %dma_start3A_1210] : memref<8x128xi32, #tpu.memory_space<vmem>> -> memref<1x128xi32, #tpu.memory_space<vmem>>
          %dma_start3A_1212 = tpu.memref_squeeze %dma_start3A_1211 : memref<1x128xi32, #tpu.memory_space<vmem>> -> memref<128xi32, #tpu.memory_space<vmem>>
          %dma_start3A_1213 = arith.constant 0 : i32
          %dma_start3A_1214 = arith.constant 0 : i32
          %dma_start3A_1215 = tpu.memref_slice %arg19[%dma_start3A_1213, %dma_start3A_1214] : memref<50176x8xf32, #tpu.memory_space<vmem_shared>> -> memref<50176x8xf32, #tpu.memory_space<vmem_shared>>
          tpu.enqueue_indirect_dma source(%arg13 : memref<128x8xf32, #tpu.memory_space<vmem>>) target(%dma_start3A_1215 : memref<50176x8xf32, #tpu.memory_space<vmem_shared>>) offsets(%dma_start3A_1212 : memref<128xi32, #tpu.memory_space<vmem>>) semaphore(%run_scoped3A_1209 : memref<!tpu.dma_semaphore, #tpu.memory_space<semaphore_mem>>) {add = true}
          %dma_wait3A_1216 = arith.constant 0 : i32
          %dma_wait3A_1217 = tpu.memref_slice %arg10[%add3A_144, %dma_wait3A_1216] : memref<8x128xi32, #tpu.memory_space<vmem>> -> memref<1x128xi32, #tpu.memory_space<vmem>>
          %dma_wait3A_1218 = tpu.memref_squeeze %dma_wait3A_1217 : memref<1x128xi32, #tpu.memory_space<vmem>> -> memref<128xi32, #tpu.memory_space<vmem>>
          %dma_wait3A_1219 = arith.constant 0 : i32
          %dma_wait3A_1220 = arith.constant 0 : i32
          %dma_wait3A_1221 = tpu.memref_slice %arg19[%dma_wait3A_1219, %dma_wait3A_1220] : memref<50176x8xf32, #tpu.memory_space<vmem_shared>> -> memref<50176x8xf32, #tpu.memory_space<vmem_shared>>
          tpu.wait_indirect_dma semaphore(%run_scoped3A_1209 : memref<!tpu.dma_semaphore, #tpu.memory_space<semaphore_mem>>) src(%arg13 : memref<128x8xf32, #tpu.memory_space<vmem>>) dst(%dma_wait3A_1221 : memref<50176x8xf32, #tpu.memory_space<vmem_shared>>)
          tpu.yield
        }) : () -> ()
      }
      %scan3A_133 = arith.constant 8 : i32
      %mul3A_134 = arith.constant 1024 : i32
      %mul3A_135 = arith.muli %add3A_124, %mul3A_134 : i32
      %add3A_136 = arith.addi %mul3A_112, %mul3A_135 : i32
      %run_scoped3A = arith.constant 0 : i32
      "tpu.region"() ({
        %run_scoped3A_140 = tpu.sem_alloc : memref<!tpu.dma_semaphore, #tpu.memory_space<semaphore_mem>>
        %dma_start3A = tpu.memref_slice %arg7[%run_scoped3A, %add3A_136] : memref<4x1605632xf32, #tpu.memory_space<hbm>> -> memref<1x1024xf32, #tpu.memory_space<hbm>>
        %dma_start3A_141 = tpu.memref_squeeze %dma_start3A : memref<1x1024xf32, #tpu.memory_space<hbm>> -> memref<1024xf32, #tpu.memory_space<hbm>>
        %dma_start3A_142 = tpu.memref_slice %arg7[%run_scoped3A, %add3A_136] : memref<4x1605632xf32, #tpu.memory_space<hbm>> -> memref<1x1024xf32, #tpu.memory_space<hbm>>
        %dma_start3A_143 = tpu.memref_squeeze %dma_start3A_142 : memref<1x1024xf32, #tpu.memory_space<hbm>> -> memref<1024xf32, #tpu.memory_space<hbm>>
        tpu.enqueue_dma source(%arg14 : memref<1024xf32, #tpu.memory_space<vmem>>) target(%dma_start3A_143 : memref<1024xf32, #tpu.memory_space<hbm>>) target_semaphore(%run_scoped3A_140 : memref<!tpu.dma_semaphore, #tpu.memory_space<semaphore_mem>>)
        %dma_wait3A = tpu.memref_slice %arg7[%run_scoped3A, %add3A_136] : memref<4x1605632xf32, #tpu.memory_space<hbm>> -> memref<1x1024xf32, #tpu.memory_space<hbm>>
        %dma_wait3A_144 = tpu.memref_squeeze %dma_wait3A : memref<1x1024xf32, #tpu.memory_space<hbm>> -> memref<1024xf32, #tpu.memory_space<hbm>>
        %dma_wait3A_145 = tpu.memref_slice %arg7[%run_scoped3A, %add3A_136] : memref<4x1605632xf32, #tpu.memory_space<hbm>> -> memref<1x1024xf32, #tpu.memory_space<hbm>>
        %dma_wait3A_146 = tpu.memref_squeeze %dma_wait3A_145 : memref<1x1024xf32, #tpu.memory_space<hbm>> -> memref<1024xf32, #tpu.memory_space<hbm>>
        tpu.wait_dma2 semaphore(%run_scoped3A_140 : memref<!tpu.dma_semaphore, #tpu.memory_space<semaphore_mem>>) src(%arg14 : memref<1024xf32, #tpu.memory_space<vmem>>) dst(%dma_wait3A_146 : memref<1024xf32, #tpu.memory_space<hbm>>)
        tpu.yield
      }) : () -> ()
      %run_scoped3A_137 = arith.constant 1 : i32
      "tpu.region"() ({
        %run_scoped3A_140 = tpu.sem_alloc : memref<!tpu.dma_semaphore, #tpu.memory_space<semaphore_mem>>
        %dma_start3A = tpu.memref_slice %arg7[%run_scoped3A_137, %add3A_136] : memref<4x1605632xf32, #tpu.memory_space<hbm>> -> memref<1x1024xf32, #tpu.memory_space<hbm>>
        %dma_start3A_141 = tpu.memref_squeeze %dma_start3A : memref<1x1024xf32, #tpu.memory_space<hbm>> -> memref<1024xf32, #tpu.memory_space<hbm>>
        %dma_start3A_142 = tpu.memref_slice %arg7[%run_scoped3A_137, %add3A_136] : memref<4x1605632xf32, #tpu.memory_space<hbm>> -> memref<1x1024xf32, #tpu.memory_space<hbm>>
        %dma_start3A_143 = tpu.memref_squeeze %dma_start3A_142 : memref<1x1024xf32, #tpu.memory_space<hbm>> -> memref<1024xf32, #tpu.memory_space<hbm>>
        tpu.enqueue_dma source(%arg15 : memref<1024xf32, #tpu.memory_space<vmem>>) target(%dma_start3A_143 : memref<1024xf32, #tpu.memory_space<hbm>>) target_semaphore(%run_scoped3A_140 : memref<!tpu.dma_semaphore, #tpu.memory_space<semaphore_mem>>)
        %dma_wait3A = tpu.memref_slice %arg7[%run_scoped3A_137, %add3A_136] : memref<4x1605632xf32, #tpu.memory_space<hbm>> -> memref<1x1024xf32, #tpu.memory_space<hbm>>
        %dma_wait3A_144 = tpu.memref_squeeze %dma_wait3A : memref<1x1024xf32, #tpu.memory_space<hbm>> -> memref<1024xf32, #tpu.memory_space<hbm>>
        %dma_wait3A_145 = tpu.memref_slice %arg7[%run_scoped3A_137, %add3A_136] : memref<4x1605632xf32, #tpu.memory_space<hbm>> -> memref<1x1024xf32, #tpu.memory_space<hbm>>
        %dma_wait3A_146 = tpu.memref_squeeze %dma_wait3A_145 : memref<1x1024xf32, #tpu.memory_space<hbm>> -> memref<1024xf32, #tpu.memory_space<hbm>>
        tpu.wait_dma2 semaphore(%run_scoped3A_140 : memref<!tpu.dma_semaphore, #tpu.memory_space<semaphore_mem>>) src(%arg15 : memref<1024xf32, #tpu.memory_space<vmem>>) dst(%dma_wait3A_146 : memref<1024xf32, #tpu.memory_space<hbm>>)
        tpu.yield
      }) : () -> ()
      %run_scoped3A_138 = arith.constant 2 : i32
      "tpu.region"() ({
        %run_scoped3A_140 = tpu.sem_alloc : memref<!tpu.dma_semaphore, #tpu.memory_space<semaphore_mem>>
        %dma_start3A = tpu.memref_slice %arg7[%run_scoped3A_138, %add3A_136] : memref<4x1605632xf32, #tpu.memory_space<hbm>> -> memref<1x1024xf32, #tpu.memory_space<hbm>>
        %dma_start3A_141 = tpu.memref_squeeze %dma_start3A : memref<1x1024xf32, #tpu.memory_space<hbm>> -> memref<1024xf32, #tpu.memory_space<hbm>>
        %dma_start3A_142 = tpu.memref_slice %arg7[%run_scoped3A_138, %add3A_136] : memref<4x1605632xf32, #tpu.memory_space<hbm>> -> memref<1x1024xf32, #tpu.memory_space<hbm>>
        %dma_start3A_143 = tpu.memref_squeeze %dma_start3A_142 : memref<1x1024xf32, #tpu.memory_space<hbm>> -> memref<1024xf32, #tpu.memory_space<hbm>>
        tpu.enqueue_dma source(%arg16 : memref<1024xf32, #tpu.memory_space<vmem>>) target(%dma_start3A_143 : memref<1024xf32, #tpu.memory_space<hbm>>) target_semaphore(%run_scoped3A_140 : memref<!tpu.dma_semaphore, #tpu.memory_space<semaphore_mem>>)
        %dma_wait3A = tpu.memref_slice %arg7[%run_scoped3A_138, %add3A_136] : memref<4x1605632xf32, #tpu.memory_space<hbm>> -> memref<1x1024xf32, #tpu.memory_space<hbm>>
        %dma_wait3A_144 = tpu.memref_squeeze %dma_wait3A : memref<1x1024xf32, #tpu.memory_space<hbm>> -> memref<1024xf32, #tpu.memory_space<hbm>>
        %dma_wait3A_145 = tpu.memref_slice %arg7[%run_scoped3A_138, %add3A_136] : memref<4x1605632xf32, #tpu.memory_space<hbm>> -> memref<1x1024xf32, #tpu.memory_space<hbm>>
        %dma_wait3A_146 = tpu.memref_squeeze %dma_wait3A_145 : memref<1x1024xf32, #tpu.memory_space<hbm>> -> memref<1024xf32, #tpu.memory_space<hbm>>
        tpu.wait_dma2 semaphore(%run_scoped3A_140 : memref<!tpu.dma_semaphore, #tpu.memory_space<semaphore_mem>>) src(%arg16 : memref<1024xf32, #tpu.memory_space<vmem>>) dst(%dma_wait3A_146 : memref<1024xf32, #tpu.memory_space<hbm>>)
        tpu.yield
      }) : () -> ()
      %run_scoped3A_139 = arith.constant 3 : i32
      "tpu.region"() ({
        %run_scoped3A_140 = tpu.sem_alloc : memref<!tpu.dma_semaphore, #tpu.memory_space<semaphore_mem>>
        %dma_start3A = tpu.memref_slice %arg7[%run_scoped3A_139, %add3A_136] : memref<4x1605632xf32, #tpu.memory_space<hbm>> -> memref<1x1024xf32, #tpu.memory_space<hbm>>
        %dma_start3A_141 = tpu.memref_squeeze %dma_start3A : memref<1x1024xf32, #tpu.memory_space<hbm>> -> memref<1024xf32, #tpu.memory_space<hbm>>
        %dma_start3A_142 = tpu.memref_slice %arg7[%run_scoped3A_139, %add3A_136] : memref<4x1605632xf32, #tpu.memory_space<hbm>> -> memref<1x1024xf32, #tpu.memory_space<hbm>>
        %dma_start3A_143 = tpu.memref_squeeze %dma_start3A_142 : memref<1x1024xf32, #tpu.memory_space<hbm>> -> memref<1024xf32, #tpu.memory_space<hbm>>
        tpu.enqueue_dma source(%arg17 : memref<1024xf32, #tpu.memory_space<vmem>>) target(%dma_start3A_143 : memref<1024xf32, #tpu.memory_space<hbm>>) target_semaphore(%run_scoped3A_140 : memref<!tpu.dma_semaphore, #tpu.memory_space<semaphore_mem>>)
        %dma_wait3A = tpu.memref_slice %arg7[%run_scoped3A_139, %add3A_136] : memref<4x1605632xf32, #tpu.memory_space<hbm>> -> memref<1x1024xf32, #tpu.memory_space<hbm>>
        %dma_wait3A_144 = tpu.memref_squeeze %dma_wait3A : memref<1x1024xf32, #tpu.memory_space<hbm>> -> memref<1024xf32, #tpu.memory_space<hbm>>
        %dma_wait3A_145 = tpu.memref_slice %arg7[%run_scoped3A_139, %add3A_136] : memref<4x1605632xf32, #tpu.memory_space<hbm>> -> memref<1x1024xf32, #tpu.memory_space<hbm>>
        %dma_wait3A_146 = tpu.memref_squeeze %dma_wait3A_145 : memref<1x1024xf32, #tpu.memory_space<hbm>> -> memref<1024xf32, #tpu.memory_space<hbm>>
        tpu.wait_dma2 semaphore(%run_scoped3A_140 : memref<!tpu.dma_semaphore, #tpu.memory_space<semaphore_mem>>) src(%arg17 : memref<1024xf32, #tpu.memory_space<vmem>>) dst(%dma_wait3A_146 : memref<1024xf32, #tpu.memory_space<hbm>>)
        tpu.yield
      }) : () -> ()
    }
    %scan3A_116 = arith.constant 49 : i32
    %barrier3A_117 = arith.constant 0 : index
    tpu.barrier barrier_id(%barrier3A_117)
    %eq3A = arith.constant 0 : i32
    %eq3A_118 = arith.cmpi eq, %arg1, %eq3A : i32
    %convert_element_type3A = arith.extui %eq3A_118 : i1 to i32
    %cond3A = arith.constant 0 : i32
    %cond3A_119 = arith.cmpi ne, %convert_element_type3A, %cond3A : i32
    scf.if %cond3A_119 {
      "tpu.region"() ({
        %run_scoped3A = tpu.sem_alloc : memref<!tpu.dma_semaphore, #tpu.memory_space<semaphore_mem>>
        %dma_start3A = arith.constant 0 : i32
        %dma_start3A_120 = arith.constant 0 : i32
        %dma_start3A_121 = tpu.memref_slice %arg8[%arg0, %dma_start3A, %dma_start3A_120] : memref<2x50176x8xf32, #tpu.memory_space<hbm>> -> memref<1x50176x8xf32, #tpu.memory_space<hbm>>
        %dma_start3A_122 = tpu.memref_squeeze %dma_start3A_121 : memref<1x50176x8xf32, #tpu.memory_space<hbm>> -> memref<50176x8xf32, #tpu.memory_space<hbm>>
        tpu.enqueue_dma source(%arg19 : memref<50176x8xf32, #tpu.memory_space<vmem_shared>>) target(%dma_start3A_122 : memref<50176x8xf32, #tpu.memory_space<hbm>>) target_semaphore(%run_scoped3A : memref<!tpu.dma_semaphore, #tpu.memory_space<semaphore_mem>>)
        %dma_wait3A = arith.constant 0 : i32
        %dma_wait3A_123 = arith.constant 0 : i32
        %dma_wait3A_124 = tpu.memref_slice %arg8[%arg0, %dma_wait3A, %dma_wait3A_123] : memref<2x50176x8xf32, #tpu.memory_space<hbm>> -> memref<1x50176x8xf32, #tpu.memory_space<hbm>>
        %dma_wait3A_125 = tpu.memref_squeeze %dma_wait3A_124 : memref<1x50176x8xf32, #tpu.memory_space<hbm>> -> memref<50176x8xf32, #tpu.memory_space<hbm>>
        tpu.wait_dma2 semaphore(%run_scoped3A : memref<!tpu.dma_semaphore, #tpu.memory_space<semaphore_mem>>) src(%arg19 : memref<50176x8xf32, #tpu.memory_space<vmem_shared>>) dst(%dma_wait3A_125 : memref<50176x8xf32, #tpu.memory_space<hbm>>)
        tpu.yield
      }) : () -> ()
    } else {
    }
    return
  }
}

module attributes {stable_mosaic.version = 14 : i64} {
  func.func @_stats_body(%arg0: i32, %arg1: memref<2x2000x8xf32, #tpu.memory_space<vmem>>, %arg2: memref<4xf32, #tpu.memory_space<smem>>, %arg3: memref<2x128xf32, #tpu.memory_space<vmem>>, %arg4: memref<2x64xf32, #tpu.memory_space<vmem>>, %arg5: memref<128x128xf32, #tpu.memory_space<vmem>>, %arg6: memref<64x64xf32, #tpu.memory_space<vmem>>, %arg7: memref<8x128xf32, #tpu.memory_space<vmem>>) attributes {dimension_semantics = [#tpu.dimension_semantics<arbitrary>], iteration_bounds = array<i64: 25>, scalar_prefetch = 0 : i64, scratch_operands = 0 : i64, tpu.core_type = #tpu.core_type<tc>, window_params = [{transform_indices = @transform_0, window_bounds = array<i64: 2, 2000, 8>}, {transform_indices = @transform_1, window_bounds = array<i64: 4>}, {pipeline_mode = #tpu.pipeline_mode<synchronous>, transform_indices = @transform_2, window_bounds = array<i64: 2, 128>}, {pipeline_mode = #tpu.pipeline_mode<synchronous>, transform_indices = @transform_3, window_bounds = array<i64: 2, 64>}, {pipeline_mode = #tpu.pipeline_mode<synchronous>, transform_indices = @transform_4, window_bounds = array<i64: 128, 128>}, {pipeline_mode = #tpu.pipeline_mode<synchronous>, transform_indices = @transform_5, window_bounds = array<i64: 64, 64>}, {pipeline_mode = #tpu.pipeline_mode<synchronous>, transform_indices = @transform_6, window_bounds = array<i64: 8, 128>}]} {
    %get3A = arith.constant 0 : index
    %get3A_0 = arith.constant 0 : index
    %get3A_1 = arith.constant 0 : index
    %get3A_2 = vector.load %arg1[%get3A, %get3A_0, %get3A_1] : memref<2x2000x8xf32, #tpu.memory_space<vmem>>, vector<1x2000x8xf32>
    %get3A_3 = vector.shape_cast %get3A_2 : vector<1x2000x8xf32> to vector<2000x8xf32>
    %get3A_4 = arith.constant 1 : index
    %get3A_5 = arith.constant 0 : index
    %get3A_6 = arith.constant 0 : index
    %get3A_7 = vector.load %arg1[%get3A_4, %get3A_5, %get3A_6] : memref<2x2000x8xf32, #tpu.memory_space<vmem>>, vector<1x2000x8xf32>
    %get3A_8 = vector.shape_cast %get3A_7 : vector<1x2000x8xf32> to vector<2000x8xf32>
    %add3A = arith.addf %get3A_3, %get3A_8 : vector<2000x8xf32>
    %slice3A = vector.extract_strided_slice %add3A {offsets = [0, 0], sizes = [2000, 1], strides = [1, 1]} : vector<2000x8xf32> to vector<2000x1xf32>
    %slice3A_9 = vector.extract_strided_slice %add3A {offsets = [0, 1], sizes = [2000, 1], strides = [1, 1]} : vector<2000x8xf32> to vector<2000x1xf32>
    %slice3A_10 = vector.extract_strided_slice %add3A {offsets = [0, 2], sizes = [2000, 1], strides = [1, 1]} : vector<2000x8xf32> to vector<2000x1xf32>
    %slice3A_11 = vector.extract_strided_slice %add3A {offsets = [0, 3], sizes = [2000, 1], strides = [1, 1]} : vector<2000x8xf32> to vector<2000x1xf32>
    %get3A_12 = arith.constant 0 : index
    %get3A_13 = memref.load %arg2[%get3A_12] : memref<4xf32, #tpu.memory_space<smem>>
    %get3A_14 = arith.constant 1 : index
    %get3A_15 = memref.load %arg2[%get3A_14] : memref<4xf32, #tpu.memory_space<smem>>
    %get3A_16 = arith.constant 2 : index
    %get3A_17 = memref.load %arg2[%get3A_16] : memref<4xf32, #tpu.memory_space<smem>>
    %get3A_18 = arith.constant 3 : index
    %get3A_19 = memref.load %arg2[%get3A_18] : memref<4xf32, #tpu.memory_space<smem>>
    %mul3A = vector.broadcast %get3A_13 : f32 to vector<2000x1xf32>
    %mul3A_20 = arith.mulf %mul3A, %slice3A : vector<2000x1xf32>
    %mul3A_21 = arith.mulf %mul3A_20, %slice3A : vector<2000x1xf32>
    %div3A = arith.constant 1.73205078 : f32
    %div3A_22 = arith.divf %get3A_15, %div3A : f32
    %mul3A_23 = arith.mulf %slice3A_9, %slice3A_9 : vector<2000x1xf32>
    %mul3A_24 = arith.mulf %slice3A_10, %slice3A_10 : vector<2000x1xf32>
    %add3A_25 = arith.addf %mul3A_23, %mul3A_24 : vector<2000x1xf32>
    %mul3A_26 = arith.mulf %slice3A_11, %slice3A_11 : vector<2000x1xf32>
    %add3A_27 = arith.addf %add3A_25, %mul3A_26 : vector<2000x1xf32>
    %mul3A_28 = vector.broadcast %div3A_22 : f32 to vector<2000x1xf32>
    %mul3A_29 = arith.mulf %mul3A_28, %add3A_27 : vector<2000x1xf32>
    %get3A_30 = arith.constant 0 : index
    %get3A_31 = arith.constant 0 : index
    %get3A_32 = vector.load %arg3[%get3A_30, %get3A_31] : memref<2x128xf32, #tpu.memory_space<vmem>>, vector<2x128xf32>
    %sqrt3A = arith.constant 2.000000e+00 : f32
    %sqrt3A_33 = math.sqrt %sqrt3A : f32
    %div3A_34 = arith.constant 1.000000e+00 : f32
    %div3A_35 = arith.divf %div3A_34, %sqrt3A_33 : f32
    %mul3A_36 = vector.broadcast %div3A_35 : f32 to vector<2x128xf32>
    %mul3A_37 = arith.mulf %get3A_32, %mul3A_36 : vector<2x128xf32>
    %convert_element_type3A = arith.truncf %mul3A_37 : vector<2x128xf32> to vector<2x128xbf16>
    %convert_element_type3A_38 = arith.extf %convert_element_type3A : vector<2x128xbf16> to vector<2x128xf32>
    %convert_element_type3A_39 = arith.truncf %mul3A_21 : vector<2000x1xf32> to vector<2000x1xbf16>
    %convert_element_type3A_40 = arith.extf %convert_element_type3A_39 : vector<2000x1xbf16> to vector<2000x1xf32>
    %slice3A_41 = vector.extract_strided_slice %convert_element_type3A_38 {offsets = [0, 0], sizes = [1, 128], strides = [1, 1]} : vector<2x128xf32> to vector<1x128xf32>
    %mul3A_42 = vector.broadcast %convert_element_type3A_40 : vector<2000x1xf32> to vector<2000x128xf32>
    %mul3A_43 = vector.broadcast %slice3A_41 : vector<1x128xf32> to vector<2000x128xf32>
    %mul3A_44 = arith.mulf %mul3A_42, %mul3A_43 : vector<2000x128xf32>
    %convert_element_type3A_45 = arith.truncf %mul3A_29 : vector<2000x1xf32> to vector<2000x1xbf16>
    %convert_element_type3A_46 = arith.extf %convert_element_type3A_45 : vector<2000x1xbf16> to vector<2000x1xf32>
    %slice3A_47 = vector.extract_strided_slice %convert_element_type3A_38 {offsets = [1, 0], sizes = [1, 128], strides = [1, 1]} : vector<2x128xf32> to vector<1x128xf32>
    %mul3A_48 = vector.broadcast %convert_element_type3A_46 : vector<2000x1xf32> to vector<2000x128xf32>
    %mul3A_49 = vector.broadcast %slice3A_47 : vector<1x128xf32> to vector<2000x128xf32>
    %mul3A_50 = arith.mulf %mul3A_48, %mul3A_49 : vector<2000x128xf32>
    %add3A_51 = arith.addf %mul3A_44, %mul3A_50 : vector<2000x128xf32>
    %get3A_52 = arith.constant 0 : index
    %get3A_53 = arith.constant 0 : index
    %get3A_54 = vector.load %arg4[%get3A_52, %get3A_53] : memref<2x64xf32, #tpu.memory_space<vmem>>, vector<2x64xf32>
    %sqrt3A_55 = arith.constant 2.000000e+00 : f32
    %sqrt3A_56 = math.sqrt %sqrt3A_55 : f32
    %div3A_57 = arith.constant 1.000000e+00 : f32
    %div3A_58 = arith.divf %div3A_57, %sqrt3A_56 : f32
    %mul3A_59 = vector.broadcast %div3A_58 : f32 to vector<2x64xf32>
    %mul3A_60 = arith.mulf %get3A_54, %mul3A_59 : vector<2x64xf32>
    %convert_element_type3A_61 = arith.truncf %mul3A_60 : vector<2x64xf32> to vector<2x64xbf16>
    %convert_element_type3A_62 = arith.extf %convert_element_type3A_61 : vector<2x64xbf16> to vector<2x64xf32>
    %mul3A_63 = vector.broadcast %get3A_17 : f32 to vector<2000x1xf32>
    %mul3A_64 = arith.mulf %mul3A_63, %slice3A : vector<2000x1xf32>
    %mul3A_65 = arith.mulf %mul3A_64, %slice3A_9 : vector<2000x1xf32>
    %convert_element_type3A_66 = arith.truncf %mul3A_65 : vector<2000x1xf32> to vector<2000x1xbf16>
    %convert_element_type3A_67 = arith.extf %convert_element_type3A_66 : vector<2000x1xbf16> to vector<2000x1xf32>
    %slice3A_68 = vector.extract_strided_slice %convert_element_type3A_62 {offsets = [0, 0], sizes = [1, 64], strides = [1, 1]} : vector<2x64xf32> to vector<1x64xf32>
    %mul3A_69 = vector.broadcast %convert_element_type3A_67 : vector<2000x1xf32> to vector<2000x64xf32>
    %mul3A_70 = vector.broadcast %slice3A_68 : vector<1x64xf32> to vector<2000x64xf32>
    %mul3A_71 = arith.mulf %mul3A_69, %mul3A_70 : vector<2000x64xf32>
    %mul3A_72 = vector.broadcast %get3A_19 : f32 to vector<2000x1xf32>
    %mul3A_73 = arith.mulf %mul3A_72, %slice3A : vector<2000x1xf32>
    %mul3A_74 = arith.mulf %mul3A_73, %slice3A_9 : vector<2000x1xf32>
    %convert_element_type3A_75 = arith.truncf %mul3A_74 : vector<2000x1xf32> to vector<2000x1xbf16>
    %convert_element_type3A_76 = arith.extf %convert_element_type3A_75 : vector<2000x1xbf16> to vector<2000x1xf32>
    %slice3A_77 = vector.extract_strided_slice %convert_element_type3A_62 {offsets = [1, 0], sizes = [1, 64], strides = [1, 1]} : vector<2x64xf32> to vector<1x64xf32>
    %mul3A_78 = vector.broadcast %convert_element_type3A_76 : vector<2000x1xf32> to vector<2000x64xf32>
    %mul3A_79 = vector.broadcast %slice3A_77 : vector<1x64xf32> to vector<2000x64xf32>
    %mul3A_80 = arith.mulf %mul3A_78, %mul3A_79 : vector<2000x64xf32>
    %add3A_81 = arith.addf %mul3A_71, %mul3A_80 : vector<2000x64xf32>
    %mul3A_82 = vector.broadcast %get3A_17 : f32 to vector<2000x1xf32>
    %mul3A_83 = arith.mulf %mul3A_82, %slice3A : vector<2000x1xf32>
    %mul3A_84 = arith.mulf %mul3A_83, %slice3A_10 : vector<2000x1xf32>
    %convert_element_type3A_85 = arith.truncf %mul3A_84 : vector<2000x1xf32> to vector<2000x1xbf16>
    %convert_element_type3A_86 = arith.extf %convert_element_type3A_85 : vector<2000x1xbf16> to vector<2000x1xf32>
    %slice3A_87 = vector.extract_strided_slice %convert_element_type3A_62 {offsets = [0, 0], sizes = [1, 64], strides = [1, 1]} : vector<2x64xf32> to vector<1x64xf32>
    %mul3A_88 = vector.broadcast %convert_element_type3A_86 : vector<2000x1xf32> to vector<2000x64xf32>
    %mul3A_89 = vector.broadcast %slice3A_87 : vector<1x64xf32> to vector<2000x64xf32>
    %mul3A_90 = arith.mulf %mul3A_88, %mul3A_89 : vector<2000x64xf32>
    %mul3A_91 = vector.broadcast %get3A_19 : f32 to vector<2000x1xf32>
    %mul3A_92 = arith.mulf %mul3A_91, %slice3A : vector<2000x1xf32>
    %mul3A_93 = arith.mulf %mul3A_92, %slice3A_10 : vector<2000x1xf32>
    %convert_element_type3A_94 = arith.truncf %mul3A_93 : vector<2000x1xf32> to vector<2000x1xbf16>
    %convert_element_type3A_95 = arith.extf %convert_element_type3A_94 : vector<2000x1xbf16> to vector<2000x1xf32>
    %slice3A_96 = vector.extract_strided_slice %convert_element_type3A_62 {offsets = [1, 0], sizes = [1, 64], strides = [1, 1]} : vector<2x64xf32> to vector<1x64xf32>
    %mul3A_97 = vector.broadcast %convert_element_type3A_95 : vector<2000x1xf32> to vector<2000x64xf32>
    %mul3A_98 = vector.broadcast %slice3A_96 : vector<1x64xf32> to vector<2000x64xf32>
    %mul3A_99 = arith.mulf %mul3A_97, %mul3A_98 : vector<2000x64xf32>
    %add3A_100 = arith.addf %mul3A_90, %mul3A_99 : vector<2000x64xf32>
    %mul3A_101 = vector.broadcast %get3A_17 : f32 to vector<2000x1xf32>
    %mul3A_102 = arith.mulf %mul3A_101, %slice3A : vector<2000x1xf32>
    %mul3A_103 = arith.mulf %mul3A_102, %slice3A_11 : vector<2000x1xf32>
    %convert_element_type3A_104 = arith.truncf %mul3A_103 : vector<2000x1xf32> to vector<2000x1xbf16>
    %convert_element_type3A_105 = arith.extf %convert_element_type3A_104 : vector<2000x1xbf16> to vector<2000x1xf32>
    %slice3A_106 = vector.extract_strided_slice %convert_element_type3A_62 {offsets = [0, 0], sizes = [1, 64], strides = [1, 1]} : vector<2x64xf32> to vector<1x64xf32>
    %mul3A_107 = vector.broadcast %convert_element_type3A_105 : vector<2000x1xf32> to vector<2000x64xf32>
    %mul3A_108 = vector.broadcast %slice3A_106 : vector<1x64xf32> to vector<2000x64xf32>
    %mul3A_109 = arith.mulf %mul3A_107, %mul3A_108 : vector<2000x64xf32>
    %mul3A_110 = vector.broadcast %get3A_19 : f32 to vector<2000x1xf32>
    %mul3A_111 = arith.mulf %mul3A_110, %slice3A : vector<2000x1xf32>
    %mul3A_112 = arith.mulf %mul3A_111, %slice3A_11 : vector<2000x1xf32>
    %convert_element_type3A_113 = arith.truncf %mul3A_112 : vector<2000x1xf32> to vector<2000x1xbf16>
    %convert_element_type3A_114 = arith.extf %convert_element_type3A_113 : vector<2000x1xbf16> to vector<2000x1xf32>
    %slice3A_115 = vector.extract_strided_slice %convert_element_type3A_62 {offsets = [1, 0], sizes = [1, 64], strides = [1, 1]} : vector<2x64xf32> to vector<1x64xf32>
    %mul3A_116 = vector.broadcast %convert_element_type3A_114 : vector<2000x1xf32> to vector<2000x64xf32>
    %mul3A_117 = vector.broadcast %slice3A_115 : vector<1x64xf32> to vector<2000x64xf32>
    %mul3A_118 = arith.mulf %mul3A_116, %mul3A_117 : vector<2000x64xf32>
    %add3A_119 = arith.addf %mul3A_109, %mul3A_118 : vector<2000x64xf32>
    %logistic3A = arith.negf %add3A_51 : vector<2000x128xf32>
    %logistic3A_120 = math.exp %logistic3A : vector<2000x128xf32>
    %logistic3A_121 = arith.constant 1.000000e+00 : f32
    %logistic3A_122 = vector.broadcast %logistic3A_121 : f32 to vector<2000x128xf32>
    %logistic3A_123 = arith.addf %logistic3A_122, %logistic3A_120 : vector<2000x128xf32>
    %logistic3A_124 = arith.divf %logistic3A_122, %logistic3A_123 : vector<2000x128xf32>
    %mul3A_125 = arith.mulf %add3A_81, %add3A_81 : vector<2000x64xf32>
    %mul3A_126 = arith.mulf %add3A_100, %add3A_100 : vector<2000x64xf32>
    %add3A_127 = arith.addf %mul3A_125, %mul3A_126 : vector<2000x64xf32>
    %mul3A_128 = arith.mulf %add3A_119, %add3A_119 : vector<2000x64xf32>
    %add3A_129 = arith.addf %add3A_127, %mul3A_128 : vector<2000x64xf32>
    %add3A_130 = arith.constant 9.99999996E-13 : f32
    %add3A_131 = vector.broadcast %add3A_130 : f32 to vector<2000x64xf32>
    %add3A_132 = arith.addf %add3A_129, %add3A_131 : vector<2000x64xf32>
    %sqrt3A_133 = math.sqrt %add3A_132 : vector<2000x64xf32>
    %logistic3A_134 = arith.negf %sqrt3A_133 : vector<2000x64xf32>
    %logistic3A_135 = math.exp %logistic3A_134 : vector<2000x64xf32>
    %logistic3A_136 = arith.constant 1.000000e+00 : f32
    %logistic3A_137 = vector.broadcast %logistic3A_136 : f32 to vector<2000x64xf32>
    %logistic3A_138 = arith.addf %logistic3A_137, %logistic3A_135 : vector<2000x64xf32>
    %logistic3A_139 = arith.divf %logistic3A_137, %logistic3A_138 : vector<2000x64xf32>
    %mul3A_140 = arith.mulf %add3A_81, %logistic3A_139 : vector<2000x64xf32>
    %mul3A_141 = arith.mulf %add3A_100, %logistic3A_139 : vector<2000x64xf32>
    %mul3A_142 = arith.mulf %add3A_119, %logistic3A_139 : vector<2000x64xf32>
    %get3A_143 = arith.constant 0 : index
    %get3A_144 = arith.constant 0 : index
    %get3A_145 = vector.load %arg5[%get3A_143, %get3A_144] : memref<128x128xf32, #tpu.memory_space<vmem>>, vector<128x128xf32>
    %sqrt3A_146 = arith.constant 1.280000e+02 : f32
    %sqrt3A_147 = math.sqrt %sqrt3A_146 : f32
    %div3A_148 = arith.constant 1.000000e+00 : f32
    %div3A_149 = arith.divf %div3A_148, %sqrt3A_147 : f32
    %mul3A_150 = vector.broadcast %div3A_149 : f32 to vector<128x128xf32>
    %mul3A_151 = arith.mulf %get3A_145, %mul3A_150 : vector<128x128xf32>
    %convert_element_type3A_152 = arith.truncf %mul3A_151 : vector<128x128xf32> to vector<128x128xbf16>
    %convert_element_type3A_153 = arith.truncf %logistic3A_124 : vector<2000x128xf32> to vector<2000x128xbf16>
    %dot_general3A = arith.constant dense<0.000000e+00> : vector<2000x128xf32>
    %dot_general3A_154 = tpu.matmul %convert_element_type3A_153, %convert_element_type3A_152, %dot_general3A {dimension_numbers = #tpu.dot_dimension_numbers<[1], [0], [0], [1], [0, 0, 1, 1], [], []>, transpose_lhs_hint = false} : vector<2000x128xbf16>, vector<128x128xbf16>, vector<2000x128xf32> -> vector<2000x128xf32>
    %get3A_155 = arith.constant 0 : index
    %get3A_156 = arith.constant 0 : index
    %get3A_157 = vector.load %arg6[%get3A_155, %get3A_156] : memref<64x64xf32, #tpu.memory_space<vmem>>, vector<64x64xf32>
    %mul3A_158 = arith.constant 1.250000e-01 : f32
    %mul3A_159 = vector.broadcast %mul3A_158 : f32 to vector<64x64xf32>
    %mul3A_160 = arith.mulf %get3A_157, %mul3A_159 : vector<64x64xf32>
    %convert_element_type3A_161 = arith.truncf %mul3A_160 : vector<64x64xf32> to vector<64x64xbf16>
    %convert_element_type3A_162 = arith.truncf %mul3A_140 : vector<2000x64xf32> to vector<2000x64xbf16>
    %dot_general3A_163 = arith.constant dense<0.000000e+00> : vector<2000x64xf32>
    %dot_general3A_164 = tpu.matmul %convert_element_type3A_162, %convert_element_type3A_161, %dot_general3A_163 {dimension_numbers = #tpu.dot_dimension_numbers<[1], [0], [0], [1], [0, 0, 1, 1], [], []>, transpose_lhs_hint = false} : vector<2000x64xbf16>, vector<64x64xbf16>, vector<2000x64xf32> -> vector<2000x64xf32>
    %convert_element_type3A_165 = arith.truncf %mul3A_141 : vector<2000x64xf32> to vector<2000x64xbf16>
    %dot_general3A_166 = arith.constant dense<0.000000e+00> : vector<2000x64xf32>
    %dot_general3A_167 = tpu.matmul %convert_element_type3A_165, %convert_element_type3A_161, %dot_general3A_166 {dimension_numbers = #tpu.dot_dimension_numbers<[1], [0], [0], [1], [0, 0, 1, 1], [], []>, transpose_lhs_hint = false} : vector<2000x64xbf16>, vector<64x64xbf16>, vector<2000x64xf32> -> vector<2000x64xf32>
    %convert_element_type3A_168 = arith.truncf %mul3A_142 : vector<2000x64xf32> to vector<2000x64xbf16>
    %dot_general3A_169 = arith.constant dense<0.000000e+00> : vector<2000x64xf32>
    %dot_general3A_170 = tpu.matmul %convert_element_type3A_168, %convert_element_type3A_161, %dot_general3A_169 {dimension_numbers = #tpu.dot_dimension_numbers<[1], [0], [0], [1], [0, 0, 1, 1], [], []>, transpose_lhs_hint = false} : vector<2000x64xbf16>, vector<64x64xbf16>, vector<2000x64xf32> -> vector<2000x64xf32>
    %reduce_sum3A = arith.constant dense<0.000000e+00> : vector<128xf32>
    %reduce_sum3A_171 = vector.multi_reduction <add>, %dot_general3A_154, %reduce_sum3A [0] : vector<2000x128xf32> to vector<128xf32>
    %reshape3A = vector.shape_cast %reduce_sum3A_171 : vector<128xf32> to vector<1x128xf32>
    %mul3A_172 = arith.mulf %dot_general3A_154, %dot_general3A_154 : vector<2000x128xf32>
    %reduce_sum3A_173 = arith.constant dense<0.000000e+00> : vector<128xf32>
    %reduce_sum3A_174 = vector.multi_reduction <add>, %mul3A_172, %reduce_sum3A_173 [0] : vector<2000x128xf32> to vector<128xf32>
    %reshape3A_175 = vector.shape_cast %reduce_sum3A_174 : vector<128xf32> to vector<1x128xf32>
    %mul3A_176 = arith.mulf %dot_general3A_164, %dot_general3A_164 : vector<2000x64xf32>
    %mul3A_177 = arith.mulf %dot_general3A_167, %dot_general3A_167 : vector<2000x64xf32>
    %add3A_178 = arith.addf %mul3A_176, %mul3A_177 : vector<2000x64xf32>
    %mul3A_179 = arith.mulf %dot_general3A_170, %dot_general3A_170 : vector<2000x64xf32>
    %add3A_180 = arith.addf %add3A_178, %mul3A_179 : vector<2000x64xf32>
    %reduce_sum3A_181 = arith.constant dense<0.000000e+00> : vector<64xf32>
    %reduce_sum3A_182 = vector.multi_reduction <add>, %add3A_180, %reduce_sum3A_181 [0] : vector<2000x64xf32> to vector<64xf32>
    %broadcast_in_dim3A = arith.constant 0.000000e+00 : f32
    %broadcast_in_dim3A_183 = vector.broadcast %broadcast_in_dim3A : f32 to vector<64xf32>
    %concatenate3A = tpu.concatenate %reduce_sum3A_182, %broadcast_in_dim3A_183 in 0 : vector<64xf32>, vector<64xf32> -> vector<128xf32>
    %reshape3A_184 = vector.shape_cast %concatenate3A : vector<128xf32> to vector<1x128xf32>
    %broadcast_in_dim3A_185 = arith.constant 0.000000e+00 : f32
    %broadcast_in_dim3A_186 = vector.broadcast %broadcast_in_dim3A_185 : f32 to vector<5x128xf32>
    %concatenate3A_187 = tpu.concatenate %reshape3A, %reshape3A_175, %reshape3A_184, %broadcast_in_dim3A_186 in 0 : vector<1x128xf32>, vector<1x128xf32>, vector<1x128xf32>, vector<5x128xf32> -> vector<8x128xf32>
    %eq3A = arith.constant 0 : i32
    %eq3A_188 = arith.cmpi eq, %arg0, %eq3A : i32
    %convert_element_type3A_189 = arith.extui %eq3A_188 : i1 to i32
    %cond3A = arith.constant 0 : i32
    %cond3A_190 = arith.cmpi ne, %convert_element_type3A_189, %cond3A : i32
    scf.if %cond3A_190 {
      %broadcast_in_dim3A_197 = arith.constant 0.000000e+00 : f32
      %broadcast_in_dim3A_198 = vector.broadcast %broadcast_in_dim3A_197 : f32 to vector<8x128xf32>
      %swap3A_199 = arith.constant 0 : index
      %swap3A_200 = arith.constant 0 : index
      %swap3A_201 = vector.load %arg7[%swap3A_199, %swap3A_200] : memref<8x128xf32, #tpu.memory_space<vmem>>, vector<8x128xf32>
      tpu.vector_store %arg7[%swap3A_199, %swap3A_200], %broadcast_in_dim3A_198 {strides = array<i32>} : memref<8x128xf32, #tpu.memory_space<vmem>>, vector<8x128xf32>,
    } else {
    }
    %get3A_191 = arith.constant 0 : index
    %get3A_192 = arith.constant 0 : index
    %get3A_193 = vector.load %arg7[%get3A_191, %get3A_192] : memref<8x128xf32, #tpu.memory_space<vmem>>, vector<8x128xf32>
    %add3A_194 = arith.addf %get3A_193, %concatenate3A_187 : vector<8x128xf32>
    %swap3A = arith.constant 0 : index
    %swap3A_195 = arith.constant 0 : index
    %swap3A_196 = vector.load %arg7[%swap3A, %swap3A_195] : memref<8x128xf32, #tpu.memory_space<vmem>>, vector<8x128xf32>
    tpu.vector_store %arg7[%swap3A, %swap3A_195], %add3A_194 {strides = array<i32>} : memref<8x128xf32, #tpu.memory_space<vmem>>, vector<8x128xf32>,
    return
  }
  func.func @transform_0(%arg0: i32) -> (i32, i32, i32) {
    %c0_i32 = arith.constant 0 : i32
    %c0_i32_0 = arith.constant 0 : i32
    %c0_i32_1 = arith.constant 0 : i32
    return %c0_i32, %arg0, %c0_i32_0 : i32, i32, i32
  }
  func.func @transform_1(%arg0: i32) -> i32 {
    %c0_i32 = arith.constant 0 : i32
    %c0_i32_0 = arith.constant 0 : i32
    return %c0_i32 : i32
  }
  func.func @transform_2(%arg0: i32) -> (i32, i32) {
    %c0_i32 = arith.constant 0 : i32
    %c0_i32_0 = arith.constant 0 : i32
    %c0_i32_1 = arith.constant 0 : i32
    return %c0_i32, %c0_i32_0 : i32, i32
  }
  func.func @transform_3(%arg0: i32) -> (i32, i32) {
    %c0_i32 = arith.constant 0 : i32
    %c0_i32_0 = arith.constant 0 : i32
    %c0_i32_1 = arith.constant 0 : i32
    return %c0_i32, %c0_i32_0 : i32, i32
  }
  func.func @transform_4(%arg0: i32) -> (i32, i32) {
    %c0_i32 = arith.constant 0 : i32
    %c0_i32_0 = arith.constant 0 : i32
    %c0_i32_1 = arith.constant 0 : i32
    return %c0_i32, %c0_i32_0 : i32, i32
  }
  func.func @transform_5(%arg0: i32) -> (i32, i32) {
    %c0_i32 = arith.constant 0 : i32
    %c0_i32_0 = arith.constant 0 : i32
    %c0_i32_1 = arith.constant 0 : i32
    return %c0_i32, %c0_i32_0 : i32, i32
  }
  func.func @transform_6(%arg0: i32) -> (i32, i32) {
    %c0_i32 = arith.constant 0 : i32
    %c0_i32_0 = arith.constant 0 : i32
    %c0_i32_1 = arith.constant 0 : i32
    return %c0_i32, %c0_i32_0 : i32, i32
  }
}

module attributes {stable_mosaic.version = 14 : i64} {
  func.func @_norm_body(%arg0: i32, %arg1: memref<2x2000x8xf32, #tpu.memory_space<vmem>>, %arg2: memref<8x128xf32, #tpu.memory_space<vmem>>, %arg3: memref<4xf32, #tpu.memory_space<smem>>, %arg4: memref<2x128xf32, #tpu.memory_space<vmem>>, %arg5: memref<2x64xf32, #tpu.memory_space<vmem>>, %arg6: memref<128x128xf32, #tpu.memory_space<vmem>>, %arg7: memref<64x64xf32, #tpu.memory_space<vmem>>, %arg8: memref<1x128xf32, #tpu.memory_space<vmem>>, %arg9: memref<1x128xf32, #tpu.memory_space<vmem>>, %arg10: memref<1x64xf32, #tpu.memory_space<vmem>>, %arg11: memref<2000x128xf32, #tpu.memory_space<vmem>>, %arg12: memref<2000x64xf32, #tpu.memory_space<vmem>>, %arg13: memref<2000x64xf32, #tpu.memory_space<vmem>>, %arg14: memref<2000x64xf32, #tpu.memory_space<vmem>>) attributes {dimension_semantics = [#tpu.dimension_semantics<arbitrary>], iteration_bounds = array<i64: 25>, scalar_prefetch = 0 : i64, scratch_operands = 0 : i64, tpu.core_type = #tpu.core_type<tc>, window_params = [{transform_indices = @transform_0, window_bounds = array<i64: 2, 2000, 8>}, {pipeline_mode = #tpu.pipeline_mode<synchronous>, transform_indices = @transform_1, window_bounds = array<i64: 8, 128>}, {transform_indices = @transform_2, window_bounds = array<i64: 4>}, {pipeline_mode = #tpu.pipeline_mode<synchronous>, transform_indices = @transform_3, window_bounds = array<i64: 2, 128>}, {pipeline_mode = #tpu.pipeline_mode<synchronous>, transform_indices = @transform_4, window_bounds = array<i64: 2, 64>}, {pipeline_mode = #tpu.pipeline_mode<synchronous>, transform_indices = @transform_5, window_bounds = array<i64: 128, 128>}, {pipeline_mode = #tpu.pipeline_mode<synchronous>, transform_indices = @transform_6, window_bounds = array<i64: 64, 64>}, {pipeline_mode = #tpu.pipeline_mode<synchronous>, transform_indices = @transform_7, window_bounds = array<i64: 1, 128>}, {pipeline_mode = #tpu.pipeline_mode<synchronous>, transform_indices = @transform_8, window_bounds = array<i64: 1, 128>}, {pipeline_mode = #tpu.pipeline_mode<synchronous>, transform_indices = @transform_9, window_bounds = array<i64: 1, 64>}, {transform_indices = @transform_10, window_bounds = array<i64: 2000, 128>}, {transform_indices = @transform_11, window_bounds = array<i64: 2000, 64>}, {transform_indices = @transform_12, window_bounds = array<i64: 2000, 64>}, {transform_indices = @transform_13, window_bounds = array<i64: 2000, 64>}]} {
    %get3A = arith.constant 0 : index
    %get3A_0 = arith.constant 0 : index
    %get3A_1 = arith.constant 0 : index
    %get3A_2 = vector.load %arg1[%get3A, %get3A_0, %get3A_1] : memref<2x2000x8xf32, #tpu.memory_space<vmem>>, vector<1x2000x8xf32>
    %get3A_3 = vector.shape_cast %get3A_2 : vector<1x2000x8xf32> to vector<2000x8xf32>
    %get3A_4 = arith.constant 1 : index
    %get3A_5 = arith.constant 0 : index
    %get3A_6 = arith.constant 0 : index
    %get3A_7 = vector.load %arg1[%get3A_4, %get3A_5, %get3A_6] : memref<2x2000x8xf32, #tpu.memory_space<vmem>>, vector<1x2000x8xf32>
    %get3A_8 = vector.shape_cast %get3A_7 : vector<1x2000x8xf32> to vector<2000x8xf32>
    %add3A = arith.addf %get3A_3, %get3A_8 : vector<2000x8xf32>
    %slice3A = vector.extract_strided_slice %add3A {offsets = [0, 0], sizes = [2000, 1], strides = [1, 1]} : vector<2000x8xf32> to vector<2000x1xf32>
    %slice3A_9 = vector.extract_strided_slice %add3A {offsets = [0, 1], sizes = [2000, 1], strides = [1, 1]} : vector<2000x8xf32> to vector<2000x1xf32>
    %slice3A_10 = vector.extract_strided_slice %add3A {offsets = [0, 2], sizes = [2000, 1], strides = [1, 1]} : vector<2000x8xf32> to vector<2000x1xf32>
    %slice3A_11 = vector.extract_strided_slice %add3A {offsets = [0, 3], sizes = [2000, 1], strides = [1, 1]} : vector<2000x8xf32> to vector<2000x1xf32>
    %get3A_12 = arith.constant 0 : index
    %get3A_13 = memref.load %arg3[%get3A_12] : memref<4xf32, #tpu.memory_space<smem>>
    %get3A_14 = arith.constant 1 : index
    %get3A_15 = memref.load %arg3[%get3A_14] : memref<4xf32, #tpu.memory_space<smem>>
    %get3A_16 = arith.constant 2 : index
    %get3A_17 = memref.load %arg3[%get3A_16] : memref<4xf32, #tpu.memory_space<smem>>
    %get3A_18 = arith.constant 3 : index
    %get3A_19 = memref.load %arg3[%get3A_18] : memref<4xf32, #tpu.memory_space<smem>>
    %mul3A = vector.broadcast %get3A_13 : f32 to vector<2000x1xf32>
    %mul3A_20 = arith.mulf %mul3A, %slice3A : vector<2000x1xf32>
    %mul3A_21 = arith.mulf %mul3A_20, %slice3A : vector<2000x1xf32>
    %div3A = arith.constant 1.73205078 : f32
    %div3A_22 = arith.divf %get3A_15, %div3A : f32
    %mul3A_23 = arith.mulf %slice3A_9, %slice3A_9 : vector<2000x1xf32>
    %mul3A_24 = arith.mulf %slice3A_10, %slice3A_10 : vector<2000x1xf32>
    %add3A_25 = arith.addf %mul3A_23, %mul3A_24 : vector<2000x1xf32>
    %mul3A_26 = arith.mulf %slice3A_11, %slice3A_11 : vector<2000x1xf32>
    %add3A_27 = arith.addf %add3A_25, %mul3A_26 : vector<2000x1xf32>
    %mul3A_28 = vector.broadcast %div3A_22 : f32 to vector<2000x1xf32>
    %mul3A_29 = arith.mulf %mul3A_28, %add3A_27 : vector<2000x1xf32>
    %get3A_30 = arith.constant 0 : index
    %get3A_31 = arith.constant 0 : index
    %get3A_32 = vector.load %arg4[%get3A_30, %get3A_31] : memref<2x128xf32, #tpu.memory_space<vmem>>, vector<2x128xf32>
    %sqrt3A = arith.constant 2.000000e+00 : f32
    %sqrt3A_33 = math.sqrt %sqrt3A : f32
    %div3A_34 = arith.constant 1.000000e+00 : f32
    %div3A_35 = arith.divf %div3A_34, %sqrt3A_33 : f32
    %mul3A_36 = vector.broadcast %div3A_35 : f32 to vector<2x128xf32>
    %mul3A_37 = arith.mulf %get3A_32, %mul3A_36 : vector<2x128xf32>
    %convert_element_type3A = arith.truncf %mul3A_37 : vector<2x128xf32> to vector<2x128xbf16>
    %convert_element_type3A_38 = arith.extf %convert_element_type3A : vector<2x128xbf16> to vector<2x128xf32>
    %convert_element_type3A_39 = arith.truncf %mul3A_21 : vector<2000x1xf32> to vector<2000x1xbf16>
    %convert_element_type3A_40 = arith.extf %convert_element_type3A_39 : vector<2000x1xbf16> to vector<2000x1xf32>
    %slice3A_41 = vector.extract_strided_slice %convert_element_type3A_38 {offsets = [0, 0], sizes = [1, 128], strides = [1, 1]} : vector<2x128xf32> to vector<1x128xf32>
    %mul3A_42 = vector.broadcast %convert_element_type3A_40 : vector<2000x1xf32> to vector<2000x128xf32>
    %mul3A_43 = vector.broadcast %slice3A_41 : vector<1x128xf32> to vector<2000x128xf32>
    %mul3A_44 = arith.mulf %mul3A_42, %mul3A_43 : vector<2000x128xf32>
    %convert_element_type3A_45 = arith.truncf %mul3A_29 : vector<2000x1xf32> to vector<2000x1xbf16>
    %convert_element_type3A_46 = arith.extf %convert_element_type3A_45 : vector<2000x1xbf16> to vector<2000x1xf32>
    %slice3A_47 = vector.extract_strided_slice %convert_element_type3A_38 {offsets = [1, 0], sizes = [1, 128], strides = [1, 1]} : vector<2x128xf32> to vector<1x128xf32>
    %mul3A_48 = vector.broadcast %convert_element_type3A_46 : vector<2000x1xf32> to vector<2000x128xf32>
    %mul3A_49 = vector.broadcast %slice3A_47 : vector<1x128xf32> to vector<2000x128xf32>
    %mul3A_50 = arith.mulf %mul3A_48, %mul3A_49 : vector<2000x128xf32>
    %add3A_51 = arith.addf %mul3A_44, %mul3A_50 : vector<2000x128xf32>
    %get3A_52 = arith.constant 0 : index
    %get3A_53 = arith.constant 0 : index
    %get3A_54 = vector.load %arg5[%get3A_52, %get3A_53] : memref<2x64xf32, #tpu.memory_space<vmem>>, vector<2x64xf32>
    %sqrt3A_55 = arith.constant 2.000000e+00 : f32
    %sqrt3A_56 = math.sqrt %sqrt3A_55 : f32
    %div3A_57 = arith.constant 1.000000e+00 : f32
    %div3A_58 = arith.divf %div3A_57, %sqrt3A_56 : f32
    %mul3A_59 = vector.broadcast %div3A_58 : f32 to vector<2x64xf32>
    %mul3A_60 = arith.mulf %get3A_54, %mul3A_59 : vector<2x64xf32>
    %convert_element_type3A_61 = arith.truncf %mul3A_60 : vector<2x64xf32> to vector<2x64xbf16>
    %convert_element_type3A_62 = arith.extf %convert_element_type3A_61 : vector<2x64xbf16> to vector<2x64xf32>
    %mul3A_63 = vector.broadcast %get3A_17 : f32 to vector<2000x1xf32>
    %mul3A_64 = arith.mulf %mul3A_63, %slice3A : vector<2000x1xf32>
    %mul3A_65 = arith.mulf %mul3A_64, %slice3A_9 : vector<2000x1xf32>
    %convert_element_type3A_66 = arith.truncf %mul3A_65 : vector<2000x1xf32> to vector<2000x1xbf16>
    %convert_element_type3A_67 = arith.extf %convert_element_type3A_66 : vector<2000x1xbf16> to vector<2000x1xf32>
    %slice3A_68 = vector.extract_strided_slice %convert_element_type3A_62 {offsets = [0, 0], sizes = [1, 64], strides = [1, 1]} : vector<2x64xf32> to vector<1x64xf32>
    %mul3A_69 = vector.broadcast %convert_element_type3A_67 : vector<2000x1xf32> to vector<2000x64xf32>
    %mul3A_70 = vector.broadcast %slice3A_68 : vector<1x64xf32> to vector<2000x64xf32>
    %mul3A_71 = arith.mulf %mul3A_69, %mul3A_70 : vector<2000x64xf32>
    %mul3A_72 = vector.broadcast %get3A_19 : f32 to vector<2000x1xf32>
    %mul3A_73 = arith.mulf %mul3A_72, %slice3A : vector<2000x1xf32>
    %mul3A_74 = arith.mulf %mul3A_73, %slice3A_9 : vector<2000x1xf32>
    %convert_element_type3A_75 = arith.truncf %mul3A_74 : vector<2000x1xf32> to vector<2000x1xbf16>
    %convert_element_type3A_76 = arith.extf %convert_element_type3A_75 : vector<2000x1xbf16> to vector<2000x1xf32>
    %slice3A_77 = vector.extract_strided_slice %convert_element_type3A_62 {offsets = [1, 0], sizes = [1, 64], strides = [1, 1]} : vector<2x64xf32> to vector<1x64xf32>
    %mul3A_78 = vector.broadcast %convert_element_type3A_76 : vector<2000x1xf32> to vector<2000x64xf32>
    %mul3A_79 = vector.broadcast %slice3A_77 : vector<1x64xf32> to vector<2000x64xf32>
    %mul3A_80 = arith.mulf %mul3A_78, %mul3A_79 : vector<2000x64xf32>
    %add3A_81 = arith.addf %mul3A_71, %mul3A_80 : vector<2000x64xf32>
    %mul3A_82 = vector.broadcast %get3A_17 : f32 to vector<2000x1xf32>
    %mul3A_83 = arith.mulf %mul3A_82, %slice3A : vector<2000x1xf32>
    %mul3A_84 = arith.mulf %mul3A_83, %slice3A_10 : vector<2000x1xf32>
    %convert_element_type3A_85 = arith.truncf %mul3A_84 : vector<2000x1xf32> to vector<2000x1xbf16>
    %convert_element_type3A_86 = arith.extf %convert_element_type3A_85 : vector<2000x1xbf16> to vector<2000x1xf32>
    %slice3A_87 = vector.extract_strided_slice %convert_element_type3A_62 {offsets = [0, 0], sizes = [1, 64], strides = [1, 1]} : vector<2x64xf32> to vector<1x64xf32>
    %mul3A_88 = vector.broadcast %convert_element_type3A_86 : vector<2000x1xf32> to vector<2000x64xf32>
    %mul3A_89 = vector.broadcast %slice3A_87 : vector<1x64xf32> to vector<2000x64xf32>
    %mul3A_90 = arith.mulf %mul3A_88, %mul3A_89 : vector<2000x64xf32>
    %mul3A_91 = vector.broadcast %get3A_19 : f32 to vector<2000x1xf32>
    %mul3A_92 = arith.mulf %mul3A_91, %slice3A : vector<2000x1xf32>
    %mul3A_93 = arith.mulf %mul3A_92, %slice3A_10 : vector<2000x1xf32>
    %convert_element_type3A_94 = arith.truncf %mul3A_93 : vector<2000x1xf32> to vector<2000x1xbf16>
    %convert_element_type3A_95 = arith.extf %convert_element_type3A_94 : vector<2000x1xbf16> to vector<2000x1xf32>
    %slice3A_96 = vector.extract_strided_slice %convert_element_type3A_62 {offsets = [1, 0], sizes = [1, 64], strides = [1, 1]} : vector<2x64xf32> to vector<1x64xf32>
    %mul3A_97 = vector.broadcast %convert_element_type3A_95 : vector<2000x1xf32> to vector<2000x64xf32>
    %mul3A_98 = vector.broadcast %slice3A_96 : vector<1x64xf32> to vector<2000x64xf32>
    %mul3A_99 = arith.mulf %mul3A_97, %mul3A_98 : vector<2000x64xf32>
    %add3A_100 = arith.addf %mul3A_90, %mul3A_99 : vector<2000x64xf32>
    %mul3A_101 = vector.broadcast %get3A_17 : f32 to vector<2000x1xf32>
    %mul3A_102 = arith.mulf %mul3A_101, %slice3A : vector<2000x1xf32>
    %mul3A_103 = arith.mulf %mul3A_102, %slice3A_11 : vector<2000x1xf32>
    %convert_element_type3A_104 = arith.truncf %mul3A_103 : vector<2000x1xf32> to vector<2000x1xbf16>
    %convert_element_type3A_105 = arith.extf %convert_element_type3A_104 : vector<2000x1xbf16> to vector<2000x1xf32>
    %slice3A_106 = vector.extract_strided_slice %convert_element_type3A_62 {offsets = [0, 0], sizes = [1, 64], strides = [1, 1]} : vector<2x64xf32> to vector<1x64xf32>
    %mul3A_107 = vector.broadcast %convert_element_type3A_105 : vector<2000x1xf32> to vector<2000x64xf32>
    %mul3A_108 = vector.broadcast %slice3A_106 : vector<1x64xf32> to vector<2000x64xf32>
    %mul3A_109 = arith.mulf %mul3A_107, %mul3A_108 : vector<2000x64xf32>
    %mul3A_110 = vector.broadcast %get3A_19 : f32 to vector<2000x1xf32>
    %mul3A_111 = arith.mulf %mul3A_110, %slice3A : vector<2000x1xf32>
    %mul3A_112 = arith.mulf %mul3A_111, %slice3A_11 : vector<2000x1xf32>
    %convert_element_type3A_113 = arith.truncf %mul3A_112 : vector<2000x1xf32> to vector<2000x1xbf16>
    %convert_element_type3A_114 = arith.extf %convert_element_type3A_113 : vector<2000x1xbf16> to vector<2000x1xf32>
    %slice3A_115 = vector.extract_strided_slice %convert_element_type3A_62 {offsets = [1, 0], sizes = [1, 64], strides = [1, 1]} : vector<2x64xf32> to vector<1x64xf32>
    %mul3A_116 = vector.broadcast %convert_element_type3A_114 : vector<2000x1xf32> to vector<2000x64xf32>
    %mul3A_117 = vector.broadcast %slice3A_115 : vector<1x64xf32> to vector<2000x64xf32>
    %mul3A_118 = arith.mulf %mul3A_116, %mul3A_117 : vector<2000x64xf32>
    %add3A_119 = arith.addf %mul3A_109, %mul3A_118 : vector<2000x64xf32>
    %logistic3A = arith.negf %add3A_51 : vector<2000x128xf32>
    %logistic3A_120 = math.exp %logistic3A : vector<2000x128xf32>
    %logistic3A_121 = arith.constant 1.000000e+00 : f32
    %logistic3A_122 = vector.broadcast %logistic3A_121 : f32 to vector<2000x128xf32>
    %logistic3A_123 = arith.addf %logistic3A_122, %logistic3A_120 : vector<2000x128xf32>
    %logistic3A_124 = arith.divf %logistic3A_122, %logistic3A_123 : vector<2000x128xf32>
    %mul3A_125 = arith.mulf %add3A_81, %add3A_81 : vector<2000x64xf32>
    %mul3A_126 = arith.mulf %add3A_100, %add3A_100 : vector<2000x64xf32>
    %add3A_127 = arith.addf %mul3A_125, %mul3A_126 : vector<2000x64xf32>
    %mul3A_128 = arith.mulf %add3A_119, %add3A_119 : vector<2000x64xf32>
    %add3A_129 = arith.addf %add3A_127, %mul3A_128 : vector<2000x64xf32>
    %add3A_130 = arith.constant 9.99999996E-13 : f32
    %add3A_131 = vector.broadcast %add3A_130 : f32 to vector<2000x64xf32>
    %add3A_132 = arith.addf %add3A_129, %add3A_131 : vector<2000x64xf32>
    %sqrt3A_133 = math.sqrt %add3A_132 : vector<2000x64xf32>
    %logistic3A_134 = arith.negf %sqrt3A_133 : vector<2000x64xf32>
    %logistic3A_135 = math.exp %logistic3A_134 : vector<2000x64xf32>
    %logistic3A_136 = arith.constant 1.000000e+00 : f32
    %logistic3A_137 = vector.broadcast %logistic3A_136 : f32 to vector<2000x64xf32>
    %logistic3A_138 = arith.addf %logistic3A_137, %logistic3A_135 : vector<2000x64xf32>
    %logistic3A_139 = arith.divf %logistic3A_137, %logistic3A_138 : vector<2000x64xf32>
    %mul3A_140 = arith.mulf %add3A_81, %logistic3A_139 : vector<2000x64xf32>
    %mul3A_141 = arith.mulf %add3A_100, %logistic3A_139 : vector<2000x64xf32>
    %mul3A_142 = arith.mulf %add3A_119, %logistic3A_139 : vector<2000x64xf32>
    %get3A_143 = arith.constant 0 : index
    %get3A_144 = arith.constant 0 : index
    %get3A_145 = vector.load %arg6[%get3A_143, %get3A_144] : memref<128x128xf32, #tpu.memory_space<vmem>>, vector<128x128xf32>
    %sqrt3A_146 = arith.constant 1.280000e+02 : f32
    %sqrt3A_147 = math.sqrt %sqrt3A_146 : f32
    %div3A_148 = arith.constant 1.000000e+00 : f32
    %div3A_149 = arith.divf %div3A_148, %sqrt3A_147 : f32
    %mul3A_150 = vector.broadcast %div3A_149 : f32 to vector<128x128xf32>
    %mul3A_151 = arith.mulf %get3A_145, %mul3A_150 : vector<128x128xf32>
    %convert_element_type3A_152 = arith.truncf %mul3A_151 : vector<128x128xf32> to vector<128x128xbf16>
    %convert_element_type3A_153 = arith.truncf %logistic3A_124 : vector<2000x128xf32> to vector<2000x128xbf16>
    %dot_general3A = arith.constant dense<0.000000e+00> : vector<2000x128xf32>
    %dot_general3A_154 = tpu.matmul %convert_element_type3A_153, %convert_element_type3A_152, %dot_general3A {dimension_numbers = #tpu.dot_dimension_numbers<[1], [0], [0], [1], [0, 0, 1, 1], [], []>, transpose_lhs_hint = false} : vector<2000x128xbf16>, vector<128x128xbf16>, vector<2000x128xf32> -> vector<2000x128xf32>
    %get3A_155 = arith.constant 0 : index
    %get3A_156 = arith.constant 0 : index
    %get3A_157 = vector.load %arg7[%get3A_155, %get3A_156] : memref<64x64xf32, #tpu.memory_space<vmem>>, vector<64x64xf32>
    %mul3A_158 = arith.constant 1.250000e-01 : f32
    %mul3A_159 = vector.broadcast %mul3A_158 : f32 to vector<64x64xf32>
    %mul3A_160 = arith.mulf %get3A_157, %mul3A_159 : vector<64x64xf32>
    %convert_element_type3A_161 = arith.truncf %mul3A_160 : vector<64x64xf32> to vector<64x64xbf16>
    %convert_element_type3A_162 = arith.truncf %mul3A_140 : vector<2000x64xf32> to vector<2000x64xbf16>
    %dot_general3A_163 = arith.constant dense<0.000000e+00> : vector<2000x64xf32>
    %dot_general3A_164 = tpu.matmul %convert_element_type3A_162, %convert_element_type3A_161, %dot_general3A_163 {dimension_numbers = #tpu.dot_dimension_numbers<[1], [0], [0], [1], [0, 0, 1, 1], [], []>, transpose_lhs_hint = false} : vector<2000x64xbf16>, vector<64x64xbf16>, vector<2000x64xf32> -> vector<2000x64xf32>
    %convert_element_type3A_165 = arith.truncf %mul3A_141 : vector<2000x64xf32> to vector<2000x64xbf16>
    %dot_general3A_166 = arith.constant dense<0.000000e+00> : vector<2000x64xf32>
    %dot_general3A_167 = tpu.matmul %convert_element_type3A_165, %convert_element_type3A_161, %dot_general3A_166 {dimension_numbers = #tpu.dot_dimension_numbers<[1], [0], [0], [1], [0, 0, 1, 1], [], []>, transpose_lhs_hint = false} : vector<2000x64xbf16>, vector<64x64xbf16>, vector<2000x64xf32> -> vector<2000x64xf32>
    %convert_element_type3A_168 = arith.truncf %mul3A_142 : vector<2000x64xf32> to vector<2000x64xbf16>
    %dot_general3A_169 = arith.constant dense<0.000000e+00> : vector<2000x64xf32>
    %dot_general3A_170 = tpu.matmul %convert_element_type3A_168, %convert_element_type3A_161, %dot_general3A_169 {dimension_numbers = #tpu.dot_dimension_numbers<[1], [0], [0], [1], [0, 0, 1, 1], [], []>, transpose_lhs_hint = false} : vector<2000x64xbf16>, vector<64x64xbf16>, vector<2000x64xf32> -> vector<2000x64xf32>
    %get3A_171 = arith.constant 0 : index
    %get3A_172 = arith.constant 0 : index
    %get3A_173 = vector.load %arg2[%get3A_171, %get3A_172] : memref<8x128xf32, #tpu.memory_space<vmem>>, vector<8x128xf32>
    %slice3A_174 = vector.extract_strided_slice %get3A_173 {offsets = [0, 0], sizes = [1, 128], strides = [1, 1]} : vector<8x128xf32> to vector<1x128xf32>
    %mul3A_175 = arith.constant 2.000000e-05 : f32
    %mul3A_176 = vector.broadcast %mul3A_175 : f32 to vector<1x128xf32>
    %mul3A_177 = arith.mulf %slice3A_174, %mul3A_176 : vector<1x128xf32>
    %slice3A_178 = vector.extract_strided_slice %get3A_173 {offsets = [1, 0], sizes = [1, 128], strides = [1, 1]} : vector<8x128xf32> to vector<1x128xf32>
    %mul3A_179 = arith.constant 2.000000e-05 : f32
    %mul3A_180 = vector.broadcast %mul3A_179 : f32 to vector<1x128xf32>
    %mul3A_181 = arith.mulf %slice3A_178, %mul3A_180 : vector<1x128xf32>
    %mul3A_182 = arith.mulf %mul3A_177, %mul3A_177 : vector<1x128xf32>
    %sub3A = arith.subf %mul3A_181, %mul3A_182 : vector<1x128xf32>
    %get3A_183 = arith.constant 0 : index
    %get3A_184 = arith.constant 0 : index
    %get3A_185 = vector.load %arg8[%get3A_183, %get3A_184] : memref<1x128xf32, #tpu.memory_space<vmem>>, vector<1x128xf32>
    %add3A_186 = arith.constant 9.99999974E-6 : f32
    %add3A_187 = vector.broadcast %add3A_186 : f32 to vector<1x128xf32>
    %add3A_188 = arith.addf %sub3A, %add3A_187 : vector<1x128xf32>
    %sqrt3A_189 = math.sqrt %add3A_188 : vector<1x128xf32>
    %div3A_190 = arith.divf %get3A_185, %sqrt3A_189 : vector<1x128xf32>
    %sub3A_191 = vector.broadcast %mul3A_177 : vector<1x128xf32> to vector<2000x128xf32>
    %sub3A_192 = arith.subf %dot_general3A_154, %sub3A_191 : vector<2000x128xf32>
    %mul3A_193 = vector.broadcast %div3A_190 : vector<1x128xf32> to vector<2000x128xf32>
    %mul3A_194 = arith.mulf %sub3A_192, %mul3A_193 : vector<2000x128xf32>
    %get3A_195 = arith.constant 0 : index
    %get3A_196 = arith.constant 0 : index
    %get3A_197 = vector.load %arg9[%get3A_195, %get3A_196] : memref<1x128xf32, #tpu.memory_space<vmem>>, vector<1x128xf32>
    %add3A_198 = vector.broadcast %get3A_197 : vector<1x128xf32> to vector<2000x128xf32>
    %add3A_199 = arith.addf %mul3A_194, %add3A_198 : vector<2000x128xf32>
    %swap3A = arith.constant 0 : index
    %swap3A_200 = arith.constant 0 : index
    %swap3A_201 = vector.load %arg11[%swap3A, %swap3A_200] : memref<2000x128xf32, #tpu.memory_space<vmem>>, vector<2000x128xf32>
    tpu.vector_store %arg11[%swap3A, %swap3A_200], %add3A_199 {strides = array<i32>} : memref<2000x128xf32, #tpu.memory_space<vmem>>, vector<2000x128xf32>,
    %slice3A_202 = vector.extract_strided_slice %get3A_173 {offsets = [2, 0], sizes = [1, 64], strides = [1, 1]} : vector<8x128xf32> to vector<1x64xf32>
    %mul3A_203 = arith.constant 2.000000e-05 : f32
    %mul3A_204 = vector.broadcast %mul3A_203 : f32 to vector<1x64xf32>
    %mul3A_205 = arith.mulf %slice3A_202, %mul3A_204 : vector<1x64xf32>
    %get3A_206 = arith.constant 0 : index
    %get3A_207 = arith.constant 0 : index
    %get3A_208 = vector.load %arg10[%get3A_206, %get3A_207] : memref<1x64xf32, #tpu.memory_space<vmem>>, vector<1x64xf32>
    %add3A_209 = arith.constant 9.99999974E-6 : f32
    %add3A_210 = vector.broadcast %add3A_209 : f32 to vector<1x64xf32>
    %add3A_211 = arith.addf %mul3A_205, %add3A_210 : vector<1x64xf32>
    %sqrt3A_212 = math.sqrt %add3A_211 : vector<1x64xf32>
    %div3A_213 = arith.divf %get3A_208, %sqrt3A_212 : vector<1x64xf32>
    %mul3A_214 = vector.broadcast %div3A_213 : vector<1x64xf32> to vector<2000x64xf32>
    %mul3A_215 = arith.mulf %dot_general3A_164, %mul3A_214 : vector<2000x64xf32>
    %swap3A_216 = arith.constant 0 : index
    %swap3A_217 = arith.constant 0 : index
    %swap3A_218 = vector.load %arg12[%swap3A_216, %swap3A_217] : memref<2000x64xf32, #tpu.memory_space<vmem>>, vector<2000x64xf32>
    tpu.vector_store %arg12[%swap3A_216, %swap3A_217], %mul3A_215 {strides = array<i32>} : memref<2000x64xf32, #tpu.memory_space<vmem>>, vector<2000x64xf32>,
    %mul3A_219 = vector.broadcast %div3A_213 : vector<1x64xf32> to vector<2000x64xf32>
    %mul3A_220 = arith.mulf %dot_general3A_167, %mul3A_219 : vector<2000x64xf32>
    %swap3A_221 = arith.constant 0 : index
    %swap3A_222 = arith.constant 0 : index
    %swap3A_223 = vector.load %arg13[%swap3A_221, %swap3A_222] : memref<2000x64xf32, #tpu.memory_space<vmem>>, vector<2000x64xf32>
    tpu.vector_store %arg13[%swap3A_221, %swap3A_222], %mul3A_220 {strides = array<i32>} : memref<2000x64xf32, #tpu.memory_space<vmem>>, vector<2000x64xf32>,
    %mul3A_224 = vector.broadcast %div3A_213 : vector<1x64xf32> to vector<2000x64xf32>
    %mul3A_225 = arith.mulf %dot_general3A_170, %mul3A_224 : vector<2000x64xf32>
    %swap3A_226 = arith.constant 0 : index
    %swap3A_227 = arith.constant 0 : index
    %swap3A_228 = vector.load %arg14[%swap3A_226, %swap3A_227] : memref<2000x64xf32, #tpu.memory_space<vmem>>, vector<2000x64xf32>
    tpu.vector_store %arg14[%swap3A_226, %swap3A_227], %mul3A_225 {strides = array<i32>} : memref<2000x64xf32, #tpu.memory_space<vmem>>, vector<2000x64xf32>,
    return
  }
  func.func @transform_0(%arg0: i32) -> (i32, i32, i32) {
    %c0_i32 = arith.constant 0 : i32
    %c0_i32_0 = arith.constant 0 : i32
    %c0_i32_1 = arith.constant 0 : i32
    return %c0_i32, %arg0, %c0_i32_0 : i32, i32, i32
  }
  func.func @transform_1(%arg0: i32) -> (i32, i32) {
    %c0_i32 = arith.constant 0 : i32
    %c0_i32_0 = arith.constant 0 : i32
    %c0_i32_1 = arith.constant 0 : i32
    return %c0_i32, %c0_i32_0 : i32, i32
  }
  func.func @transform_2(%arg0: i32) -> i32 {
    %c0_i32 = arith.constant 0 : i32
    %c0_i32_0 = arith.constant 0 : i32
    return %c0_i32 : i32
  }
  func.func @transform_3(%arg0: i32) -> (i32, i32) {
    %c0_i32 = arith.constant 0 : i32
    %c0_i32_0 = arith.constant 0 : i32
    %c0_i32_1 = arith.constant 0 : i32
    return %c0_i32, %c0_i32_0 : i32, i32
  }
  func.func @transform_4(%arg0: i32) -> (i32, i32) {
    %c0_i32 = arith.constant 0 : i32
    %c0_i32_0 = arith.constant 0 : i32
    %c0_i32_1 = arith.constant 0 : i32
    return %c0_i32, %c0_i32_0 : i32, i32
  }
  func.func @transform_5(%arg0: i32) -> (i32, i32) {
    %c0_i32 = arith.constant 0 : i32
    %c0_i32_0 = arith.constant 0 : i32
    %c0_i32_1 = arith.constant 0 : i32
    return %c0_i32, %c0_i32_0 : i32, i32
  }
  func.func @transform_6(%arg0: i32) -> (i32, i32) {
    %c0_i32 = arith.constant 0 : i32
    %c0_i32_0 = arith.constant 0 : i32
    %c0_i32_1 = arith.constant 0 : i32
    return %c0_i32, %c0_i32_0 : i32, i32
  }
  func.func @transform_7(%arg0: i32) -> (i32, i32) {
    %c0_i32 = arith.constant 0 : i32
    %c0_i32_0 = arith.constant 0 : i32
    %c0_i32_1 = arith.constant 0 : i32
    return %c0_i32, %c0_i32_0 : i32, i32
  }
  func.func @transform_8(%arg0: i32) -> (i32, i32) {
    %c0_i32 = arith.constant 0 : i32
    %c0_i32_0 = arith.constant 0 : i32
    %c0_i32_1 = arith.constant 0 : i32
    return %c0_i32, %c0_i32_0 : i32, i32
  }
  func.func @transform_9(%arg0: i32) -> (i32, i32) {
    %c0_i32 = arith.constant 0 : i32
    %c0_i32_0 = arith.constant 0 : i32
    %c0_i32_1 = arith.constant 0 : i32
    return %c0_i32, %c0_i32_0 : i32, i32
  }
  func.func @transform_10(%arg0: i32) -> (i32, i32) {
    %c0_i32 = arith.constant 0 : i32
    %c0_i32_0 = arith.constant 0 : i32
    return %arg0, %c0_i32 : i32, i32
  }
  func.func @transform_11(%arg0: i32) -> (i32, i32) {
    %c0_i32 = arith.constant 0 : i32
    %c0_i32_0 = arith.constant 0 : i32
    return %arg0, %c0_i32 : i32, i32
  }
  func.func @transform_12(%arg0: i32) -> (i32, i32) {
    %c0_i32 = arith.constant 0 : i32
    %c0_i32_0 = arith.constant 0 : i32
    return %arg0, %c0_i32 : i32, i32
  }
  func.func @transform_13(%arg0: i32) -> (i32, i32) {
    %c0_i32 = arith.constant 0 : i32
    %c0_i32_0 = arith.constant 0 : i32
    return %arg0, %c0_i32 : i32, i32
  }
}

module attributes {stable_mosaic.version = 14 : i64} {
  func.func @_erbf_body(%arg0: i32, %arg1: memref<1x64x128xf32, #tpu.memory_space<vmem>>, %arg2: memref<16x64x128xf32, #tpu.memory_space<vmem>>) attributes {dimension_semantics = [#tpu.dimension_semantics<arbitrary>], iteration_bounds = array<i64: 196>, scalar_prefetch = 0 : i64, scratch_operands = 0 : i64, tpu.core_type = #tpu.core_type<tc>, window_params = [{transform_indices = @transform_0, window_bounds = array<i64: 1, 64, 128>}, {transform_indices = @transform_1, window_bounds = array<i64: 16, 64, 128>}]} {
    %get3A = arith.constant 0 : index
    %get3A_0 = arith.constant 0 : index
    %get3A_1 = arith.constant 0 : index
    %get3A_2 = vector.load %arg1[%get3A, %get3A_0, %get3A_1] : memref<1x64x128xf32, #tpu.memory_space<vmem>>, vector<1x64x128xf32>
    %get3A_3 = vector.shape_cast %get3A_2 : vector<1x64x128xf32> to vector<64x128xf32>
    %div3A = arith.constant 1.000000e+00 : f32
    %div3A_4 = vector.broadcast %div3A : f32 to vector<64x128xf32>
    %div3A_5 = arith.divf %div3A_4, %get3A_3 : vector<64x128xf32>
    %mul3A = arith.constant 1.000000e-01 : f32
    %mul3A_6 = vector.broadcast %mul3A : f32 to vector<64x128xf32>
    %mul3A_7 = arith.mulf %get3A_3, %mul3A_6 : vector<64x128xf32>
    %mul3A_8 = arith.mulf %mul3A_7, %mul3A_7 : vector<64x128xf32>
    %mul3A_9 = arith.mulf %mul3A_8, %mul3A_7 : vector<64x128xf32>
    %mul3A_10 = arith.mulf %mul3A_9, %mul3A_9 : vector<64x128xf32>
    %mul3A_11 = arith.mulf %mul3A_10, %mul3A_7 : vector<64x128xf32>
    %mul3A_12 = arith.mulf %mul3A_11, %mul3A_7 : vector<64x128xf32>
    %mul3A_13 = arith.constant 2.800000e+01 : f32
    %mul3A_14 = vector.broadcast %mul3A_13 : f32 to vector<64x128xf32>
    %mul3A_15 = arith.mulf %mul3A_14, %mul3A_10 : vector<64x128xf32>
    %sub3A = arith.constant 1.000000e+00 : f32
    %sub3A_16 = vector.broadcast %sub3A : f32 to vector<64x128xf32>
    %sub3A_17 = arith.subf %sub3A_16, %mul3A_15 : vector<64x128xf32>
    %mul3A_18 = arith.constant 4.800000e+01 : f32
    %mul3A_19 = vector.broadcast %mul3A_18 : f32 to vector<64x128xf32>
    %mul3A_20 = arith.mulf %mul3A_19, %mul3A_11 : vector<64x128xf32>
    %add3A = arith.addf %sub3A_17, %mul3A_20 : vector<64x128xf32>
    %mul3A_21 = arith.constant 2.100000e+01 : f32
    %mul3A_22 = vector.broadcast %mul3A_21 : f32 to vector<64x128xf32>
    %mul3A_23 = arith.mulf %mul3A_22, %mul3A_12 : vector<64x128xf32>
    %sub3A_24 = arith.subf %add3A, %mul3A_23 : vector<64x128xf32>
    %lt3A = arith.constant 1.000000e+00 : f32
    %lt3A_25 = vector.broadcast %lt3A : f32 to vector<64x128xf32>
    %lt3A_26 = arith.cmpf olt, %mul3A_7, %lt3A_25 : vector<64x128xf32>
    %jit3A = arith.constant 0.000000e+00 : f32
    %broadcast_in_dim3A = vector.broadcast %jit3A : f32 to vector<64x128xf32>
    %select_n3A = arith.select %lt3A_26, %sub3A_24, %broadcast_in_dim3A : vector<64x128xi1>, vector<64x128xf32>
    %mul3A_27 = arith.constant 0.314159274 : f32
    %mul3A_28 = vector.broadcast %mul3A_27 : f32 to vector<64x128xf32>
    %mul3A_29 = arith.mulf %get3A_3, %mul3A_28 : vector<64x128xf32>
    %sin3A = math.sin %mul3A_29 : vector<64x128xf32>
    %cos3A = math.cos %mul3A_29 : vector<64x128xf32>
    %mul3A_30 = arith.constant 2.000000e+00 : f32
    %mul3A_31 = vector.broadcast %mul3A_30 : f32 to vector<64x128xf32>
    %mul3A_32 = arith.mulf %mul3A_31, %cos3A : vector<64x128xf32>
    %sqrt3A = arith.constant 2.000000e-01 : f32
    %sqrt3A_33 = math.sqrt %sqrt3A : f32
    %mul3A_34 = vector.broadcast %sqrt3A_33 : f32 to vector<64x128xf32>
    %mul3A_35 = arith.mulf %mul3A_34, %select_n3A : vector<64x128xf32>
    %mul3A_36 = arith.mulf %mul3A_35, %div3A_5 : vector<64x128xf32>
    %broadcast_in_dim3A_37 = arith.constant 0.000000e+00 : f32
    %broadcast_in_dim3A_38 = vector.broadcast %broadcast_in_dim3A_37 : f32 to vector<64x128xf32>
    %mul3A_39 = arith.mulf %sin3A, %mul3A_36 : vector<64x128xf32>
    %swap3A = arith.constant 0 : index
    %swap3A_40 = arith.constant 0 : index
    %swap3A_41 = arith.constant 0 : index
    %swap3A_42 = vector.load %arg2[%swap3A, %swap3A_40, %swap3A_41] : memref<16x64x128xf32, #tpu.memory_space<vmem>>, vector<1x64x128xf32>
    %swap3A_43 = vector.shape_cast %swap3A_42 : vector<1x64x128xf32> to vector<64x128xf32>
    %swap3A_44 = vector.shape_cast %mul3A_39 : vector<64x128xf32> to vector<1x64x128xf32>
    tpu.vector_store %arg2[%swap3A, %swap3A_40, %swap3A_41], %swap3A_44 {strides = array<i32>} : memref<16x64x128xf32, #tpu.memory_space<vmem>>, vector<1x64x128xf32>,
    %mul3A_45 = arith.mulf %mul3A_32, %sin3A : vector<64x128xf32>
    %sub3A_46 = arith.subf %mul3A_45, %broadcast_in_dim3A_38 : vector<64x128xf32>
    %mul3A_47 = arith.mulf %sub3A_46, %mul3A_36 : vector<64x128xf32>
    %swap3A_48 = arith.constant 1 : index
    %swap3A_49 = arith.constant 0 : index
    %swap3A_50 = arith.constant 0 : index
    %swap3A_51 = vector.load %arg2[%swap3A_48, %swap3A_49, %swap3A_50] : memref<16x64x128xf32, #tpu.memory_space<vmem>>, vector<1x64x128xf32>
    %swap3A_52 = vector.shape_cast %swap3A_51 : vector<1x64x128xf32> to vector<64x128xf32>
    %swap3A_53 = vector.shape_cast %mul3A_47 : vector<64x128xf32> to vector<1x64x128xf32>
    tpu.vector_store %arg2[%swap3A_48, %swap3A_49, %swap3A_50], %swap3A_53 {strides = array<i32>} : memref<16x64x128xf32, #tpu.memory_space<vmem>>, vector<1x64x128xf32>,
    %mul3A_54 = arith.mulf %mul3A_32, %sub3A_46 : vector<64x128xf32>
    %sub3A_55 = arith.subf %mul3A_54, %sin3A : vector<64x128xf32>
    %mul3A_56 = arith.mulf %sub3A_55, %mul3A_36 : vector<64x128xf32>
    %swap3A_57 = arith.constant 2 : index
    %swap3A_58 = arith.constant 0 : index
    %swap3A_59 = arith.constant 0 : index
    %swap3A_60 = vector.load %arg2[%swap3A_57, %swap3A_58, %swap3A_59] : memref<16x64x128xf32, #tpu.memory_space<vmem>>, vector<1x64x128xf32>
    %swap3A_61 = vector.shape_cast %swap3A_60 : vector<1x64x128xf32> to vector<64x128xf32>
    %swap3A_62 = vector.shape_cast %mul3A_56 : vector<64x128xf32> to vector<1x64x128xf32>
    tpu.vector_store %arg2[%swap3A_57, %swap3A_58, %swap3A_59], %swap3A_62 {strides = array<i32>} : memref<16x64x128xf32, #tpu.memory_space<vmem>>, vector<1x64x128xf32>,
    %mul3A_63 = arith.mulf %mul3A_32, %sub3A_55 : vector<64x128xf32>
    %sub3A_64 = arith.subf %mul3A_63, %sub3A_46 : vector<64x128xf32>
    %mul3A_65 = arith.mulf %sub3A_64, %mul3A_36 : vector<64x128xf32>
    %swap3A_66 = arith.constant 3 : index
    %swap3A_67 = arith.constant 0 : index
    %swap3A_68 = arith.constant 0 : index
    %swap3A_69 = vector.load %arg2[%swap3A_66, %swap3A_67, %swap3A_68] : memref<16x64x128xf32, #tpu.memory_space<vmem>>, vector<1x64x128xf32>
    %swap3A_70 = vector.shape_cast %swap3A_69 : vector<1x64x128xf32> to vector<64x128xf32>
    %swap3A_71 = vector.shape_cast %mul3A_65 : vector<64x128xf32> to vector<1x64x128xf32>
    tpu.vector_store %arg2[%swap3A_66, %swap3A_67, %swap3A_68], %swap3A_71 {strides = array<i32>} : memref<16x64x128xf32, #tpu.memory_space<vmem>>, vector<1x64x128xf32>,
    %mul3A_72 = arith.mulf %mul3A_32, %sub3A_64 : vector<64x128xf32>
    %sub3A_73 = arith.subf %mul3A_72, %sub3A_55 : vector<64x128xf32>
    %mul3A_74 = arith.mulf %sub3A_73, %mul3A_36 : vector<64x128xf32>
    %swap3A_75 = arith.constant 4 : index
    %swap3A_76 = arith.constant 0 : index
    %swap3A_77 = arith.constant 0 : index
    %swap3A_78 = vector.load %arg2[%swap3A_75, %swap3A_76, %swap3A_77] : memref<16x64x128xf32, #tpu.memory_space<vmem>>, vector<1x64x128xf32>
    %swap3A_79 = vector.shape_cast %swap3A_78 : vector<1x64x128xf32> to vector<64x128xf32>
    %swap3A_80 = vector.shape_cast %mul3A_74 : vector<64x128xf32> to vector<1x64x128xf32>
    tpu.vector_store %arg2[%swap3A_75, %swap3A_76, %swap3A_77], %swap3A_80 {strides = array<i32>} : memref<16x64x128xf32, #tpu.memory_space<vmem>>, vector<1x64x128xf32>,
    %mul3A_81 = arith.mulf %mul3A_32, %sub3A_73 : vector<64x128xf32>
    %sub3A_82 = arith.subf %mul3A_81, %sub3A_64 : vector<64x128xf32>
    %mul3A_83 = arith.mulf %sub3A_82, %mul3A_36 : vector<64x128xf32>
    %swap3A_84 = arith.constant 5 : index
    %swap3A_85 = arith.constant 0 : index
    %swap3A_86 = arith.constant 0 : index
    %swap3A_87 = vector.load %arg2[%swap3A_84, %swap3A_85, %swap3A_86] : memref<16x64x128xf32, #tpu.memory_space<vmem>>, vector<1x64x128xf32>
    %swap3A_88 = vector.shape_cast %swap3A_87 : vector<1x64x128xf32> to vector<64x128xf32>
    %swap3A_89 = vector.shape_cast %mul3A_83 : vector<64x128xf32> to vector<1x64x128xf32>
    tpu.vector_store %arg2[%swap3A_84, %swap3A_85, %swap3A_86], %swap3A_89 {strides = array<i32>} : memref<16x64x128xf32, #tpu.memory_space<vmem>>, vector<1x64x128xf32>,
    %mul3A_90 = arith.mulf %mul3A_32, %sub3A_82 : vector<64x128xf32>
    %sub3A_91 = arith.subf %mul3A_90, %sub3A_73 : vector<64x128xf32>
    %mul3A_92 = arith.mulf %sub3A_91, %mul3A_36 : vector<64x128xf32>
    %swap3A_93 = arith.constant 6 : index
    %swap3A_94 = arith.constant 0 : index
    %swap3A_95 = arith.constant 0 : index
    %swap3A_96 = vector.load %arg2[%swap3A_93, %swap3A_94, %swap3A_95] : memref<16x64x128xf32, #tpu.memory_space<vmem>>, vector<1x64x128xf32>
    %swap3A_97 = vector.shape_cast %swap3A_96 : vector<1x64x128xf32> to vector<64x128xf32>
    %swap3A_98 = vector.shape_cast %mul3A_92 : vector<64x128xf32> to vector<1x64x128xf32>
    tpu.vector_store %arg2[%swap3A_93, %swap3A_94, %swap3A_95], %swap3A_98 {strides = array<i32>} : memref<16x64x128xf32, #tpu.memory_space<vmem>>, vector<1x64x128xf32>,
    %mul3A_99 = arith.mulf %mul3A_32, %sub3A_91 : vector<64x128xf32>
    %sub3A_100 = arith.subf %mul3A_99, %sub3A_82 : vector<64x128xf32>
    %mul3A_101 = arith.mulf %sub3A_100, %mul3A_36 : vector<64x128xf32>
    %swap3A_102 = arith.constant 7 : index
    %swap3A_103 = arith.constant 0 : index
    %swap3A_104 = arith.constant 0 : index
    %swap3A_105 = vector.load %arg2[%swap3A_102, %swap3A_103, %swap3A_104] : memref<16x64x128xf32, #tpu.memory_space<vmem>>, vector<1x64x128xf32>
    %swap3A_106 = vector.shape_cast %swap3A_105 : vector<1x64x128xf32> to vector<64x128xf32>
    %swap3A_107 = vector.shape_cast %mul3A_101 : vector<64x128xf32> to vector<1x64x128xf32>
    tpu.vector_store %arg2[%swap3A_102, %swap3A_103, %swap3A_104], %swap3A_107 {strides = array<i32>} : memref<16x64x128xf32, #tpu.memory_space<vmem>>, vector<1x64x128xf32>,
    %mul3A_108 = arith.mulf %mul3A_32, %sub3A_100 : vector<64x128xf32>
    %sub3A_109 = arith.subf %mul3A_108, %sub3A_91 : vector<64x128xf32>
    %mul3A_110 = arith.mulf %sub3A_109, %mul3A_36 : vector<64x128xf32>
    %swap3A_111 = arith.constant 8 : index
    %swap3A_112 = arith.constant 0 : index
    %swap3A_113 = arith.constant 0 : index
    %swap3A_114 = vector.load %arg2[%swap3A_111, %swap3A_112, %swap3A_113] : memref<16x64x128xf32, #tpu.memory_space<vmem>>, vector<1x64x128xf32>
    %swap3A_115 = vector.shape_cast %swap3A_114 : vector<1x64x128xf32> to vector<64x128xf32>
    %swap3A_116 = vector.shape_cast %mul3A_110 : vector<64x128xf32> to vector<1x64x128xf32>
    tpu.vector_store %arg2[%swap3A_111, %swap3A_112, %swap3A_113], %swap3A_116 {strides = array<i32>} : memref<16x64x128xf32, #tpu.memory_space<vmem>>, vector<1x64x128xf32>,
    %mul3A_117 = arith.mulf %mul3A_32, %sub3A_109 : vector<64x128xf32>
    %sub3A_118 = arith.subf %mul3A_117, %sub3A_100 : vector<64x128xf32>
    %mul3A_119 = arith.mulf %sub3A_118, %mul3A_36 : vector<64x128xf32>
    %swap3A_120 = arith.constant 9 : index
    %swap3A_121 = arith.constant 0 : index
    %swap3A_122 = arith.constant 0 : index
    %swap3A_123 = vector.load %arg2[%swap3A_120, %swap3A_121, %swap3A_122] : memref<16x64x128xf32, #tpu.memory_space<vmem>>, vector<1x64x128xf32>
    %swap3A_124 = vector.shape_cast %swap3A_123 : vector<1x64x128xf32> to vector<64x128xf32>
    %swap3A_125 = vector.shape_cast %mul3A_119 : vector<64x128xf32> to vector<1x64x128xf32>
    tpu.vector_store %arg2[%swap3A_120, %swap3A_121, %swap3A_122], %swap3A_125 {strides = array<i32>} : memref<16x64x128xf32, #tpu.memory_space<vmem>>, vector<1x64x128xf32>,
    %mul3A_126 = arith.mulf %mul3A_32, %sub3A_118 : vector<64x128xf32>
    %sub3A_127 = arith.subf %mul3A_126, %sub3A_109 : vector<64x128xf32>
    %mul3A_128 = arith.mulf %sub3A_127, %mul3A_36 : vector<64x128xf32>
    %swap3A_129 = arith.constant 10 : index
    %swap3A_130 = arith.constant 0 : index
    %swap3A_131 = arith.constant 0 : index
    %swap3A_132 = vector.load %arg2[%swap3A_129, %swap3A_130, %swap3A_131] : memref<16x64x128xf32, #tpu.memory_space<vmem>>, vector<1x64x128xf32>
    %swap3A_133 = vector.shape_cast %swap3A_132 : vector<1x64x128xf32> to vector<64x128xf32>
    %swap3A_134 = vector.shape_cast %mul3A_128 : vector<64x128xf32> to vector<1x64x128xf32>
    tpu.vector_store %arg2[%swap3A_129, %swap3A_130, %swap3A_131], %swap3A_134 {strides = array<i32>} : memref<16x64x128xf32, #tpu.memory_space<vmem>>, vector<1x64x128xf32>,
    %mul3A_135 = arith.mulf %mul3A_32, %sub3A_127 : vector<64x128xf32>
    %sub3A_136 = arith.subf %mul3A_135, %sub3A_118 : vector<64x128xf32>
    %mul3A_137 = arith.mulf %sub3A_136, %mul3A_36 : vector<64x128xf32>
    %swap3A_138 = arith.constant 11 : index
    %swap3A_139 = arith.constant 0 : index
    %swap3A_140 = arith.constant 0 : index
    %swap3A_141 = vector.load %arg2[%swap3A_138, %swap3A_139, %swap3A_140] : memref<16x64x128xf32, #tpu.memory_space<vmem>>, vector<1x64x128xf32>
    %swap3A_142 = vector.shape_cast %swap3A_141 : vector<1x64x128xf32> to vector<64x128xf32>
    %swap3A_143 = vector.shape_cast %mul3A_137 : vector<64x128xf32> to vector<1x64x128xf32>
    tpu.vector_store %arg2[%swap3A_138, %swap3A_139, %swap3A_140], %swap3A_143 {strides = array<i32>} : memref<16x64x128xf32, #tpu.memory_space<vmem>>, vector<1x64x128xf32>,
    %mul3A_144 = arith.mulf %mul3A_32, %sub3A_136 : vector<64x128xf32>
    %sub3A_145 = arith.subf %mul3A_144, %sub3A_127 : vector<64x128xf32>
    %mul3A_146 = arith.mulf %sub3A_145, %mul3A_36 : vector<64x128xf32>
    %swap3A_147 = arith.constant 12 : index
    %swap3A_148 = arith.constant 0 : index
    %swap3A_149 = arith.constant 0 : index
    %swap3A_150 = vector.load %arg2[%swap3A_147, %swap3A_148, %swap3A_149] : memref<16x64x128xf32, #tpu.memory_space<vmem>>, vector<1x64x128xf32>
    %swap3A_151 = vector.shape_cast %swap3A_150 : vector<1x64x128xf32> to vector<64x128xf32>
    %swap3A_152 = vector.shape_cast %mul3A_146 : vector<64x128xf32> to vector<1x64x128xf32>
    tpu.vector_store %arg2[%swap3A_147, %swap3A_148, %swap3A_149], %swap3A_152 {strides = array<i32>} : memref<16x64x128xf32, #tpu.memory_space<vmem>>, vector<1x64x128xf32>,
    %mul3A_153 = arith.mulf %mul3A_32, %sub3A_145 : vector<64x128xf32>
    %sub3A_154 = arith.subf %mul3A_153, %sub3A_136 : vector<64x128xf32>
    %mul3A_155 = arith.mulf %sub3A_154, %mul3A_36 : vector<64x128xf32>
    %swap3A_156 = arith.constant 13 : index
    %swap3A_157 = arith.constant 0 : index
    %swap3A_158 = arith.constant 0 : index
    %swap3A_159 = vector.load %arg2[%swap3A_156, %swap3A_157, %swap3A_158] : memref<16x64x128xf32, #tpu.memory_space<vmem>>, vector<1x64x128xf32>
    %swap3A_160 = vector.shape_cast %swap3A_159 : vector<1x64x128xf32> to vector<64x128xf32>
    %swap3A_161 = vector.shape_cast %mul3A_155 : vector<64x128xf32> to vector<1x64x128xf32>
    tpu.vector_store %arg2[%swap3A_156, %swap3A_157, %swap3A_158], %swap3A_161 {strides = array<i32>} : memref<16x64x128xf32, #tpu.memory_space<vmem>>, vector<1x64x128xf32>,
    %mul3A_162 = arith.mulf %mul3A_32, %sub3A_154 : vector<64x128xf32>
    %sub3A_163 = arith.subf %mul3A_162, %sub3A_145 : vector<64x128xf32>
    %mul3A_164 = arith.mulf %sub3A_163, %mul3A_36 : vector<64x128xf32>
    %swap3A_165 = arith.constant 14 : index
    %swap3A_166 = arith.constant 0 : index
    %swap3A_167 = arith.constant 0 : index
    %swap3A_168 = vector.load %arg2[%swap3A_165, %swap3A_166, %swap3A_167] : memref<16x64x128xf32, #tpu.memory_space<vmem>>, vector<1x64x128xf32>
    %swap3A_169 = vector.shape_cast %swap3A_168 : vector<1x64x128xf32> to vector<64x128xf32>
    %swap3A_170 = vector.shape_cast %mul3A_164 : vector<64x128xf32> to vector<1x64x128xf32>
    tpu.vector_store %arg2[%swap3A_165, %swap3A_166, %swap3A_167], %swap3A_170 {strides = array<i32>} : memref<16x64x128xf32, #tpu.memory_space<vmem>>, vector<1x64x128xf32>,
    %mul3A_171 = arith.mulf %mul3A_32, %sub3A_163 : vector<64x128xf32>
    %sub3A_172 = arith.subf %mul3A_171, %sub3A_154 : vector<64x128xf32>
    %mul3A_173 = arith.mulf %sub3A_172, %mul3A_36 : vector<64x128xf32>
    %swap3A_174 = arith.constant 15 : index
    %swap3A_175 = arith.constant 0 : index
    %swap3A_176 = arith.constant 0 : index
    %swap3A_177 = vector.load %arg2[%swap3A_174, %swap3A_175, %swap3A_176] : memref<16x64x128xf32, #tpu.memory_space<vmem>>, vector<1x64x128xf32>
    %swap3A_178 = vector.shape_cast %swap3A_177 : vector<1x64x128xf32> to vector<64x128xf32>
    %swap3A_179 = vector.shape_cast %mul3A_173 : vector<64x128xf32> to vector<1x64x128xf32>
    tpu.vector_store %arg2[%swap3A_174, %swap3A_175, %swap3A_176], %swap3A_179 {strides = array<i32>} : memref<16x64x128xf32, #tpu.memory_space<vmem>>, vector<1x64x128xf32>,
    return
  }
  func.func @transform_0(%arg0: i32) -> (i32, i32, i32) {
    %c0_i32 = arith.constant 0 : i32
    %c0_i32_0 = arith.constant 0 : i32
    %c0_i32_1 = arith.constant 0 : i32
    return %c0_i32, %arg0, %c0_i32_0 : i32, i32, i32
  }
  func.func @transform_1(%arg0: i32) -> (i32, i32, i32) {
    %c0_i32 = arith.constant 0 : i32
    %c0_i32_0 = arith.constant 0 : i32
    %c0_i32_1 = arith.constant 0 : i32
    return %c0_i32, %arg0, %c0_i32_0 : i32, i32, i32
  }
}

</mosaic_0001>

<sc_bundles>
// kernel: kernel.6.cloned.1.call-start
scs
__scs_entry_jumppad:
0x0: {  	(pc) =	sbr.rel $0x88, $3  }
0x1: {  	(tag) =	ssettag $0x0;
	lr =	simm.s32 $0x1  }
0x2: {  	[smem:$0x3F95] =	sst lr;
	_ =	strace $0xD0000000  }
0x3: {  	_ = 	snop  }
0x4: {  	_ = 	snop  }
0x5: {  	_ = 	snop  }
0x6: {  	_ = 	snop  }
0x7: {  	_ = 	snop  }
__scs_overlays_trampoline_lowered:
0x8: {  	[smem:$0x3FA4] =	sst s0  }
0x9: {  	[smem:$0x3FA5] =	sst s1  }
0xa: {  	[smem:$0x3FA6] =	sst s2  }
0xb: {  	[smem:$0x3FA7] =	sst s3  }
0xc: {  	[smem:$0x3FA8] =	sst s4  }
0xd: {  	[smem:$0x3FA9] =	sst s5  }
0xe: {  	[smem:$0x3FAA] =	sst s6  }
0xf: {  	[smem:$0x3FAB] =	sst s7  }
0x10: {  	[smem:$0x3FAC] =	sst s8  }
0x11: {  	[smem:$0x3FAD] =	sst s9;
	s0 =	simm.s32 @!p0 $0x0  }
0x12: {  	s1 =	sld [smem:$0x3F93];
	s0 =	simm.s32 @p0 $0x1  }
0x13: {  	[smem:$0x3FAE] =	sst s0;
	s0 =	simm.s32 @!p1 $0x0  }
0x14: {  	s2 =	sld [smem:$0x3F92];
	s0 =	simm.s32 @p1 $0x1  }
0x15: {  	[smem:$0x3FAF] =	sst s0;
	s0 =	simm.s32 @!p2 $0x0  }
0x16: {  	s3 =	sld [smem:$0x3FDB];
	s0 =	simm.s32 @p2 $0x1  }
0x17: {  	s4 =	simm.s32 $0x1BF5;
	[smem:$0x3FB1] =	sst s0  }
0x18: {  	s0 =	sld [smem:$0x3F94];
	_ =	swait.ge [sflag:s4], $0x0  }
0x19: {  	s7 =	sld [smem:$0x3F95]  }
0x1a: {  	s8 =	sadd.s32 $0xFFFFE003, lr  }
0x1b: {  	s9 =	sadd.s32 $0xFFFFFEF7, lr;
	s5 =	simm.s32 $0xFFFFFFFF;
	p2 =	slt.u32 s8, $0xFFFFF086  }
0x1c: {  	p1 =	slt.u32 s9, $0xF7A;
	s5 =	simm.s32 @!p2 $0x0  }
0x1d: {  	s5 =	simm.s32 @p1 $0x1;
	p0 =	seq.s32 s7, s2  }
0x1e: {  	s7 =	smul.u32 @!p0 $0xF7A, s2;
	p2 =	seq.s32 @!p0 s5, $0x0  }
0x1f: {  	s9 =	smul.u32 $0xF7A, s1;
	s8 =	simm.s32 @!p0 $0x1BF5;
	p2 =	por !p2, p0  }
0x20: {  	[sflag:s8] =	ssyncset.s32 @!p0 $0xFFFFF086;
	s6 =	sadd.s32 @!p0 s3, s7;
	s7 =	simm.s32 @!p0 $0x108  }
0x21: {  	s3 =	sadd.s32 s3, s9;
	s6 =	sadd.s32 @!p0 $0x88, s6;
	s7 =	simm.s32 @p2 $0x1082  }
0x22: {  	[simem:s7], [sflag:s8] =	dma.local @!p0 [hbm:s6], $0xF7A  }
0x23: {  	s9 =	sor.u32 $0xD0000000, s2;
	s6 =	simm.s32 $0x108;
	_ =	swait.ge @!p0 [sflag:s8], $0x0  }
0x24: {  	s3 =	sadd.s32 $0x88, s3;
	s6 =	simm.s32 @!p1 $0x1082;
	[sflag:s4] =	ssyncset.s32 $0xFFFFF086  }
0x25: {  	[simem:s6], [sflag:s4] =	dma.local [hbm:s3], $0xF7A  }
0x26: {  	[smem:$0x3F95] =	sst s1;
	(tag) =	ssettag s2;
	_ =	strace s9  }
0x27: {  	s1 =	sld [smem:$0x3FA5]  }
0x28: {  	s2 =	sld [smem:$0x3FA6]  }
0x29: {  	s4 =	sld [smem:$0x3FA8]  }
0x2a: {  	p0 =	seq.s32 s5, $0x0;
	s5 =	sld [smem:$0x3FA9]  }
0x2b: {  	s6 =	sld [smem:$0x3FAA]  }
0x2c: {  	s7 =	sld [smem:$0x3FAB]  }
0x2d: {  	s3 =	simm.s32 $0x108;
	s8 =	sld [smem:$0x3FAC]  }
0x2e: {  	s3 =	simm.s32 @!p0 $0x1082;
	s9 =	sld [smem:$0x3FAD]  }
0x2f: {  	lr =	sadd.s32 s0, s3;
	s0 =	sld [smem:$0x3FA4]  }
0x30: {  	s3 =	sld [smem:$0x3FA7]  }
0x31: {  	[smem:$0x3FB0] =	sst s10  }
0x32: {  	s10 =	sld [smem:$0x3FAE];
	_ =	sdelay $0x3  }
0x33: {  	p0 =	seq.s32 s10, $0x1;
	s10 =	sld [smem:$0x3FB0];
	_ =	sdelay $0x3  }
0x34: {  	[smem:$0x3FB0] =	sst s10  }
0x35: {  	s10 =	sld [smem:$0x3FAF];
	_ =	sdelay $0x3  }
0x36: {  	p1 =	seq.s32 s10, $0x1;
	s10 =	sld [smem:$0x3FB0];
	_ =	sdelay $0x3  }
0x37: {  	[smem:$0x3FB0] =	sst s10  }
0x38: {  	s10 =	sld [smem:$0x3FB1]  }
0x39: {  	_ = 	snop;
	(pc) =	sbr.ind lr, $3  }
0x3a: {  	_ = 	snop  }
0x3b: {  	_ = 	snop  }
0x3c: {  	p2 =	seq.s32 s10, $0x1;
	s10 =	sld [smem:$0x3FB0]  }
0x3d: {  	_ =	shalt  }
0x3e: {  	_ =	shalt  }
0x3f: {  	_ =	shalt  }
0x40: {  	_ =	shalt  }
0x41: {  	_ =	shalt  }
0x42: {  	_ =	shalt  }
0x43: {  	_ =	shalt  }
0x44: {  	_ =	shalt  }
0x45: {  	_ =	shalt  }
0x46: {  	_ =	shalt  }
0x47: {  	_ =	shalt  }
0x48: {  	_ =	shalt  }
0x49: {  	_ =	shalt  }
0x4a: {  	_ =	shalt  }
0x4b: {  	_ =	shalt  }
0x4c: {  	_ =	shalt  }
0x4d: {  	_ =	shalt  }
0x4e: {  	_ =	shalt  }
0x4f: {  	_ =	shalt  }
0x50: {  	_ =	shalt  }
0x51: {  	_ =	shalt  }
0x52: {  	_ =	shalt  }
0x53: {  	_ =	shalt  }
0x54: {  	_ =	shalt  }
0x55: {  	_ =	shalt  }
0x56: {  	_ =	shalt  }
0x57: {  	_ =	shalt  }
0x58: {  	_ =	shalt  }
0x59: {  	_ =	shalt  }
0x5a: {  	_ =	shalt  }
0x5b: {  	_ =	shalt  }
0x5c: {  	_ =	shalt  }
0x5d: {  	_ =	shalt  }
0x5e: {  	_ =	shalt  }
0x5f: {  	_ =	shalt  }
0x60: {  	_ =	shalt  }
0x61: {  	_ =	shalt  }
0x62: {  	_ =	shalt  }
0x63: {  	_ =	shalt  }
0x64: {  	_ =	shalt  }
0x65: {  	_ =	shalt  }
0x66: {  	_ =	shalt  }
0x67: {  	_ =	shalt  }
0x68: {  	_ =	shalt  }
0x69: {  	_ =	shalt  }
0x6a: {  	_ =	shalt  }
0x6b: {  	_ =	shalt  }
0x6c: {  	_ =	shalt  }
0x6d: {  	_ =	shalt  }
0x6e: {  	_ =	shalt  }
0x6f: {  	_ =	shalt  }
0x70: {  	_ =	shalt  }
0x71: {  	_ =	shalt  }
0x72: {  	_ =	shalt  }
0x73: {  	_ =	shalt  }
0x74: {  	_ =	shalt  }
0x75: {  	_ =	shalt  }
0x76: {  	_ =	shalt  }
0x77: {  	_ =	shalt  }
0x78: {  	_ =	shalt  }
0x79: {  	_ =	shalt  }
0x7a: {  	_ =	shalt  }
0x7b: {  	_ =	shalt  }
0x7c: {  	_ =	shalt  }
0x7d: {  	_ =	shalt  }
0x7e: {  	_ =	shalt  }
0x7f: {  	_ =	shalt  }
0x80: {  	_ =	shalt  }
0x81: {  	_ =	shalt  }
0x82: {  	_ =	shalt  }
0x83: {  	_ =	shalt  }
0x84: {  	_ =	shalt  }
0x85: {  	_ =	shalt  }
0x86: {  	_ =	shalt  }
0x87: {  	_ =	shalt  }
.Lfunc_end0:
.L_simem_size_0:
called_computation.2_lowered:
.L_overlay_start_0:
0x88: {  	s2 =	sld [smem:$0x3FD9]  }
0x89: {  	s3 =	sld [smem:$0x3FFE];
	_ =	sdelay $0x1  }
0x8a: {  	s1 =	srdreg.scid  }
0x8b: {  	s0 =	sand.u32 $0x1, s1  }
0x8c: {  	s14 =	sshll.u32 s0, $0xA;
	s2 =	sadd.s32 s3, s2  }
0x8d: {  	s2 =	sadd.s32 s2, s14  }
0x8e: {  	[smem:$0x3FBC] =	sst s2  }
0x8f: {  	_ = 	snop  }
0x90: {  	s2 =	sld [smem:$0x3FD0];
	_ =	sdelay $0x2  }
0x91: {  	s15 =	simm.s32 $0xB;
	s4 =	simm.s32 $0x10  }
0x92: {  	[smem:s4], [sflag:s15] =	dma.local [hbm:s2], $0x1  }
0x93: {  	_ =	swait.eq [sflag:s15], $0x1  }
0x94: {  	s16 =	sld [smem:$0x10];
	[sflag:s15] =	ssyncset.done $0x0  }
0x95: {  	s17 =	sld [smem:$0x11];
	[sflag:s15] =	ssyncadd.s32 $0xFFFFFFFF  }
0x96: {  	s18 =	sld [smem:$0x12];
	(tm) =	ssettm $0x1  }
0x97: {  	s5 =	sld [smem:$0x3FFB];
	_ =	sdelay $0x3  }
0x98: {  	_ =	strace s5  }
0x99: {  	s5 =	sld [smem:$0x3FFC];
	_ =	sdelay $0x3  }
0x9a: {  	_ =	strace s5  }
0x9b: {  	s5 =	sld [smem:$0x3FFD];
	_ =	sdelay $0x3  }
0x9c: {  	_ =	strace s5  }
0x9d: {  	_ =	strace $0x8FFFFFFF  }
0x9e: {  	s19 =	sld [smem:$0x3FDB];
	_ =	sdelay $0x1  }
0x9f: {  	s6 =	simm.s32 $_scs_section_size  }
0xa0: {  	s7 =	simm.s32 $_size__tile_overlayer_lowered;
	s8 =	simm.s32 $_tile_overlayer_lowered  }
0xa1: {  	s22 =	simm.s32 $0x1BFF;
	s21 =	sshll.u32 s8, $0x1;
	s5 =	sadd.s32 s6, s19  }
0xa2: {  	s9 =	simm.s32 $0x0;
	s20 =	sshll.u32 s7, $0x1;
	s7 =	sadd.s32 s21, s5  }
0xa3: {  	[timem:s9], [sflag:s22] =	dma.local [hbm:s7], s20  }
0xa4: {  	_ =	swait.ge [sflag:s22], s20  }
0xa5: {  	s6 =	ssub.s32 $0x0, s20;
	[sflag:s22] =	ssyncset.done $0x0  }
0xa6: {  	[sflag:s22] =	ssyncadd.s32 s6;
	_ =	sdelay $0x1  }
0xa7: {  	s23 =	simm.s32 $0x1B8B  }
0xa8: {  	_ =	swait.ge [sflag:s23], $0x1  }
0xa9: {  	[sflag:s23] =	ssyncset.done $0x0  }
0xaa: {  	s25 =	simm.s32 $0x1B8E;
	s24 =	sld [smem:$0x3FFE];
	[sflag:s23] =	ssyncadd.s32 $0xFFFFFFFF  }
0xab: {  	s26 =	simm.s32 $execute0_lowered;
	[smem:$0x3FD2] =	sst s25  }
0xac: {  	s7 =	sshll.u32 s26, $0x1;
	_ =	strace $0x80000046;
	[dreg:$0x1] =	wrdreg $0xFFFFFFFF  }
0xad: {  	s28 =	simm.s32 $_size_execute0_lowered;
	s5 =	sadd.s32 s5, s7;
	[dreg:$0x0] =	wrdreg $0x0  }
0xae: {  	s7 =	sshll.u32 s28, $0x1;
	[dreg:$0x2] =	wrdreg s5  }
0xaf: {  	[dreg:$0x3] =	wrdreg s7  }
0xb0: {  	[dreg:$0x4] =	wrdreg $0xC0  }
0xb1: {  	_ =	task [dreg:s9], $0x5FFFF  }
0xb2: {  	[dreg:$0x1] =	wrdreg $0xFFFFFFFF  }
0xb3: {  	[dreg:$0x0] =	wrdreg $0x60  }
0xb4: {  	[dreg:$0x2] =	wrdreg s24  }
0xb5: {  	[dreg:$0x3] =	wrdreg s18  }
0xb6: {  	[dreg:$0x4] =	wrdreg s16  }
0xb7: {  	[dreg:$0x5] =	wrdreg s17  }
0xb8: {  	[dreg:$0x6] =	wrdreg $0x24200  }
0xb9: {  	[dreg:$0x7] =	wrdreg $0x9  }
0xba: {  	_ =	task.clear_ibuf [dreg:s9], $0x8FFFF;
	_ =	strace $0x90000046  }
0xbb: {  	s29 =	simm.s32 $0x9;
	_ =	strace $0x80000048  }
0xbc: {  	_ =	swait.ge [sflag:s29], $0x1  }
0xbd: {  	[sflag:s29] =	ssyncadd.s32 $0xFFFFFFFF  }
0xbe: {  	_ =	strace $0x90000048  }
0xbf: {  	_ =	sfence  }
0xc0: {  	s30 =	sld [smem:$0x0];
	_ =	sdelay $0x2  }
0xc1: {  	s31 =	sshll.u32 s1, $0xD;
	s1 =	sshrl.u32 s1, $0x2  }
0xc2: {  	s3 =	sand.u32 $0x4000, s31;
	s1 =	sadd.s32 s1, s30  }
0xc3: {  	s0 =	sor.u32 s3, s0;
	s1 =	sshll.u32 s1, $0x11  }
0xc4: {  	s0 =	sor.u32 s1, s0  }
0xc5: {  	s0 =	sadd.s32 $0x8F2B, s0  }
0xc6: {  	[sflag:s0] =	ssyncadd.remote.s32 $0x1  }
0xc7: {  	_ =	sfence.sel $0xFFFF  }
0xc8: {  	[dreg:$0x0] =	wrdreg $0xFFFFFFFF;
	(pc) =	sbr.abs _section_cstart, $3  }
0xc9: {  	[dreg:$0x1] =	wrdreg $0xFFFFFFFF  }
0xca: {  	_ =	task.clear_ibuf [dreg:s9], $0x2FFFF;
	_ =	strace $0x9FFFFFFF  }
0xcb: {  	(tm) =	ssettm $0x7FFFFFFF  }
tec
execute0_lowered:
.L_overlay_start_1:
0x0: {  	(tag) =	ssettag $0x1  }
0x1: {  	s8 =	rddreg [dreg:$0x0]  }
0x2: {  	v0 =	vlaneseq.u32;
	s0 =	rddreg [dreg:$0x1]  }
0x3: {  	s1 =	rddreg [dreg:$0x2];
	v0 =	vmul.u32 $0x8, v0  }
0x4: {  	s10 =	rddreg [dreg:$0x3];
	s4 =	simm.s32 $0x0  }
0x5: {  	[smem:$0x7FF] =	sst s4;
	v1 =	vor.u32 $0x7, v0  }
0x6: {  	s3 =	rddreg [dreg:$0x4];
	_ =	strace $0x80000047;
	v2 =	vor.u32 $0x84, v0;
	[tilespmem:$0x1FE10] =	vst v1  }
0x7: {  	v3 =	vor.u32 $0x104, v0;
	[tilespmem:$0x1FE90] =	vst v2  }
0x8: {  	v4 =	vor.u32 $0x184, v0;
	[tilespmem:$0x1FEA0] =	vst v3  }
0x9: {  	v5 =	vor.u32 $0x204, v0;
	[tilespmem:$0x1FEB0] =	vst v4  }
0xa: {  	v6 =	vor.u32 $0x284, v0;
	[tilespmem:$0x1FEC0] =	vst v5  }
0xb: {  	v8 =	vor.u32 $0x304, v0;
	[tilespmem:$0x1FED0] =	vst v6  }
0xc: {  	v9 =	vor.u32 $0x384, v0;
	[tilespmem:$0x1FEE0] =	vst v8  }
0xd: {  	v10 =	vor.u32 $0x5, v0;
	[tilespmem:$0x1FEF0] =	vst v9  }
0xe: {  	v11 =	vor.u32 $0x85, v0;
	[tilespmem:$0x1FF00] =	vst v10  }
0xf: {  	v12 =	vor.u32 $0x105, v0;
	[tilespmem:$0x1FF10] =	vst v11  }
0x10: {  	v13 =	vor.u32 $0x185, v0;
	[tilespmem:$0x1FF20] =	vst v12  }
0x11: {  	v14 =	vor.u32 $0x205, v0;
	[tilespmem:$0x1FF30] =	vst v13  }
0x12: {  	v15 =	vor.u32 $0x285, v0;
	[tilespmem:$0x1FF40] =	vst v14  }
0x13: {  	v16 =	vor.u32 $0x305, v0;
	[tilespmem:$0x1FF50] =	vst v15  }
0x14: {  	v17 =	vor.u32 $0x385, v0;
	[tilespmem:$0x1FF60] =	vst v16  }
0x15: {  	v18 =	vor.u32 $0x6, v0;
	[tilespmem:$0x1FF70] =	vst v17  }
0x16: {  	v7 =	vor.u32 $0x4, v0;
	v19 =	vor.u32 $0x86, v0;
	v20 =	vor.u32 $0x106, v0;
	[tilespmem:$0x1FF80] =	vst v18  }
0x17: {  	v21 =	vor.u32 $0x186, v0;
	v22 =	vor.u32 $0x206, v0;
	v23 =	vor.u32 $0x286, v0;
	[tilespmem:$0x1FF90] =	vst v19  }
0x18: {  	v24 =	vor.u32 $0x306, v0;
	v25 =	vor.u32 $0x386, v0;
	v34 =	vor.u32 $0x1, v0;
	[tilespmem:$0x1FFA0] =	vst v20  }
0x19: {  	s6 =	srdreg.scid;
	s2 =	stileid.u32;
	s16 =	simm.s32 $0x1000;
	v35 =	vor.u32 $0x2, v0;
	v36 =	vor.u32 $0x3, v0;
	v37 =	vor.u32 $0x80, v0;
	[tilespmem:$0x1FFB0] =	vst v21  }
0x1a: {  	s17 =	simm.s32 $0x400;
	s18 =	simm.s32 $0x80;
	s19 =	simm.s32 $0x800;
	v38 =	vor.u32 $0x81, v0;
	v39 =	vor.u32 $0x82, v0;
	v40 =	vor.u32 $0x83, v0;
	[tilespmem:$0x1FFC0] =	vst v22  }
0x1b: {  	s20 =	simm.s32 $0xC00;
	s21 =	simm.s32 $0x1;
	s23 =	simm.s32 $0x1400;
	v41 =	vor.u32 $0x100, v0;
	v42 =	vor.u32 $0x101, v0;
	v43 =	vor.u32 $0x102, v0;
	[tilespmem:$0x1FFD0] =	vst v23  }
0x1c: {  	s22 =	simm.s32 $0x2;
	s24 =	simm.s32 $0x1800;
	s25 =	simm.s32 $0x1C00;
	v44 =	vor.u32 $0x103, v0;
	v45 =	vor.u32 $0x180, v0;
	v46 =	vor.u32 $0x181, v0;
	[tilespmem:$0x1FFE0] =	vst v24  }
0x1d: {  	s26 =	simm.s32 $0x2000;
	s28 =	simm.s32 $0x0;
	s5 =	sadd.s32 $0x35C00, s8;
	v47 =	vor.u32 $0x182, v0;
	v48 =	vor.u32 $0x183, v0;
	v1 =	vor.u32 $0x87, v0;
	[tilespmem:$0x1FFF0] =	vst v25  }
0x1e: {  	s9 =	sand.u32 $0x1, s6;
	s6 =	sadd.s32 $0x4800, s8;
	s12 =	smul.u32 $0x18800, s2;
	v49 =	vor.u32 $0x200, v0;
	v50 =	vor.u32 $0x201, v0;
	[tilespmem:$0x1FE20] =	vst v1;
	v1 =	vor.u32 $0x107, v0  }
0x1f: {  	s7 =	sadd.s32 $0x4A00, s8;
	s8 =	sadd.s32 $0x42000, s8;
	s31 =	sshll.u32 s2, $0x6;
	v51 =	vor.u32 $0x202, v0;
	v52 =	vor.u32 $0x203, v0;
	[tilespmem:$0x1FE30] =	vst v1;
	v1 =	vor.u32 $0x187, v0  }
0x20: {  	p0 =	sne.s32 s2, $0x0;
	s11 =	ssub.s32 $0x2, s9;
	s14 =	sshll.u32 s9, $0x4;
	v53 =	vor.u32 $0x280, v0;
	v54 =	vor.u32 $0x281, v0;
	[tilespmem:$0x1FE40] =	vst v1;
	v1 =	vor.u32 $0x207, v0  }
0x21: {  	s15 =	smul.u32 $0xC400, s9;
	s13 =	sshrl.u32 s11, $0x1;
	s12 =	sshrl.u32 s12, $0x2;
	v55 =	vor.u32 $0x282, v0;
	v56 =	vor.u32 $0x283, v0;
	[tilespmem:$0x1FE50] =	vst v1;
	v1 =	vor.u32 $0x287, v0  }
0x22: {  	s30 =	sor.u32 s2, s14;
	s14 =	sor.u32 $0x1C03, s31;
	v57 =	vor.u32 $0x300, v0;
	v58 =	vor.u32 $0x301, v0;
	s11 =	ssub.s32 s11, s13;
	[tilespmem:$0x1FE60] =	vst v1;
	v1 =	vor.u32 $0x307, v0  }
0x23: {  	v59 =	vor.u32 $0x302, v0;
	v60 =	vor.u32 $0x303, v0;
	s12 =	sadd.s32 s12, s3;
	s9 =	smul.u32 $0xC400, s30;
	s10 =	sadd.s32 s10, s15;
	[tilespmem:$0x1FE70] =	vst v1;
	v1 =	vor.u32 $0x387, v0  }
0x24: {  	v61 =	vor.u32 $0x380, v0;
	v62 =	vor.u32 $0x381, v0;
	v63 =	vor.u32 $0x382, v0;
	s13 =	simm.s32 $0x3;
	s11 =	smax.u32 s11, $0x1;
	s15 =	sshrl.u32 s12, $0x3;
	[tilespmem:$0x1FE80] =	vst v1  }
.LBB2_1:
0x25: {  	s2 =	simm.s32 $0x2400  }
0x26: {  	[tilespmem:s2], [sflag:$0x3] =	stream.linear.gather [hbm4b:s6+s4], $0x20, $0x38;
	[tilespmem:$0x8620] =	vst v63  }
0x27: {  	_ =	swait.ge [sflag:s13], $0x20  }
0x28: {  	[sflag:s13] =	ssyncset.done $0x0  }
0x29: {  	[sflag:s13] =	ssyncadd.s32 $0xFFFFFFE0  }
0x2a: {  	[spmem:s15], [sflag:s14] =	dma.local [hbm:s7], $0xC40  }
0x2b: {  	_ =	swait.ge [sflag:s13], $0xC40  }
0x2c: {  	[sflag:s13] =	ssyncset.done $0x0  }
0x2d: {  	[sflag:s13] =	ssyncadd.s32 $0xFFFFF3C0  }
0x2e: {  	v1 =	vimm.f32 $0.0e+00;
	v26 =	vld [tilespmem:$0x2400]  }
0x2f: {  	v27 =	vld [tilespmem:$0x2410];
	[tilespmem:v7+s16+$0x0] =	vst.idx.msk $0xffff, v1  }
0x30: {  	[tilespmem:v2+s16+$0x0] =	vst.idx.msk $0xffff, v1  }
0x31: {  	[tilespmem:v3+s16+$0x0] =	vst.idx.msk $0xffff, v1  }
0x32: {  	[tilespmem:v4+s16+$0x0] =	vst.idx.msk $0xffff, v1  }
0x33: {  	[tilespmem:v5+s16+$0x0] =	vst.idx.msk $0xffff, v1  }
0x34: {  	[tilespmem:v6+s16+$0x0] =	vst.idx.msk $0xffff, v1  }
0x35: {  	[tilespmem:v8+s16+$0x0] =	vst.idx.msk $0xffff, v1  }
0x36: {  	[tilespmem:v9+s16+$0x0] =	vst.idx.msk $0xffff, v1  }
0x37: {  	[tilespmem:v10+s16+$0x0] =	vst.idx.msk $0xffff, v1  }
0x38: {  	[tilespmem:v11+s16+$0x0] =	vst.idx.msk $0xffff, v1  }
0x39: {  	[tilespmem:v12+s16+$0x0] =	vst.idx.msk $0xffff, v1  }
0x3a: {  	[tilespmem:v13+s16+$0x0] =	vst.idx.msk $0xffff, v1  }
0x3b: {  	[tilespmem:v14+s16+$0x0] =	vst.idx.msk $0xffff, v1  }
0x3c: {  	[tilespmem:v15+s16+$0x0] =	vst.idx.msk $0xffff, v1  }
0x3d: {  	[tilespmem:v16+s16+$0x0] =	vst.idx.msk $0xffff, v1  }
0x3e: {  	[tilespmem:v17+s16+$0x0] =	vst.idx.msk $0xffff, v1  }
0x3f: {  	v2 =	vld [tilespmem:$0x1FE10];
	[tilespmem:v18+s16+$0x0] =	vst.idx.msk $0xffff, v1  }
0x40: {  	[tilespmem:v19+s16+$0x0] =	vst.idx.msk $0xffff, v1  }
0x41: {  	[tilespmem:v20+s16+$0x0] =	vst.idx.msk $0xffff, v1  }
0x42: {  	[tilespmem:v21+s16+$0x0] =	vst.idx.msk $0xffff, v1  }
0x43: {  	[tilespmem:v22+s16+$0x0] =	vst.idx.msk $0xffff, v1  }
0x44: {  	[tilespmem:v23+s16+$0x0] =	vst.idx.msk $0xffff, v1  }
0x45: {  	[tilespmem:v24+s16+$0x0] =	vst.idx.msk $0xffff, v1  }
0x46: {  	[tilespmem:v25+s16+$0x0] =	vst.idx.msk $0xffff, v1  }
0x47: {  	[tilespmem:v2+s16+$0x0] =	vst.idx.msk $0xffff, v1;
	v2 =	vld [tilespmem:$0x1FE20];
	_ =	sdelay $0x7  }
0x48: {  	[tilespmem:v2+s16+$0x0] =	vst.idx.msk $0xffff, v1;
	v2 =	vld [tilespmem:$0x1FE30];
	_ =	sdelay $0x7  }
0x49: {  	[tilespmem:v2+s16+$0x0] =	vst.idx.msk $0xffff, v1;
	v2 =	vld [tilespmem:$0x1FE40];
	_ =	sdelay $0x7  }
0x4a: {  	[tilespmem:v2+s16+$0x0] =	vst.idx.msk $0xffff, v1;
	v2 =	vld [tilespmem:$0x1FE50];
	_ =	sdelay $0x7  }
0x4b: {  	[tilespmem:v2+s16+$0x0] =	vst.idx.msk $0xffff, v1;
	v2 =	vld [tilespmem:$0x1FE60];
	_ =	sdelay $0x7  }
0x4c: {  	[tilespmem:v2+s16+$0x0] =	vst.idx.msk $0xffff, v1;
	v2 =	vld [tilespmem:$0x1FE70];
	_ =	sdelay $0x7  }
0x4d: {  	[tilespmem:v2+s16+$0x0] =	vst.idx.msk $0xffff, v1;
	v2 =	vld [tilespmem:$0x1FE80];
	_ =	sdelay $0x7  }
0x4e: {  	[tilespmem:v2+s16+$0x0] =	vst.idx.msk $0xffff, v1  }
0x4f: {  	s29 =	simm.s32 $0x0;
	[bflag:$0x0] =	sbarrier.arrive $0xFFFF  }
.LBB2_2:
0x50: {  	s2 =	sshll.u32 s29, $0xA  }
0x51: {  	s2 =	sadd.s32 s9, s2  }
0x52: {  	s30 =	sshrl.u32 s2, $0x3  }
0x53: {  	s31 =	simm.s32 $0x0;
	s2 =	sadd.s32 s0, s30  }
0x54: {  	[tilespmem:s31], [sflag:$0x3] =	stream.linear.gather [hbm4b:s2+s31], $0x400, $0x38;
	[tilespmem:$0x8620] =	vst v63  }
0x55: {  	_ =	swait.ge [sflag:s13], $0x400  }
0x56: {  	[sflag:s13] =	ssyncset.done $0x0  }
0x57: {  	s12 =	sadd.s32 s1, s30;
	[sflag:s13] =	ssyncadd.s32 $0xFFFFFC00  }
0x58: {  	[tilespmem:s17], [sflag:$0x3] =	stream.linear.gather [hbm4b:s12+s31], $0x400, $0x38;
	[tilespmem:$0x8620] =	vst v63  }
0x59: {  	_ =	swait.ge [sflag:s13], $0x400  }
0x5a: {  	v13 =	vld [tilespmem:$0x1FEE0]  }
0x5b: {  	v14 =	vld [tilespmem:$0x1FEF0]  }
0x5c: {  	v15 =	vld [tilespmem:$0x1FF00]  }
0x5d: {  	v16 =	vld [tilespmem:$0x1FF10]  }
0x5e: {  	v17 =	vld [tilespmem:$0x1FF20]  }
0x5f: {  	v18 =	vld [tilespmem:$0x1FF30]  }
0x60: {  	v19 =	vld [tilespmem:$0x1FF40]  }
0x61: {  	v20 =	vld [tilespmem:$0x1FF50]  }
0x62: {  	v21 =	vld [tilespmem:$0x1FF60]  }
0x63: {  	v22 =	vld [tilespmem:$0x1FF70]  }
0x64: {  	v23 =	vld [tilespmem:$0x1FF80]  }
0x65: {  	v24 =	vld [tilespmem:$0x1FF90]  }
0x66: {  	v25 =	vld [tilespmem:$0x1FFA0]  }
0x67: {  	v8 =	vld [tilespmem:$0x1FFB0]  }
0x68: {  	v9 =	vld [tilespmem:$0x1FFC0]  }
0x69: {  	v10 =	vld [tilespmem:$0x1FFD0]  }
0x6a: {  	[sflag:s13] =	ssyncset.done $0x0;
	v11 =	vld [tilespmem:$0x1FFE0]  }
0x6b: {  	v12 =	vld [tilespmem:$0x1FFF0];
	[sflag:s13] =	ssyncadd.s32 $0xFFFFFC00  }
.LBB2_3:
0x6c: {  	s2 =	sshra.s32 s31, $0x2  }
0x6d: {  	[tilespmem:s19], [sflag:$0x1] =	stream.indirect.gather [hbm4b:s5+s18], $0x8, s2, s18, $0xb8;
	[tilespmem:$0x8620] =	vst v63  }
0x6e: {  	s12 =	sadd.s32 $0x400, s2  }
0x6f: {  	[tilespmem:s20], [sflag:$0x2] =	stream.indirect.gather [hbm4b:s5+s18], $0x8, s12, s18, $0xb8;
	[tilespmem:$0x8620] =	vst v63  }
0x70: {  	_ =	swait.ge [sflag:s21], $0x400  }
0x71: {  	[sflag:s21] =	ssyncset.done $0x0  }
0x72: {  	[sflag:s21] =	ssyncadd.s32 $0xFFFFFC00  }
0x73: {  	_ =	swait.ge [sflag:s22], $0x400  }
0x74: {  	[sflag:s22] =	ssyncset.done $0x0  }
0x75: {  	[sflag:s22] =	ssyncadd.s32 $0xFFFFFC00  }
0x76: {  	v28 =	vld.idx.msk [tilespmem:v0+s19+$0x0], $0xffff  }
0x77: {  	v29 =	vld.idx.msk [tilespmem:v34+s19+$0x0], $0xffff  }
0x78: {  	v30 =	vld.idx.msk [tilespmem:v0+s20+$0x0], $0xffff  }
0x79: {  	v31 =	vld.idx.msk [tilespmem:v34+s20+$0x0], $0xffff  }
0x7a: {  	v32 =	vld.idx.msk [tilespmem:v35+s19+$0x0], $0xffff  }
0x7b: {  	v33 =	vld.idx.msk [tilespmem:v35+s20+$0x0], $0xffff;
	_ =	sdelay $0x2  }
0x7c: {  	v28 =	vsub.f32 v30, v28;
	v29 =	vsub.f32 v31, v29;
	_ =	sdelay $0x1  }
0x7d: {  	v30 =	vsub.f32 v33, v32;
	v31 =	vmul.f32 v28, v28;
	v32 =	vmul.f32 v29, v29;
	_ =	sdelay $0x1  }
0x7e: {  	v31 =	vadd.f32 v32, v31;
	v32 =	vmul.f32 v30, v30;
	_ =	sdelay $0x1  }
0x7f: {  	v31 =	vadd.f32 v32, v31;
	_ =	sdelay $0x1  }
0x80: {  	v31 =	vadd.f32 $9.999999960e-13, v31;
	_ =	sdelay $0x1  }
0x81: {  	v32 =	vshra.s32 v31, $0x1  }
0x82: {  	v32 =	vsub.s32 $0x5F3759DF, v32  }
0x83: {  	v33 =	vmul.f32 $5.000000000e-01, v31;
	v2 =	vmul.f32 v32, v32;
	_ =	sdelay $0x1  }
0x84: {  	v2 =	vmul.f32 v2, v33;
	_ =	sdelay $0x1  }
0x85: {  	v2 =	vsub.f32 $1.500000000e+00, v2;
	_ =	sdelay $0x1  }
0x86: {  	v2 =	vmul.f32 v32, v2;
	_ =	sdelay $0x1  }
0x87: {  	v32 =	vmul.f32 v2, v2;
	_ =	sdelay $0x1  }
0x88: {  	v32 =	vmul.f32 v32, v33;
	_ =	sdelay $0x1  }
0x89: {  	v32 =	vsub.f32 $1.500000000e+00, v32;
	_ =	sdelay $0x1  }
0x8a: {  	v2 =	vmul.f32 v32, v2;
	_ =	sdelay $0x1  }
0x8b: {  	v32 =	vmul.f32 v2, v2;
	_ =	sdelay $0x1  }
0x8c: {  	v32 =	vmul.f32 v32, v33;
	_ =	sdelay $0x1  }
0x8d: {  	v32 =	vsub.f32 $1.500000000e+00, v32;
	_ =	sdelay $0x1  }
0x8e: {  	v2 =	vmul.f32 v32, v2;
	_ =	sdelay $0x1  }
0x8f: {  	v32 =	vmul.f32 v2, v31;
	_ =	sdelay $0x1  }
0x90: {  	v33 =	vmul.f32 $1.000000010e-01, v32;
	_ =	sdelay $0x1  }
0x91: {  	v1 =	vmul.f32 v31, v26;
	v3 =	vmul.f32 v33, v33  }
0x92: {  	v31 =	vmul.f32 v31, v27  }
0x93: {  	v1 =	vmul.f32 $1.442695020e+00, v1;
	v3 =	vmul.f32 v3, v33  }
0x94: {  	v31 =	vmul.f32 $1.442695020e+00, v31  }
0x95: {  	(erf) = vpow2.f32 v1;
	v1 =	vmul.f32 v3, v3  }
0x96: {  	(erf) = vpow2.f32 v31  }
0x97: {  	v3 =	vmul.f32 v1, v33;
	v1 =	vmul.f32 $2.800000000e+01, v1;
	_ =	sdelay $0x1  }
0x98: {  	v31 =	vmul.f32 v3, v33;
	v1 =	vsub.f32 $1.000000000e+00, v1;
	v3 =	vmul.f32 $4.800000000e+01, v3;
	_ =	sdelay $0x1  }
0x99: {  	v1 =	vadd.f32 v3, v1;
	v3 =	vmul.f32 $2.100000000e+01, v31;
	_ =	sdelay $0x2  }
0x9a: {  	v31 =	vpop (erf)  }
0x9b: {  	v1 =	vsub.f32 v1, v3;
	v3 =	vpop (erf)  }
0x9c: {  	v4 =	vld.idx.msk [tilespmem:v36+s19+$0x0], $0xffff;
	vm0 =	vlt.f32 v33, $1.000000000e+00;
	v3 =	vmul.f32 $1.732050780e+00, v3  }
0x9d: {  	v33 =	vld.idx.msk [tilespmem:v7+s19+$0x0], $0xffff;
	v1 =	vnsel vm0, $0x0, v1  }
0x9e: {  	v5 =	vld.idx.msk [tilespmem:v15+s19+$0x0], $0xffff;
	v28 =	vmul.f32 v2, v28;
	v3 =	vmul.f32 v1, v3  }
0x9f: {  	v6 =	vld.idx.msk [tilespmem:v23+s19+$0x0], $0xffff;
	v29 =	vmul.f32 v2, v29;
	v1 =	vmul.f32 v1, v31  }
0xa0: {  	v2 =	vmul.f32 v2, v30;
	v30 =	vmul.f32 v3, v28  }
0xa1: {  	v1 =	vmul.f32 v1, v4;
	v4 =	vmul.f32 v3, v29  }
0xa2: {  	v3 =	vmul.f32 v3, v2;
	v30 =	vmul.f32 v30, v33  }
0xa3: {  	[tilespmem:v0+s16+$0x0] =	vst.idx.msk $0xffff, v1;
	v1 =	vmul.f32 v4, v5  }
0xa4: {  	v3 =	vmul.f32 v3, v6;
	[tilespmem:v34+s16+$0x0] =	vst.idx.msk $0xffff, v30  }
0xa5: {  	[tilespmem:v35+s16+$0x0] =	vst.idx.msk $0xffff, v1  }
0xa6: {  	[tilespmem:v36+s16+$0x0] =	vst.idx.msk $0xffff, v3  }
0xa7: {  	[tilespmem:s2+$0x1400] =	vst v32  }
0xa8: {  	[tilespmem:s2+$0x1800] =	vst v28  }
0xa9: {  	[tilespmem:s2+$0x1C00] =	vst v29  }
0xaa: {  	[tilespmem:s2+$0x2000] =	vst v2  }
0xab: {  	v1 =	vld.idx.msk [tilespmem:v37+s19+$0x0], $0xffff  }
0xac: {  	v2 =	vld.idx.msk [tilespmem:v38+s19+$0x0], $0xffff  }
0xad: {  	v3 =	vld.idx.msk [tilespmem:v37+s20+$0x0], $0xffff  }
0xae: {  	v4 =	vld.idx.msk [tilespmem:v38+s20+$0x0], $0xffff  }
0xaf: {  	v5 =	vld.idx.msk [tilespmem:v39+s19+$0x0], $0xffff  }
0xb0: {  	v6 =	vld.idx.msk [tilespmem:v39+s20+$0x0], $0xffff;
	_ =	sdelay $0x2  }
0xb1: {  	v1 =	vsub.f32 v3, v1;
	v2 =	vsub.f32 v4, v2;
	_ =	sdelay $0x1  }
0xb2: {  	v3 =	vsub.f32 v6, v5;
	v4 =	vmul.f32 v1, v1;
	v5 =	vmul.f32 v2, v2;
	_ =	sdelay $0x1  }
0xb3: {  	v4 =	vadd.f32 v5, v4;
	v5 =	vmul.f32 v3, v3;
	_ =	sdelay $0x1  }
0xb4: {  	v4 =	vadd.f32 v5, v4;
	_ =	sdelay $0x1  }
0xb5: {  	v4 =	vadd.f32 $9.999999960e-13, v4;
	_ =	sdelay $0x1  }
0xb6: {  	v5 =	vshra.s32 v4, $0x1  }
0xb7: {  	v5 =	vsub.s32 $0x5F3759DF, v5  }
0xb8: {  	v6 =	vmul.f32 $5.000000000e-01, v4;
	v28 =	vmul.f32 v5, v5;
	_ =	sdelay $0x1  }
0xb9: {  	v28 =	vmul.f32 v28, v6;
	_ =	sdelay $0x1  }
0xba: {  	v28 =	vsub.f32 $1.500000000e+00, v28;
	_ =	sdelay $0x1  }
0xbb: {  	v5 =	vmul.f32 v5, v28;
	_ =	sdelay $0x1  }
0xbc: {  	v28 =	vmul.f32 v5, v5;
	_ =	sdelay $0x1  }
0xbd: {  	v28 =	vmul.f32 v28, v6;
	_ =	sdelay $0x1  }
0xbe: {  	v28 =	vsub.f32 $1.500000000e+00, v28;
	_ =	sdelay $0x1  }
0xbf: {  	v5 =	vmul.f32 v28, v5;
	_ =	sdelay $0x1  }
0xc0: {  	v28 =	vmul.f32 v5, v5;
	_ =	sdelay $0x1  }
0xc1: {  	v6 =	vmul.f32 v28, v6;
	_ =	sdelay $0x1  }
0xc2: {  	v6 =	vsub.f32 $1.500000000e+00, v6;
	_ =	sdelay $0x1  }
0xc3: {  	v5 =	vmul.f32 v6, v5;
	_ =	sdelay $0x1  }
0xc4: {  	v6 =	vmul.f32 v5, v4;
	_ =	sdelay $0x1  }
0xc5: {  	v28 =	vmul.f32 $1.000000010e-01, v6  }
0xc6: {  	v29 =	vmul.f32 v4, v26  }
0xc7: {  	v4 =	vmul.f32 v4, v27;
	v33 =	vmul.f32 v28, v28  }
0xc8: {  	v29 =	vmul.f32 $1.442695020e+00, v29  }
0xc9: {  	v4 =	vmul.f32 $1.442695020e+00, v4;
	v30 =	vmul.f32 v33, v28  }
0xca: {  	(erf) = vpow2.f32 v29  }
0xcb: {  	(erf) = vpow2.f32 v4;
	v4 =	vmul.f32 v30, v30;
	_ =	sdelay $0x1  }
0xcc: {  	v29 =	vmul.f32 v4, v28;
	v4 =	vmul.f32 $2.800000000e+01, v4;
	_ =	sdelay $0x1  }
0xcd: {  	v33 =	vmul.f32 v29, v28;
	v4 =	vsub.f32 $1.000000000e+00, v4;
	v29 =	vmul.f32 $4.800000000e+01, v29;
	_ =	sdelay $0x1  }
0xce: {  	v4 =	vadd.f32 v29, v4;
	v29 =	vmul.f32 $2.100000000e+01, v33;
	_ =	sdelay $0x2  }
0xcf: {  	v30 =	vpop (erf)  }
0xd0: {  	v4 =	vsub.f32 v4, v29;
	v29 =	vpop (erf)  }
0xd1: {  	vm9 =	vlt.f32 v28, $1.000000000e+00;
	v28 =	vmul.f32 $1.732050780e+00, v29;
	v29 =	vld [tilespmem:$0x1FE90];
	_ =	sdelay $0x6  }
0xd2: {  	v31 =	vld.idx.msk [tilespmem:v40+s19+$0x0], $0xffff  }
0xd3: {  	v4 =	vnsel vm9, $0x0, v4;
	v29 =	vld.idx.msk [tilespmem:v29+s19+$0x0], $0xffff  }
0xd4: {  	v32 =	vld.idx.msk [tilespmem:v16+s19+$0x0], $0xffff;
	v1 =	vmul.f32 v5, v1;
	v28 =	vmul.f32 v4, v28  }
0xd5: {  	v2 =	vmul.f32 v5, v2;
	v33 =	vld.idx.msk [tilespmem:v24+s19+$0x0], $0xffff;
	v4 =	vmul.f32 v4, v30  }
0xd6: {  	v3 =	vmul.f32 v5, v3;
	v5 =	vmul.f32 v28, v1  }
0xd7: {  	v4 =	vmul.f32 v4, v31;
	v30 =	vmul.f32 v28, v2  }
0xd8: {  	v28 =	vmul.f32 v28, v3;
	v5 =	vmul.f32 v5, v29  }
0xd9: {  	[tilespmem:v37+s16+$0x0] =	vst.idx.msk $0xffff, v4;
	v4 =	vmul.f32 v30, v32  }
0xda: {  	[tilespmem:v38+s16+$0x0] =	vst.idx.msk $0xffff, v5;
	v5 =	vmul.f32 v28, v33  }
0xdb: {  	[tilespmem:v39+s16+$0x0] =	vst.idx.msk $0xffff, v4  }
0xdc: {  	[tilespmem:v40+s16+$0x0] =	vst.idx.msk $0xffff, v5  }
0xdd: {  	[tilespmem:s2+$0x1410] =	vst v6  }
0xde: {  	[tilespmem:s2+$0x1810] =	vst v1  }
0xdf: {  	[tilespmem:s2+$0x1C10] =	vst v2  }
0xe0: {  	[tilespmem:s2+$0x2010] =	vst v3  }
0xe1: {  	v1 =	vld.idx.msk [tilespmem:v41+s19+$0x0], $0xffff  }
0xe2: {  	v2 =	vld.idx.msk [tilespmem:v42+s19+$0x0], $0xffff  }
0xe3: {  	v3 =	vld.idx.msk [tilespmem:v41+s20+$0x0], $0xffff  }
0xe4: {  	v4 =	vld.idx.msk [tilespmem:v42+s20+$0x0], $0xffff  }
0xe5: {  	v5 =	vld.idx.msk [tilespmem:v43+s19+$0x0], $0xffff  }
0xe6: {  	v6 =	vld.idx.msk [tilespmem:v43+s20+$0x0], $0xffff;
	_ =	sdelay $0x2  }
0xe7: {  	v1 =	vsub.f32 v3, v1;
	v2 =	vsub.f32 v4, v2;
	_ =	sdelay $0x1  }
0xe8: {  	v3 =	vsub.f32 v6, v5;
	v4 =	vmul.f32 v1, v1;
	v5 =	vmul.f32 v2, v2;
	_ =	sdelay $0x1  }
0xe9: {  	v4 =	vadd.f32 v5, v4;
	v5 =	vmul.f32 v3, v3;
	_ =	sdelay $0x1  }
0xea: {  	v4 =	vadd.f32 v5, v4;
	_ =	sdelay $0x1  }
0xeb: {  	v4 =	vadd.f32 $9.999999960e-13, v4;
	_ =	sdelay $0x1  }
0xec: {  	v5 =	vshra.s32 v4, $0x1  }
0xed: {  	v5 =	vsub.s32 $0x5F3759DF, v5  }
0xee: {  	v6 =	vmul.f32 $5.000000000e-01, v4;
	v28 =	vmul.f32 v5, v5;
	_ =	sdelay $0x1  }
0xef: {  	v28 =	vmul.f32 v28, v6;
	_ =	sdelay $0x1  }
0xf0: {  	v28 =	vsub.f32 $1.500000000e+00, v28;
	_ =	sdelay $0x1  }
0xf1: {  	v5 =	vmul.f32 v5, v28;
	_ =	sdelay $0x1  }
0xf2: {  	v28 =	vmul.f32 v5, v5;
	_ =	sdelay $0x1  }
0xf3: {  	v28 =	vmul.f32 v28, v6;
	_ =	sdelay $0x1  }
0xf4: {  	v28 =	vsub.f32 $1.500000000e+00, v28;
	_ =	sdelay $0x1  }
0xf5: {  	v5 =	vmul.f32 v28, v5;
	_ =	sdelay $0x1  }
0xf6: {  	v28 =	vmul.f32 v5, v5;
	_ =	sdelay $0x1  }
0xf7: {  	v6 =	vmul.f32 v28, v6;
	_ =	sdelay $0x1  }
0xf8: {  	v6 =	vsub.f32 $1.500000000e+00, v6;
	_ =	sdelay $0x1  }
0xf9: {  	v5 =	vmul.f32 v6, v5;
	_ =	sdelay $0x1  }
0xfa: {  	v6 =	vmul.f32 v5, v4;
	_ =	sdelay $0x1  }
0xfb: {  	v28 =	vmul.f32 $1.000000010e-01, v6  }
0xfc: {  	v29 =	vmul.f32 v4, v26  }
0xfd: {  	v4 =	vmul.f32 v4, v27;
	v33 =	vmul.f32 v28, v28  }
0xfe: {  	v29 =	vmul.f32 $1.442695020e+00, v29  }
0xff: {  	v4 =	vmul.f32 $1.442695020e+00, v4;
	v30 =	vmul.f32 v33, v28  }
0x100: {  	(erf) = vpow2.f32 v29  }
0x101: {  	(erf) = vpow2.f32 v4;
	v4 =	vmul.f32 v30, v30;
	_ =	sdelay $0x1  }
0x102: {  	v29 =	vmul.f32 v4, v28;
	v4 =	vmul.f32 $2.800000000e+01, v4;
	_ =	sdelay $0x1  }
0x103: {  	v33 =	vmul.f32 v29, v28;
	v4 =	vsub.f32 $1.000000000e+00, v4;
	v29 =	vmul.f32 $4.800000000e+01, v29;
	_ =	sdelay $0x1  }
0x104: {  	v4 =	vadd.f32 v29, v4;
	v29 =	vmul.f32 $2.100000000e+01, v33;
	_ =	sdelay $0x2  }
0x105: {  	v30 =	vpop (erf)  }
0x106: {  	v4 =	vsub.f32 v4, v29;
	v29 =	vpop (erf)  }
0x107: {  	vm10 =	vlt.f32 v28, $1.000000000e+00;
	v28 =	vmul.f32 $1.732050780e+00, v29;
	v29 =	vld [tilespmem:$0x1FEA0];
	_ =	sdelay $0x6  }
0x108: {  	v31 =	vld.idx.msk [tilespmem:v44+s19+$0x0], $0xffff  }
0x109: {  	v4 =	vnsel vm10, $0x0, v4;
	v29 =	vld.idx.msk [tilespmem:v29+s19+$0x0], $0xffff  }
0x10a: {  	v32 =	vld.idx.msk [tilespmem:v17+s19+$0x0], $0xffff;
	v1 =	vmul.f32 v5, v1;
	v28 =	vmul.f32 v4, v28  }
0x10b: {  	v2 =	vmul.f32 v5, v2;
	v33 =	vld.idx.msk [tilespmem:v25+s19+$0x0], $0xffff;
	v4 =	vmul.f32 v4, v30  }
0x10c: {  	v3 =	vmul.f32 v5, v3;
	v5 =	vmul.f32 v28, v1  }
0x10d: {  	v4 =	vmul.f32 v4, v31;
	v30 =	vmul.f32 v28, v2  }
0x10e: {  	v28 =	vmul.f32 v28, v3;
	v5 =	vmul.f32 v5, v29  }
0x10f: {  	[tilespmem:v41+s16+$0x0] =	vst.idx.msk $0xffff, v4;
	v4 =	vmul.f32 v30, v32  }
0x110: {  	[tilespmem:v42+s16+$0x0] =	vst.idx.msk $0xffff, v5;
	v5 =	vmul.f32 v28, v33  }
0x111: {  	[tilespmem:v43+s16+$0x0] =	vst.idx.msk $0xffff, v4  }
0x112: {  	[tilespmem:v44+s16+$0x0] =	vst.idx.msk $0xffff, v5  }
0x113: {  	[tilespmem:s2+$0x1420] =	vst v6  }
0x114: {  	[tilespmem:s2+$0x1820] =	vst v1  }
0x115: {  	[tilespmem:s2+$0x1C20] =	vst v2  }
0x116: {  	[tilespmem:s2+$0x2020] =	vst v3  }
0x117: {  	v1 =	vld.idx.msk [tilespmem:v45+s19+$0x0], $0xffff  }
0x118: {  	v2 =	vld.idx.msk [tilespmem:v46+s19+$0x0], $0xffff  }
0x119: {  	v3 =	vld.idx.msk [tilespmem:v45+s20+$0x0], $0xffff  }
0x11a: {  	v4 =	vld.idx.msk [tilespmem:v46+s20+$0x0], $0xffff  }
0x11b: {  	v5 =	vld.idx.msk [tilespmem:v47+s19+$0x0], $0xffff  }
0x11c: {  	v6 =	vld.idx.msk [tilespmem:v47+s20+$0x0], $0xffff;
	_ =	sdelay $0x2  }
0x11d: {  	v1 =	vsub.f32 v3, v1;
	v2 =	vsub.f32 v4, v2;
	_ =	sdelay $0x1  }
0x11e: {  	v3 =	vsub.f32 v6, v5;
	v4 =	vmul.f32 v1, v1;
	v5 =	vmul.f32 v2, v2;
	_ =	sdelay $0x1  }
0x11f: {  	v4 =	vadd.f32 v5, v4;
	v5 =	vmul.f32 v3, v3;
	_ =	sdelay $0x1  }
0x120: {  	v4 =	vadd.f32 v5, v4;
	_ =	sdelay $0x1  }
0x121: {  	v4 =	vadd.f32 $9.999999960e-13, v4;
	_ =	sdelay $0x1  }
0x122: {  	v5 =	vshra.s32 v4, $0x1  }
0x123: {  	v5 =	vsub.s32 $0x5F3759DF, v5  }
0x124: {  	v6 =	vmul.f32 $5.000000000e-01, v4;
	v28 =	vmul.f32 v5, v5;
	_ =	sdelay $0x1  }
0x125: {  	v28 =	vmul.f32 v28, v6;
	_ =	sdelay $0x1  }
0x126: {  	v28 =	vsub.f32 $1.500000000e+00, v28;
	_ =	sdelay $0x1  }
0x127: {  	v5 =	vmul.f32 v5, v28;
	_ =	sdelay $0x1  }
0x128: {  	v28 =	vmul.f32 v5, v5;
	_ =	sdelay $0x1  }
0x129: {  	v28 =	vmul.f32 v28, v6;
	_ =	sdelay $0x1  }
0x12a: {  	v28 =	vsub.f32 $1.500000000e+00, v28;
	_ =	sdelay $0x1  }
0x12b: {  	v5 =	vmul.f32 v28, v5;
	_ =	sdelay $0x1  }
0x12c: {  	v28 =	vmul.f32 v5, v5;
	_ =	sdelay $0x1  }
0x12d: {  	v6 =	vmul.f32 v28, v6;
	_ =	sdelay $0x1  }
0x12e: {  	v6 =	vsub.f32 $1.500000000e+00, v6;
	_ =	sdelay $0x1  }
0x12f: {  	v5 =	vmul.f32 v6, v5;
	_ =	sdelay $0x1  }
0x130: {  	v6 =	vmul.f32 v5, v4;
	_ =	sdelay $0x1  }
0x131: {  	v28 =	vmul.f32 $1.000000010e-01, v6  }
0x132: {  	v29 =	vmul.f32 v4, v26  }
0x133: {  	v4 =	vmul.f32 v4, v27;
	v33 =	vmul.f32 v28, v28  }
0x134: {  	v29 =	vmul.f32 $1.442695020e+00, v29  }
0x135: {  	v4 =	vmul.f32 $1.442695020e+00, v4;
	v30 =	vmul.f32 v33, v28  }
0x136: {  	(erf) = vpow2.f32 v29  }
0x137: {  	(erf) = vpow2.f32 v4;
	v4 =	vmul.f32 v30, v30;
	_ =	sdelay $0x1  }
0x138: {  	v29 =	vmul.f32 v4, v28;
	v4 =	vmul.f32 $2.800000000e+01, v4;
	_ =	sdelay $0x1  }
0x139: {  	v33 =	vmul.f32 v29, v28;
	v4 =	vsub.f32 $1.000000000e+00, v4;
	v29 =	vmul.f32 $4.800000000e+01, v29;
	_ =	sdelay $0x1  }
0x13a: {  	v4 =	vadd.f32 v29, v4;
	v29 =	vmul.f32 $2.100000000e+01, v33;
	_ =	sdelay $0x2  }
0x13b: {  	v30 =	vpop (erf)  }
0x13c: {  	v4 =	vsub.f32 v4, v29;
	v29 =	vpop (erf)  }
0x13d: {  	vm11 =	vlt.f32 v28, $1.000000000e+00;
	v28 =	vmul.f32 $1.732050780e+00, v29;
	v29 =	vld [tilespmem:$0x1FEB0];
	_ =	sdelay $0x6  }
0x13e: {  	v31 =	vld.idx.msk [tilespmem:v48+s19+$0x0], $0xffff  }
0x13f: {  	v4 =	vnsel vm11, $0x0, v4;
	v29 =	vld.idx.msk [tilespmem:v29+s19+$0x0], $0xffff  }
0x140: {  	v32 =	vld.idx.msk [tilespmem:v18+s19+$0x0], $0xffff;
	v1 =	vmul.f32 v5, v1;
	v28 =	vmul.f32 v4, v28  }
0x141: {  	v2 =	vmul.f32 v5, v2;
	v33 =	vld.idx.msk [tilespmem:v8+s19+$0x0], $0xffff;
	v4 =	vmul.f32 v4, v30  }
0x142: {  	v3 =	vmul.f32 v5, v3;
	v5 =	vmul.f32 v28, v1  }
0x143: {  	v4 =	vmul.f32 v4, v31;
	v30 =	vmul.f32 v28, v2  }
0x144: {  	v28 =	vmul.f32 v28, v3;
	v5 =	vmul.f32 v5, v29  }
0x145: {  	[tilespmem:v45+s16+$0x0] =	vst.idx.msk $0xffff, v4;
	v4 =	vmul.f32 v30, v32  }
0x146: {  	[tilespmem:v46+s16+$0x0] =	vst.idx.msk $0xffff, v5;
	v5 =	vmul.f32 v28, v33  }
0x147: {  	[tilespmem:v47+s16+$0x0] =	vst.idx.msk $0xffff, v4  }
0x148: {  	[tilespmem:v48+s16+$0x0] =	vst.idx.msk $0xffff, v5  }
0x149: {  	[tilespmem:s2+$0x1430] =	vst v6  }
0x14a: {  	[tilespmem:s2+$0x1830] =	vst v1  }
0x14b: {  	[tilespmem:s2+$0x1C30] =	vst v2  }
0x14c: {  	[tilespmem:s2+$0x2030] =	vst v3  }
0x14d: {  	v1 =	vld.idx.msk [tilespmem:v49+s19+$0x0], $0xffff  }
0x14e: {  	v2 =	vld.idx.msk [tilespmem:v50+s19+$0x0], $0xffff  }
0x14f: {  	v3 =	vld.idx.msk [tilespmem:v49+s20+$0x0], $0xffff  }
0x150: {  	v4 =	vld.idx.msk [tilespmem:v50+s20+$0x0], $0xffff  }
0x151: {  	v5 =	vld.idx.msk [tilespmem:v51+s19+$0x0], $0xffff  }
0x152: {  	v6 =	vld.idx.msk [tilespmem:v51+s20+$0x0], $0xffff;
	_ =	sdelay $0x2  }
0x153: {  	v1 =	vsub.f32 v3, v1;
	v2 =	vsub.f32 v4, v2;
	_ =	sdelay $0x1  }
0x154: {  	v3 =	vsub.f32 v6, v5;
	v4 =	vmul.f32 v1, v1;
	v5 =	vmul.f32 v2, v2;
	_ =	sdelay $0x1  }
0x155: {  	v4 =	vadd.f32 v5, v4;
	v5 =	vmul.f32 v3, v3;
	_ =	sdelay $0x1  }
0x156: {  	v4 =	vadd.f32 v5, v4;
	_ =	sdelay $0x1  }
0x157: {  	v4 =	vadd.f32 $9.999999960e-13, v4;
	_ =	sdelay $0x1  }
0x158: {  	v5 =	vshra.s32 v4, $0x1  }
0x159: {  	v5 =	vsub.s32 $0x5F3759DF, v5  }
0x15a: {  	v6 =	vmul.f32 $5.000000000e-01, v4;
	v28 =	vmul.f32 v5, v5;
	_ =	sdelay $0x1  }
0x15b: {  	v28 =	vmul.f32 v28, v6;
	_ =	sdelay $0x1  }
0x15c: {  	v28 =	vsub.f32 $1.500000000e+00, v28;
	_ =	sdelay $0x1  }
0x15d: {  	v5 =	vmul.f32 v5, v28;
	_ =	sdelay $0x1  }
0x15e: {  	v28 =	vmul.f32 v5, v5;
	_ =	sdelay $0x1  }
0x15f: {  	v28 =	vmul.f32 v28, v6;
	_ =	sdelay $0x1  }
0x160: {  	v28 =	vsub.f32 $1.500000000e+00, v28;
	_ =	sdelay $0x1  }
0x161: {  	v5 =	vmul.f32 v28, v5;
	_ =	sdelay $0x1  }
0x162: {  	v28 =	vmul.f32 v5, v5;
	_ =	sdelay $0x1  }
0x163: {  	v6 =	vmul.f32 v28, v6;
	_ =	sdelay $0x1  }
0x164: {  	v6 =	vsub.f32 $1.500000000e+00, v6;
	_ =	sdelay $0x1  }
0x165: {  	v5 =	vmul.f32 v6, v5;
	_ =	sdelay $0x1  }
0x166: {  	v6 =	vmul.f32 v5, v4;
	_ =	sdelay $0x1  }
0x167: {  	v28 =	vmul.f32 $1.000000010e-01, v6  }
0x168: {  	v29 =	vmul.f32 v4, v26  }
0x169: {  	v4 =	vmul.f32 v4, v27;
	v33 =	vmul.f32 v28, v28  }
0x16a: {  	v29 =	vmul.f32 $1.442695020e+00, v29  }
0x16b: {  	v4 =	vmul.f32 $1.442695020e+00, v4;
	v30 =	vmul.f32 v33, v28  }
0x16c: {  	(erf) = vpow2.f32 v29  }
0x16d: {  	(erf) = vpow2.f32 v4;
	v4 =	vmul.f32 v30, v30;
	_ =	sdelay $0x1  }
0x16e: {  	v29 =	vmul.f32 v4, v28;
	v4 =	vmul.f32 $2.800000000e+01, v4;
	_ =	sdelay $0x1  }
0x16f: {  	v33 =	vmul.f32 v29, v28;
	v4 =	vsub.f32 $1.000000000e+00, v4;
	v29 =	vmul.f32 $4.800000000e+01, v29;
	_ =	sdelay $0x1  }
0x170: {  	v4 =	vadd.f32 v29, v4;
	v29 =	vmul.f32 $2.100000000e+01, v33;
	_ =	sdelay $0x2  }
0x171: {  	v30 =	vpop (erf)  }
0x172: {  	v4 =	vsub.f32 v4, v29;
	v29 =	vpop (erf)  }
0x173: {  	vm12 =	vlt.f32 v28, $1.000000000e+00;
	v28 =	vmul.f32 $1.732050780e+00, v29;
	v29 =	vld [tilespmem:$0x1FEC0];
	_ =	sdelay $0x6  }
0x174: {  	v31 =	vld.idx.msk [tilespmem:v52+s19+$0x0], $0xffff  }
0x175: {  	v4 =	vnsel vm12, $0x0, v4;
	v29 =	vld.idx.msk [tilespmem:v29+s19+$0x0], $0xffff  }
0x176: {  	v32 =	vld.idx.msk [tilespmem:v19+s19+$0x0], $0xffff;
	v1 =	vmul.f32 v5, v1;
	v28 =	vmul.f32 v4, v28  }
0x177: {  	v2 =	vmul.f32 v5, v2;
	v33 =	vld.idx.msk [tilespmem:v9+s19+$0x0], $0xffff;
	v4 =	vmul.f32 v4, v30  }
0x178: {  	v3 =	vmul.f32 v5, v3;
	v5 =	vmul.f32 v28, v1  }
0x179: {  	v4 =	vmul.f32 v4, v31;
	v30 =	vmul.f32 v28, v2  }
0x17a: {  	v28 =	vmul.f32 v28, v3;
	v5 =	vmul.f32 v5, v29  }
0x17b: {  	[tilespmem:v49+s16+$0x0] =	vst.idx.msk $0xffff, v4;
	v4 =	vmul.f32 v30, v32  }
0x17c: {  	[tilespmem:v50+s16+$0x0] =	vst.idx.msk $0xffff, v5;
	v5 =	vmul.f32 v28, v33  }
0x17d: {  	[tilespmem:v51+s16+$0x0] =	vst.idx.msk $0xffff, v4  }
0x17e: {  	[tilespmem:v52+s16+$0x0] =	vst.idx.msk $0xffff, v5  }
0x17f: {  	[tilespmem:s2+$0x1440] =	vst v6  }
0x180: {  	[tilespmem:s2+$0x1840] =	vst v1  }
0x181: {  	[tilespmem:s2+$0x1C40] =	vst v2  }
0x182: {  	[tilespmem:s2+$0x2040] =	vst v3  }
0x183: {  	v1 =	vld.idx.msk [tilespmem:v53+s19+$0x0], $0xffff  }
0x184: {  	v2 =	vld.idx.msk [tilespmem:v54+s19+$0x0], $0xffff  }
0x185: {  	v3 =	vld.idx.msk [tilespmem:v53+s20+$0x0], $0xffff  }
0x186: {  	v4 =	vld.idx.msk [tilespmem:v54+s20+$0x0], $0xffff  }
0x187: {  	v5 =	vld.idx.msk [tilespmem:v55+s19+$0x0], $0xffff  }
0x188: {  	v6 =	vld.idx.msk [tilespmem:v55+s20+$0x0], $0xffff;
	_ =	sdelay $0x2  }
0x189: {  	v1 =	vsub.f32 v3, v1;
	v2 =	vsub.f32 v4, v2;
	_ =	sdelay $0x1  }
0x18a: {  	v3 =	vsub.f32 v6, v5;
	v4 =	vmul.f32 v1, v1;
	v5 =	vmul.f32 v2, v2;
	_ =	sdelay $0x1  }
0x18b: {  	v4 =	vadd.f32 v5, v4;
	v5 =	vmul.f32 v3, v3;
	_ =	sdelay $0x1  }
0x18c: {  	v4 =	vadd.f32 v5, v4;
	_ =	sdelay $0x1  }
0x18d: {  	v4 =	vadd.f32 $9.999999960e-13, v4;
	_ =	sdelay $0x1  }
0x18e: {  	v5 =	vshra.s32 v4, $0x1  }
0x18f: {  	v5 =	vsub.s32 $0x5F3759DF, v5  }
0x190: {  	v6 =	vmul.f32 $5.000000000e-01, v4;
	v28 =	vmul.f32 v5, v5;
	_ =	sdelay $0x1  }
0x191: {  	v28 =	vmul.f32 v28, v6;
	_ =	sdelay $0x1  }
0x192: {  	v28 =	vsub.f32 $1.500000000e+00, v28;
	_ =	sdelay $0x1  }
0x193: {  	v5 =	vmul.f32 v5, v28;
	_ =	sdelay $0x1  }
0x194: {  	v28 =	vmul.f32 v5, v5;
	_ =	sdelay $0x1  }
0x195: {  	v28 =	vmul.f32 v28, v6;
	_ =	sdelay $0x1  }
0x196: {  	v28 =	vsub.f32 $1.500000000e+00, v28;
	_ =	sdelay $0x1  }
0x197: {  	v5 =	vmul.f32 v28, v5;
	_ =	sdelay $0x1  }
0x198: {  	v28 =	vmul.f32 v5, v5;
	_ =	sdelay $0x1  }
0x199: {  	v6 =	vmul.f32 v28, v6;
	_ =	sdelay $0x1  }
0x19a: {  	v6 =	vsub.f32 $1.500000000e+00, v6;
	_ =	sdelay $0x1  }
0x19b: {  	v5 =	vmul.f32 v6, v5;
	_ =	sdelay $0x1  }
0x19c: {  	v6 =	vmul.f32 v5, v4;
	_ =	sdelay $0x1  }
0x19d: {  	v28 =	vmul.f32 $1.000000010e-01, v6  }
0x19e: {  	v29 =	vmul.f32 v4, v26  }
0x19f: {  	v4 =	vmul.f32 v4, v27;
	v33 =	vmul.f32 v28, v28  }
0x1a0: {  	v29 =	vmul.f32 $1.442695020e+00, v29  }
0x1a1: {  	v4 =	vmul.f32 $1.442695020e+00, v4;
	v30 =	vmul.f32 v33, v28  }
0x1a2: {  	(erf) = vpow2.f32 v29  }
0x1a3: {  	(erf) = vpow2.f32 v4;
	v4 =	vmul.f32 v30, v30;
	_ =	sdelay $0x1  }
0x1a4: {  	v29 =	vmul.f32 v4, v28;
	v4 =	vmul.f32 $2.800000000e+01, v4;
	_ =	sdelay $0x1  }
0x1a5: {  	v33 =	vmul.f32 v29, v28;
	v4 =	vsub.f32 $1.000000000e+00, v4;
	v29 =	vmul.f32 $4.800000000e+01, v29;
	_ =	sdelay $0x1  }
0x1a6: {  	v4 =	vadd.f32 v29, v4;
	v29 =	vmul.f32 $2.100000000e+01, v33;
	_ =	sdelay $0x2  }
0x1a7: {  	v30 =	vpop (erf)  }
0x1a8: {  	v4 =	vsub.f32 v4, v29;
	v29 =	vpop (erf)  }
0x1a9: {  	vm13 =	vlt.f32 v28, $1.000000000e+00;
	v28 =	vmul.f32 $1.732050780e+00, v29;
	v29 =	vld [tilespmem:$0x1FED0];
	_ =	sdelay $0x6  }
0x1aa: {  	v31 =	vld.idx.msk [tilespmem:v56+s19+$0x0], $0xffff  }
0x1ab: {  	v4 =	vnsel vm13, $0x0, v4;
	v29 =	vld.idx.msk [tilespmem:v29+s19+$0x0], $0xffff  }
0x1ac: {  	v32 =	vld.idx.msk [tilespmem:v20+s19+$0x0], $0xffff;
	v1 =	vmul.f32 v5, v1;
	v28 =	vmul.f32 v4, v28  }
0x1ad: {  	v2 =	vmul.f32 v5, v2;
	v33 =	vld.idx.msk [tilespmem:v10+s19+$0x0], $0xffff;
	v4 =	vmul.f32 v4, v30  }
0x1ae: {  	v3 =	vmul.f32 v5, v3;
	v5 =	vmul.f32 v28, v1  }
0x1af: {  	v4 =	vmul.f32 v4, v31;
	v30 =	vmul.f32 v28, v2  }
0x1b0: {  	v28 =	vmul.f32 v28, v3;
	v5 =	vmul.f32 v5, v29  }
0x1b1: {  	[tilespmem:v53+s16+$0x0] =	vst.idx.msk $0xffff, v4;
	v4 =	vmul.f32 v30, v32  }
0x1b2: {  	[tilespmem:v54+s16+$0x0] =	vst.idx.msk $0xffff, v5;
	v5 =	vmul.f32 v28, v33  }
0x1b3: {  	[tilespmem:v55+s16+$0x0] =	vst.idx.msk $0xffff, v4  }
0x1b4: {  	[tilespmem:v56+s16+$0x0] =	vst.idx.msk $0xffff, v5  }
0x1b5: {  	[tilespmem:s2+$0x1450] =	vst v6  }
0x1b6: {  	[tilespmem:s2+$0x1850] =	vst v1  }
0x1b7: {  	[tilespmem:s2+$0x1C50] =	vst v2  }
0x1b8: {  	[tilespmem:s2+$0x2050] =	vst v3  }
0x1b9: {  	v1 =	vld.idx.msk [tilespmem:v57+s19+$0x0], $0xffff  }
0x1ba: {  	v2 =	vld.idx.msk [tilespmem:v58+s19+$0x0], $0xffff  }
0x1bb: {  	v3 =	vld.idx.msk [tilespmem:v57+s20+$0x0], $0xffff  }
0x1bc: {  	v4 =	vld.idx.msk [tilespmem:v58+s20+$0x0], $0xffff  }
0x1bd: {  	v5 =	vld.idx.msk [tilespmem:v59+s19+$0x0], $0xffff  }
0x1be: {  	v6 =	vld.idx.msk [tilespmem:v59+s20+$0x0], $0xffff;
	_ =	sdelay $0x2  }
0x1bf: {  	v1 =	vsub.f32 v3, v1;
	v2 =	vsub.f32 v4, v2;
	_ =	sdelay $0x1  }
0x1c0: {  	v3 =	vsub.f32 v6, v5;
	v4 =	vmul.f32 v1, v1;
	v5 =	vmul.f32 v2, v2;
	_ =	sdelay $0x1  }
0x1c1: {  	v4 =	vadd.f32 v5, v4;
	v5 =	vmul.f32 v3, v3;
	_ =	sdelay $0x1  }
0x1c2: {  	v4 =	vadd.f32 v5, v4;
	_ =	sdelay $0x1  }
0x1c3: {  	v4 =	vadd.f32 $9.999999960e-13, v4;
	_ =	sdelay $0x1  }
0x1c4: {  	v5 =	vshra.s32 v4, $0x1  }
0x1c5: {  	v5 =	vsub.s32 $0x5F3759DF, v5  }
0x1c6: {  	v6 =	vmul.f32 $5.000000000e-01, v4;
	v28 =	vmul.f32 v5, v5;
	_ =	sdelay $0x1  }
0x1c7: {  	v28 =	vmul.f32 v28, v6;
	_ =	sdelay $0x1  }
0x1c8: {  	v28 =	vsub.f32 $1.500000000e+00, v28;
	_ =	sdelay $0x1  }
0x1c9: {  	v5 =	vmul.f32 v5, v28;
	_ =	sdelay $0x1  }
0x1ca: {  	v28 =	vmul.f32 v5, v5;
	_ =	sdelay $0x1  }
0x1cb: {  	v28 =	vmul.f32 v28, v6;
	_ =	sdelay $0x1  }
0x1cc: {  	v28 =	vsub.f32 $1.500000000e+00, v28;
	_ =	sdelay $0x1  }
0x1cd: {  	v5 =	vmul.f32 v28, v5;
	_ =	sdelay $0x1  }
0x1ce: {  	v28 =	vmul.f32 v5, v5;
	_ =	sdelay $0x1  }
0x1cf: {  	v6 =	vmul.f32 v28, v6;
	_ =	sdelay $0x1  }
0x1d0: {  	v6 =	vsub.f32 $1.500000000e+00, v6;
	_ =	sdelay $0x1  }
0x1d1: {  	v5 =	vmul.f32 v6, v5;
	_ =	sdelay $0x1  }
0x1d2: {  	v6 =	vmul.f32 v5, v4;
	_ =	sdelay $0x1  }
0x1d3: {  	v28 =	vmul.f32 $1.000000010e-01, v6  }
0x1d4: {  	v29 =	vmul.f32 v4, v26  }
0x1d5: {  	v4 =	vmul.f32 v4, v27;
	v33 =	vmul.f32 v28, v28  }
0x1d6: {  	v29 =	vmul.f32 $1.442695020e+00, v29  }
0x1d7: {  	v4 =	vmul.f32 $1.442695020e+00, v4;
	v30 =	vmul.f32 v33, v28  }
0x1d8: {  	(erf) = vpow2.f32 v29  }
0x1d9: {  	(erf) = vpow2.f32 v4;
	v4 =	vmul.f32 v30, v30;
	_ =	sdelay $0x1  }
0x1da: {  	v29 =	vmul.f32 v4, v28;
	v4 =	vmul.f32 $2.800000000e+01, v4;
	_ =	sdelay $0x1  }
0x1db: {  	v33 =	vmul.f32 v29, v28;
	v4 =	vsub.f32 $1.000000000e+00, v4;
	v29 =	vmul.f32 $4.800000000e+01, v29;
	_ =	sdelay $0x1  }
0x1dc: {  	v4 =	vadd.f32 v29, v4;
	v29 =	vmul.f32 $2.100000000e+01, v33;
	_ =	sdelay $0x2  }
0x1dd: {  	v30 =	vpop (erf)  }
0x1de: {  	v4 =	vsub.f32 v4, v29;
	v29 =	vpop (erf)  }
0x1df: {  	v31 =	vld.idx.msk [tilespmem:v60+s19+$0x0], $0xffff;
	vm14 =	vlt.f32 v28, $1.000000000e+00;
	v28 =	vmul.f32 $1.732050780e+00, v29  }
0x1e0: {  	v4 =	vnsel vm14, $0x0, v4;
	v29 =	vld.idx.msk [tilespmem:v13+s19+$0x0], $0xffff  }
0x1e1: {  	v32 =	vld.idx.msk [tilespmem:v21+s19+$0x0], $0xffff;
	v1 =	vmul.f32 v5, v1;
	v28 =	vmul.f32 v4, v28  }
0x1e2: {  	v2 =	vmul.f32 v5, v2;
	v33 =	vld.idx.msk [tilespmem:v11+s19+$0x0], $0xffff;
	v4 =	vmul.f32 v4, v30  }
0x1e3: {  	v3 =	vmul.f32 v5, v3;
	v5 =	vmul.f32 v28, v1  }
0x1e4: {  	v4 =	vmul.f32 v4, v31;
	v30 =	vmul.f32 v28, v2  }
0x1e5: {  	v28 =	vmul.f32 v28, v3;
	v5 =	vmul.f32 v5, v29  }
0x1e6: {  	[tilespmem:v57+s16+$0x0] =	vst.idx.msk $0xffff, v4;
	v4 =	vmul.f32 v30, v32  }
0x1e7: {  	[tilespmem:v58+s16+$0x0] =	vst.idx.msk $0xffff, v5;
	v5 =	vmul.f32 v28, v33  }
0x1e8: {  	[tilespmem:v59+s16+$0x0] =	vst.idx.msk $0xffff, v4  }
0x1e9: {  	[tilespmem:v60+s16+$0x0] =	vst.idx.msk $0xffff, v5  }
0x1ea: {  	[tilespmem:s2+$0x1460] =	vst v6  }
0x1eb: {  	[tilespmem:s2+$0x1860] =	vst v1  }
0x1ec: {  	[tilespmem:s2+$0x1C60] =	vst v2  }
0x1ed: {  	[tilespmem:s2+$0x2060] =	vst v3  }
0x1ee: {  	v1 =	vld.idx.msk [tilespmem:v61+s19+$0x0], $0xffff  }
0x1ef: {  	v2 =	vld.idx.msk [tilespmem:v62+s19+$0x0], $0xffff  }
0x1f0: {  	v3 =	vld.idx.msk [tilespmem:v61+s20+$0x0], $0xffff  }
0x1f1: {  	v4 =	vld.idx.msk [tilespmem:v62+s20+$0x0], $0xffff  }
0x1f2: {  	v5 =	vld.idx.msk [tilespmem:v63+s19+$0x0], $0xffff  }
0x1f3: {  	v6 =	vld.idx.msk [tilespmem:v63+s20+$0x0], $0xffff;
	_ =	sdelay $0x2  }
0x1f4: {  	v1 =	vsub.f32 v3, v1;
	v2 =	vsub.f32 v4, v2;
	_ =	sdelay $0x1  }
0x1f5: {  	v3 =	vsub.f32 v6, v5;
	v4 =	vmul.f32 v1, v1;
	v5 =	vmul.f32 v2, v2;
	_ =	sdelay $0x1  }
0x1f6: {  	v4 =	vadd.f32 v5, v4;
	v5 =	vmul.f32 v3, v3;
	_ =	sdelay $0x1  }
0x1f7: {  	v4 =	vadd.f32 v5, v4;
	_ =	sdelay $0x1  }
0x1f8: {  	v4 =	vadd.f32 $9.999999960e-13, v4;
	_ =	sdelay $0x1  }
0x1f9: {  	v5 =	vshra.s32 v4, $0x1  }
0x1fa: {  	v5 =	vsub.s32 $0x5F3759DF, v5  }
0x1fb: {  	v6 =	vmul.f32 $5.000000000e-01, v4;
	v28 =	vmul.f32 v5, v5;
	_ =	sdelay $0x1  }
0x1fc: {  	v28 =	vmul.f32 v28, v6;
	_ =	sdelay $0x1  }
0x1fd: {  	v28 =	vsub.f32 $1.500000000e+00, v28;
	_ =	sdelay $0x1  }
0x1fe: {  	v5 =	vmul.f32 v5, v28;
	_ =	sdelay $0x1  }
0x1ff: {  	v28 =	vmul.f32 v5, v5;
	_ =	sdelay $0x1  }
0x200: {  	v28 =	vmul.f32 v28, v6;
	_ =	sdelay $0x1  }
0x201: {  	v28 =	vsub.f32 $1.500000000e+00, v28;
	_ =	sdelay $0x1  }
0x202: {  	v5 =	vmul.f32 v28, v5;
	_ =	sdelay $0x1  }
0x203: {  	v28 =	vmul.f32 v5, v5;
	_ =	sdelay $0x1  }
0x204: {  	v6 =	vmul.f32 v28, v6;
	_ =	sdelay $0x1  }
0x205: {  	v6 =	vsub.f32 $1.500000000e+00, v6;
	_ =	sdelay $0x1  }
0x206: {  	v5 =	vmul.f32 v6, v5;
	_ =	sdelay $0x1  }
0x207: {  	v6 =	vmul.f32 v5, v4;
	_ =	sdelay $0x1  }
0x208: {  	v28 =	vmul.f32 $1.000000010e-01, v6  }
0x209: {  	v29 =	vmul.f32 v4, v26  }
0x20a: {  	v4 =	vmul.f32 v4, v27;
	v33 =	vmul.f32 v28, v28  }
0x20b: {  	v29 =	vmul.f32 $1.442695020e+00, v29  }
0x20c: {  	v4 =	vmul.f32 $1.442695020e+00, v4;
	v30 =	vmul.f32 v33, v28  }
0x20d: {  	(erf) = vpow2.f32 v29  }
0x20e: {  	(erf) = vpow2.f32 v4;
	v4 =	vmul.f32 v30, v30;
	_ =	sdelay $0x1  }
0x20f: {  	v29 =	vmul.f32 v4, v28;
	v4 =	vmul.f32 $2.800000000e+01, v4;
	_ =	sdelay $0x1  }
0x210: {  	v33 =	vmul.f32 v29, v28;
	v4 =	vsub.f32 $1.000000000e+00, v4;
	v29 =	vmul.f32 $4.800000000e+01, v29;
	_ =	sdelay $0x1  }
0x211: {  	v30 =	vor.u32 $0x383, v0;
	v4 =	vadd.f32 v29, v4;
	v29 =	vmul.f32 $2.100000000e+01, v33;
	_ =	sdelay $0x2  }
0x212: {  	v31 =	vpop (erf)  }
0x213: {  	v4 =	vsub.f32 v4, v29;
	v29 =	vpop (erf)  }
0x214: {  	vm15 =	vlt.f32 v28, $1.000000000e+00;
	v32 =	vld.idx.msk [tilespmem:v30+s19+$0x0], $0xffff;
	v28 =	vmul.f32 $1.732050780e+00, v29  }
0x215: {  	v4 =	vnsel vm15, $0x0, v4;
	v29 =	vld.idx.msk [tilespmem:v14+s19+$0x0], $0xffff  }
0x216: {  	v1 =	vmul.f32 v5, v1;
	v33 =	vld.idx.msk [tilespmem:v22+s19+$0x0], $0xffff;
	v28 =	vmul.f32 v4, v28  }
0x217: {  	v2 =	vmul.f32 v5, v2;
	v4 =	vmul.f32 v4, v31;
	v31 =	vld.idx.msk [tilespmem:v12+s19+$0x0], $0xffff  }
0x218: {  	v3 =	vmul.f32 v5, v3;
	v5 =	vmul.f32 v28, v1  }
0x219: {  	v4 =	vmul.f32 v4, v32;
	v32 =	vmul.f32 v28, v2  }
0x21a: {  	v28 =	vmul.f32 v28, v3;
	v5 =	vmul.f32 v5, v29  }
0x21b: {  	[tilespmem:v61+s16+$0x0] =	vst.idx.msk $0xffff, v4;
	v4 =	vmul.f32 v32, v33  }
0x21c: {  	[tilespmem:v62+s16+$0x0] =	vst.idx.msk $0xffff, v5;
	v5 =	vmul.f32 v28, v31  }
0x21d: {  	[tilespmem:v63+s16+$0x0] =	vst.idx.msk $0xffff, v4  }
0x21e: {  	[tilespmem:v30+s16+$0x0] =	vst.idx.msk $0xffff, v5  }
0x21f: {  	[tilespmem:s2+$0x1470] =	vst v6  }
0x220: {  	[tilespmem:s2+$0x1870] =	vst v1  }
0x221: {  	p1 =	sne.s32 s31, $0xE00;
	[tilespmem:s2+$0x1C70] =	vst v2  }
.Ltmp0:
0x222: {  	[tilespmem:s2+$0x2070] =	vst v3;
	(pc) =	sbr.rel @p1 .LBB2_3-.Ltmp0, $4  }
0x223: {  	[spmem:s3] =	stream.indirect.scatter.add.f32 [tilespmem:s16], [sflag:$0x3], $0x8, s12, s18, $0xb8;
	[tilespmem:$0x8620] =	vst v63  }
0x224: {  	_ =	swait.ge [sflag:s13], $0x400  }
0x225: {  	[sflag:s13] =	ssyncset.done $0x0  }
0x226: {  	s31 =	sadd.s32 $0x200, s31;
	[sflag:s13] =	ssyncadd.s32 $0xFFFFFC00  }
0x227: {  	s2 =	sadd.s32 s8, s30  }
0x228: {  	[hbm4b:s2+s4] =	stream.linear.scatter [tilespmem:s23], [sflag:$0x3], $0x400, $0x38;
	[tilespmem:$0x8620] =	vst v63  }
0x229: {  	_ =	swait.ge [sflag:s13], $0x400  }
0x22a: {  	[sflag:s13] =	ssyncset.done $0x0  }
0x22b: {  	s12 =	sadd.s32 $0x31000, s2;
	[sflag:s13] =	ssyncadd.s32 $0xFFFFFC00  }
0x22c: {  	[hbm4b:s12+s4] =	stream.linear.scatter [tilespmem:s24], [sflag:$0x3], $0x400, $0x38;
	[tilespmem:$0x8620] =	vst v63  }
0x22d: {  	_ =	swait.ge [sflag:s13], $0x400  }
0x22e: {  	[sflag:s13] =	ssyncset.done $0x0  }
0x22f: {  	s31 =	sadd.s32 $0x62000, s2;
	[sflag:s13] =	ssyncadd.s32 $0xFFFFFC00  }
0x230: {  	[hbm4b:s31+s4] =	stream.linear.scatter [tilespmem:s25], [sflag:$0x3], $0x400, $0x38;
	[tilespmem:$0x8620] =	vst v63  }
0x231: {  	s29 =	sadd.s32 $0x1, s29;
	_ =	swait.ge [sflag:s13], $0x400  }
0x232: {  	p1 =	sne.s32 s29, $0x31;
	[sflag:s13] =	ssyncset.done $0x0  }
.Ltmp1:
0x233: {  	s2 =	sadd.s32 $0x93000, s2;
	[sflag:s13] =	ssyncadd.s32 $0xFFFFFC00;
	(pc) =	sbr.rel @p1 .LBB2_2-.Ltmp1, $4  }
0x234: {  	[hbm4b:s2+s4] =	stream.linear.scatter [tilespmem:s26], [sflag:$0x3], $0x400, $0x38;
	[tilespmem:$0x8620] =	vst v63  }
0x235: {  	_ =	swait.ge [sflag:s13], $0x400  }
0x236: {  	[sflag:s13] =	ssyncset.done $0x0  }
0x237: {  	[sflag:s13] =	ssyncadd.s32 $0xFFFFFC00  }
0x238: {  	[bflag:$0x0] =	sbarrier.arrive $0xFFFF;
	s2 =	sshrl.u32 @!p0 s3, $0x3  }
0x239: {  	[hbm:s10], [sflag:s14] =	dma.local @!p0 [spmem:s2], $0xC400  }
0x23a: {  	s2 =	simm.s32 @!p0 $0x3  }
0x23b: {  	_ =	swait.ge @!p0 [sflag:s2], $0xC400  }
0x23c: {  	v2 =	vld [tilespmem:$0x1FE90]  }
0x23d: {  	v3 =	vld [tilespmem:$0x1FEA0]  }
0x23e: {  	v4 =	vld [tilespmem:$0x1FEB0]  }
0x23f: {  	v5 =	vld [tilespmem:$0x1FEC0]  }
0x240: {  	v6 =	vld [tilespmem:$0x1FED0]  }
0x241: {  	v8 =	vld [tilespmem:$0x1FEE0]  }
0x242: {  	v9 =	vld [tilespmem:$0x1FEF0]  }
0x243: {  	v10 =	vld [tilespmem:$0x1FF00]  }
0x244: {  	v11 =	vld [tilespmem:$0x1FF10]  }
0x245: {  	v12 =	vld [tilespmem:$0x1FF20]  }
0x246: {  	v13 =	vld [tilespmem:$0x1FF30]  }
0x247: {  	v14 =	vld [tilespmem:$0x1FF40]  }
0x248: {  	v15 =	vld [tilespmem:$0x1FF50]  }
0x249: {  	v16 =	vld [tilespmem:$0x1FF60]  }
0x24a: {  	v17 =	vld [tilespmem:$0x1FF70]  }
0x24b: {  	v18 =	vld [tilespmem:$0x1FF80]  }
0x24c: {  	s28 =	sadd.s32 $0x1, s28;
	v19 =	vld [tilespmem:$0x1FF90]  }
0x24d: {  	p1 =	sne.s32 s28, s11;
	v20 =	vld [tilespmem:$0x1FFA0]  }
.Ltmp2:
0x24e: {  	v21 =	vld [tilespmem:$0x1FFB0];
	(pc) =	sbr.rel @p1 .LBB2_1-.Ltmp2, $4  }
0x24f: {  	v22 =	vld [tilespmem:$0x1FFC0]  }
0x250: {  	v23 =	vld [tilespmem:$0x1FFD0]  }
0x251: {  	[sflag:s2] =	ssyncset.done @!p0 $0x0;
	v24 =	vld [tilespmem:$0x1FFE0]  }
0x252: {  	v25 =	vld [tilespmem:$0x1FFF0];
	[sflag:s2] =	ssyncadd.s32 @!p0 $0xFFFF3C00  }
0x253: {  	_ =	sfence.sel $0x180000  }
0x254: {  	[bflag:$0x0] =	sbarrier.arrive $0xFFFF  }
0x255: {  	_ =	strace $0x90000047  }
0x256: {  	[bflag:$0x2] =	sbarrier.arrive $0xFFFF  }
0x257: {  	s0 =	rddreg [dreg:$0x5]  }
0x258: {  	s0 =	sadd.s32 @!p0 $0x100000, s0  }
0x259: {  	[sflag:s0] =	ssyncadd.tile.s32 @!p0 $0x1;
	_ =	shalt  }
.Lfunc_end2:
_tile_overlayer_lowered:
.L_overlay_start_2:
0x25a: {  	(tag) =	ssettag $0x2  }
0x25b: {  	s0 =	rddreg [dreg:$0x0];
	s2 =	stileid.u32  }
0x25c: {  	s1 =	rddreg [dreg:$0x1];
	p0 =	sne.s32 s2, $0x0  }
0x25d: {  	s3 =	rddreg [dreg:$0x2];
	[bflag:$0x3] =	sbarrier.arrive $0xFFFF;
	s2 =	simm.s32 @!p0 $0x1C03  }
0x25e: {  	[timem:s3], [sflag:s2] =	dma.local @!p0 [hbm:s0], s1  }
0x25f: {  	s0 =	simm.s32 @!p0 $0x3  }
0x260: {  	_ =	swait.ge @!p0 [sflag:s0], s1  }
0x261: {  	s1 =	ssub.s32 @!p0 $0x0, s1;
	[sflag:s0] =	ssyncset.done @!p0 $0x0  }
0x262: {  	[sflag:s0] =	ssyncadd.s32 @!p0 s1  }
0x263: {  	[bflag:$0x3] =	sbarrier.arrive $0xFFFF  }
0x264: {  	_ =	shalt  }

// kernel: sparse-core-data-format-call.1.cloned.1.call-start
scs
called_computation.1_lowered:
.L_overlay_start_0:
0x0: {  	s2 =	sld [smem:$0x3FD9]  }
0x1: {  	s3 =	sld [smem:$0x3FFE];
	_ =	sdelay $0x1  }
0x2: {  	s1 =	srdreg.scid  }
0x3: {  	s0 =	sand.u32 $0x1, s1  }
0x4: {  	s16 =	sshll.u32 s0, $0xA;
	s2 =	sadd.s32 s3, s2  }
0x5: {  	s2 =	sadd.s32 s2, s16  }
0x6: {  	[smem:$0x3FBC] =	sst s2  }
0x7: {  	_ = 	snop  }
0x8: {  	s2 =	sld [smem:$0x3FD0];
	_ =	sdelay $0x2  }
0x9: {  	s17 =	simm.s32 $0xB;
	s4 =	simm.s32 $0x10  }
0xa: {  	[smem:s4], [sflag:s17] =	dma.local [hbm:s2], $0x1  }
0xb: {  	_ =	swait.eq [sflag:s17], $0x1  }
0xc: {  	[sflag:s17] =	ssyncset.done $0x0  }
0xd: {  	s18 =	sld [smem:$0x10];
	[sflag:s17] =	ssyncadd.s32 $0xFFFFFFFF  }
0xe: {  	s19 =	sld [smem:$0x11];
	(tm) =	ssettm $0x1  }
0xf: {  	s20 =	sld [smem:$0x3FFB];
	_ =	sdelay $0x3  }
0x10: {  	_ =	strace s20  }
0x11: {  	s4 =	sld [smem:$0x3FFC];
	_ =	sdelay $0x3  }
0x12: {  	_ =	strace s4  }
0x13: {  	s4 =	sld [smem:$0x3FFD];
	_ =	sdelay $0x3  }
0x14: {  	_ =	strace s4  }
0x15: {  	_ =	strace $0x8FFFFFFF  }
0x16: {  	s21 =	sld [smem:$0x3FDB];
	_ =	sdelay $0x1  }
0x17: {  	s5 =	simm.s32 $_scs_section_size  }
0x18: {  	s6 =	simm.s32 $_size__tile_overlayer_lowered;
	s7 =	simm.s32 $_tile_overlayer_lowered  }
0x19: {  	s24 =	simm.s32 $0x1BFF;
	s23 =	sshll.u32 s7, $0x1;
	s4 =	sadd.s32 s5, s21  }
0x1a: {  	s8 =	simm.s32 $0x0;
	s22 =	sshll.u32 s6, $0x1;
	s6 =	sadd.s32 s23, s4  }
0x1b: {  	[timem:s8], [sflag:s24] =	dma.local [hbm:s6], s22  }
0x1c: {  	_ =	swait.ge [sflag:s24], s22  }
0x1d: {  	s5 =	ssub.s32 $0x0, s22;
	[sflag:s24] =	ssyncset.done $0x0  }
0x1e: {  	[sflag:s24] =	ssyncadd.s32 s5;
	_ =	sdelay $0x1  }
0x1f: {  	s25 =	simm.s32 $0x1B8B  }
0x20: {  	_ =	swait.ge [sflag:s25], $0x1  }
0x21: {  	[sflag:s25] =	ssyncset.done $0x0  }
0x22: {  	s26 =	simm.s32 $0x1B8E;
	[sflag:s25] =	ssyncadd.s32 $0xFFFFFFFF  }
0x23: {  	s27 =	simm.s32 $execute0_lowered;
	[smem:$0x3FD2] =	sst s26  }
0x24: {  	s5 =	sshll.u32 s27, $0x1;
	_ =	strace $0x80000049;
	[dreg:$0x1] =	wrdreg $0xFFFFFFFF  }
0x25: {  	s28 =	simm.s32 $_size_execute0_lowered;
	s4 =	sadd.s32 s4, s5;
	[dreg:$0x0] =	wrdreg $0x0  }
0x26: {  	s5 =	sshll.u32 s28, $0x1;
	[dreg:$0x2] =	wrdreg s4  }
0x27: {  	[dreg:$0x3] =	wrdreg s5  }
0x28: {  	[dreg:$0x4] =	wrdreg $0xC0  }
0x29: {  	_ =	task [dreg:s8], $0x5FFFF  }
0x2a: {  	[dreg:$0x1] =	wrdreg $0xFFFFFFFF  }
0x2b: {  	[dreg:$0x0] =	wrdreg $0x60  }
0x2c: {  	[dreg:$0x2] =	wrdreg s19  }
0x2d: {  	[dreg:$0x3] =	wrdreg s18  }
0x2e: {  	[dreg:$0x4] =	wrdreg $0xA  }
0x2f: {  	_ =	task.clear_ibuf [dreg:s8], $0x5FFFF;
	_ =	strace $0x90000049  }
0x30: {  	s29 =	simm.s32 $0xA;
	_ =	strace $0x8000004B  }
0x31: {  	_ =	swait.ge [sflag:s29], $0x1  }
0x32: {  	[sflag:s29] =	ssyncadd.s32 $0xFFFFFFFF  }
0x33: {  	_ =	strace $0x9000004B  }
0x34: {  	_ =	sfence  }
0x35: {  	s30 =	sld [smem:$0x0];
	_ =	sdelay $0x2  }
0x36: {  	s31 =	sshll.u32 s1, $0xD;
	s1 =	sshrl.u32 s1, $0x2  }
0x37: {  	s3 =	sand.u32 $0x4000, s31;
	s1 =	sadd.s32 s1, s30  }
0x38: {  	s0 =	sor.u32 s3, s0;
	s1 =	sshll.u32 s1, $0x11  }
0x39: {  	s0 =	sor.u32 s1, s0  }
0x3a: {  	s0 =	sadd.s32 $0x8F2B, s0  }
0x3b: {  	[sflag:s0] =	ssyncadd.remote.s32 $0x1  }
0x3c: {  	_ =	sfence.sel $0xFFFF  }
0x3d: {  	[dreg:$0x0] =	wrdreg $0xFFFFFFFF;
	(pc) =	sbr.abs _section_cstart, $3  }
0x3e: {  	[dreg:$0x1] =	wrdreg $0xFFFFFFFF  }
0x3f: {  	_ =	task.clear_ibuf [dreg:s8], $0x2FFFF;
	_ =	strace $0x9FFFFFFF  }
0x40: {  	(tm) =	ssettm $0x7FFFFFFF  }
0x41: {  	_ =	shalt  }
tec
execute0_lowered:
.L_overlay_start_1:
0x0: {  	(tag) =	ssettag $0x1  }
0x1: {  	s0 =	srdreg.scid  }
0x2: {  	s2 =	rddreg [dreg:$0x0];
	s1 =	sshll.u32 s0, $0x4  }
0x3: {  	s4 =	rddreg [dreg:$0x1];
	s0 =	stileid.u32;
	s1 =	sand.u32 $0x10, s1  }
0x4: {  	s31 =	simm.s32 $0x2;
	s12 =	simm.s32 $0x0;
	s1 =	sor.u32 s0, s1  }
0x5: {  	p0 =	por $0x0, $0x0;
	s8 =	simm.s32 $0x30E00;
	s3 =	sshll.u32 s1, $0x7  }
.Ltmp0:
0x6: {  	s13 =	simm.s32 $0x0;
	s5 =	ssub.s32 $0xC300, s3;
	(pc) =	sbr.rel .LBB1_1-.Ltmp0, $4  }
0x7: {  	s10 =	simm.s32 $0x0;
	s1 =	rddreg [dreg:$0x2];
	s6 =	sshrl.u32 s5, $0xC  }
0x8: {  	_ =	strace $0x8000004A;
	s5 =	simm.s32 $0x1;
	s7 =	smul.u32 $0x3, s6  }
0x9: {  	s11 =	simm.s32 $0x0;
	s9 =	smov.u32 s3;
	[sflag:s5] =	ssyncpa.u1 $0x0  }
0xa: {  	[sflag:s31] =	ssyncpa.u1 $0x0;
	s6 =	sadd.s32 $0x3, s7;
	s7 =	sadd.s32 $0x4, s7  }
.LBB1_5:
0xb: {  	s14 =	sadd.s32 $0x1000, s9  }
0xc: {  	s12 =	simm.s32 $0x1;
	p2 =	sgt.s32 s14, $0xC34F  }
0xd: {  	s12 =	simm.s32 @!p2 $0x0  }
0xe: {  	s16 =	sadd.s32 s12, s10  }
0xf: {  	s14 =	smov.u32 @p2 s3;
	p2 =	sgt.s32 s16, $0x2  }
0x10: {  	s16 =	simm.s32 @p2 $0x0;
	p2 =	sne.s32 s11, s7  }
.Ltmp1:
0x11: {  	p1 =	slt.u32 s11, $0x2;
	(pc) =	sbr.rel @!p2 .LBB1_6-.Ltmp1, $4  }
0x12: {  	s15 =	simm.s32 @!p1 $0x2  }
0x13: {  	s13 =	smov.u32 s10;
	p0 =	por !p0, !p0;
	_ =	swait.ge @!p1 [sflag:s15], $0x2000  }
0x14: {  	[sflag:s15] =	ssyncset.done @!p1 $0x0;
	s12 =	smov.u32 s9;
	s9 =	smov.u32 s14  }
0x15: {  	[sflag:s15] =	ssyncadd.s32 @!p1 $0xFFFFE000;
	s11 =	sadd.s32 $0x1, s11;
	s10 =	smov.u32 s16  }
.LBB1_1:
0x16: {  	p1 =	sge.u32 s11, s6  }
0x17: {  	s16 =	smov.u32 s10;
	s18 =	smov.u32 s9;
	p2 =	sgt.s32 @!p1 s10, $0x2  }
0x18: {  	s14 =	sand.u32 @!p1 $0x1FFFFFF, s9;
	s17 =	sshra.s32 @!p1 s10, $0x1F;
	p2 =	por !p2, p1  }
0x19: {  	s19 =	sshra.s32 @!p1 s9, $0x1F;
	s16 =	simm.s32 @p2 $0x2;
	p2 =	sgt.s32 @!p1 s9, $0xC2D0  }
0x1a: {  	s15 =	smulhi.u32 @!p1 $0x14F8B59, s14;
	s17 =	sand.u32 @!p1 s17, s10;
	p2 =	por !p2, p1  }
0x1b: {  	s16 =	ssub.s32 @!p1 s16, s17;
	s17 =	sand.u32 @!p1 s19, s9;
	s18 =	simm.s32 @p2 $0xC2D0  }
0x1c: {  	s16 =	sadd.s32 @!p1 $0xFFFFFFFE, s16;
	s17 =	ssub.s32 @!p1 s18, s17  }
0x1d: {  	s15 =	sshrl.u32 @!p1 s15, $0x8;
	p2 =	sgt.s32 @!p1 s16, $0x0;
	s18 =	sadd.s32 @!p1 $0xFFFF3D30, s17  }
0x1e: {  	s16 =	sshll.u32 @!p1 s16, $0x6;
	s17 =	ssub.s32 @!p1 $0xC350, s17;
	p3 =	sgt.s32 @!p1 s18, $0x7F  }
0x1f: {  	s16 =	ssub.s32 @!p1 $0x40, s16;
	p2 =	por !p2, p1;
	p3 =	por !p3, p1  }
0x20: {  	s15 =	smul.u32 @!p1 $0xC350, s15;
	s16 =	simm.s32 @!p2 $0x0;
	s17 =	simm.s32 @!p3 $0x0  }
0x21: {  	s18 =	sxor.u32 @!p1 $0xFFFFFFFF, s11;
	s16 =	smul.u32 @!p1 s17, s16  }
0x22: {  	s14 =	ssub.s32 @!p1 s14, s15;
	s17 =	sshll.u32 @!p1 s18, $0xD;
	s18 =	smul.u32 @!p1 $0xC3500, s10  }
0x23: {  	s14 =	sshll.u32 @!p1 s14, $0x4  }
0x24: {  	s17 =	sand.u32 @!p1 $0x2000, s17;
	s15 =	sand.u32 @!p1 $0x3FFFFFC0, s16;
	s16 =	sadd.s32 @!p1 s2, s18  }
0x25: {  	s18 =	simm.s32 @!p1 $0x80;
	s14 =	sadd.s32 @!p1 s14, s16;
	s16 =	simm.s32 @!p1 $0x40  }
0x26: {  	[tilespmem:s17], [sflag:$0x1] =	stream.strided.gather @!p1 [hbm4b:s14+s16], s15, s18, s16, $0x38;
	[tilespmem:$0x8080] =	vst v63  }
0x27: {  	p1 =	seq.s32 s11, $0x0  }
0x28: {  	p2 =	sge.u32 @!p1 s11, s7  }
0x29: {  	p1 =	por p1, p2  }
.Ltmp2:
0x2a: {  	_ = 	snop;
	(pc) =	sbr.rel @p1 .LBB1_5-.Ltmp2, $1  }
0x2b: {  	_ =	sdelay $0x3  }
0x2c: {  	p1 =	sgt.s32 s13, $0x2;
	s14 =	smov.u32 s13  }
0x2d: {  	s15 =	sshra.s32 s13, $0x1F;
	s16 =	smov.u32 s12;
	s17 =	sshra.s32 s12, $0x1F  }
0x2e: {  	s14 =	simm.s32 @!p1 $0x2;
	s15 =	sand.u32 s15, s13;
	p1 =	sgt.s32 s12, $0xC2D0  }
0x2f: {  	s27 =	sand.u32 s17, s12;
	s14 =	ssub.s32 s14, s15;
	s16 =	simm.s32 @!p1 $0xC2D0  }
0x30: {  	s14 =	sadd.s32 $0xFFFFFFFE, s14;
	s15 =	ssub.s32 s16, s27  }
0x31: {  	p1 =	sgt.s32 s14, $0x0;
	s16 =	sadd.s32 $0xFFFF3D30, s15;
	s14 =	sshll.u32 s14, $0x6  }
0x32: {  	s15 =	ssub.s32 $0xC350, s15;
	p2 =	sgt.s32 s16, $0x7F;
	s14 =	ssub.s32 $0x40, s14  }
0x33: {  	s15 =	simm.s32 @p2 $0x0;
	s14 =	simm.s32 @p1 $0x0  }
0x34: {  	s14 =	smul.u32 s15, s14;
	_ =	sdelay $0x1  }
0x35: {  	s15 =	simm.s32 $0x1;
	s14 =	sand.u32 $0x3FFFFFC0, s14  }
0x36: {  	s15 =	simm.s32 @!p0 $0x0;
	_ =	swait.ge [sflag:s5], s14  }
0x37: {  	s28 =	sshll.u32 s15, $0xD;
	s14 =	ssub.s32 $0x0, s14;
	[sflag:s5] =	ssyncset.done $0x0  }
0x38: {  	s18 =	sor.u32 $0x20, s28;
	[sflag:s5] =	ssyncadd.s32 s14  }
0x39: {  	s29 =	smul.u32 $0x8100, s15;
	v3 =	vld [tilespmem:s18+$0x10]  }
0x3a: {  	s30 =	sand.u32 $0x1, s11;
	v2 =	vld [tilespmem:s18+$0xFFFFFFF0]  }
0x3b: {  	s15 =	smul.u32 $0x8100, s30;
	s14 =	sshrl.u32 s29, $0x2;
	v0 =	vld [tilespmem:s18+$0x0]  }
0x3c: {  	s16 =	sor.u32 $0x4000, s14;
	v1 =	vld [tilespmem:s18+$0xFFFFFFE0]  }
0x3d: {  	s31 =	sshrl.u32 s15, $0x2;
	s15 =	sadd.s32 $0x0, s16  }
0x3e: {  	s17 =	simm.s32 $0x4;
	s14 =	sor.u32 $0x4000, s31;
	s18 =	sadd.s32 $0x40, s18;
	[tilespmem:s15+$0x1830 ss:$0x81] =	vst.msk $0xffff, v3  }
.LBB1_3:
0x3f: {  	v3 =	vld [tilespmem:s18+$0x10];
	p1 =	sne.s32 s17, $0x1FC;
	[tilespmem:s15+$0x810 ss:$0x81] =	vst.msk $0xffff, v2;
	s19 =	smov.u32 s17;
	s17 =	sadd.s32 $0x4, s17  }
.Ltmp3:
0x40: {  	v2 =	vld [tilespmem:s18+$0xFFFFFFF0];
	[tilespmem:s15+$0x1020 ss:$0x81] =	vst.msk $0xffff, v0;
	(pc) =	sbr.rel @p1 .LBB1_3-.Ltmp3, $4  }
0x41: {  	v0 =	vld [tilespmem:s18+$0x0];
	[tilespmem:s15+$0x0 ss:$0x81] =	vst.msk $0xffff, v1  }
0x42: {  	s15 =	sshra.s32 s19, $0x2;
	v1 =	vld [tilespmem:s18+$0xFFFFFFE0]  }
0x43: {  	s15 =	sadd.s32 s15, s16  }
0x44: {  	s18 =	sadd.s32 $0x40, s18;
	[tilespmem:s15+$0x1830 ss:$0x81] =	vst.msk $0xffff, v3  }
0x45: {  	s16 =	sshrl.u32 s13, $0x2  }
0x46: {  	s17 =	sshll.u32 s12, $0x2;
	s16 =	smul.u32 $0x30E00, s16  }
0x47: {  	s29 =	sshll.u32 s13, $0x7;
	s17 =	sand.u32 $0xFFFFFE00, s17  }
0x48: {  	s13 =	sand.u32 $0x180, s29;
	s16 =	sadd.s32 s16, s17  }
0x49: {  	s30 =	sand.u32 $0x7F, s12;
	s13 =	sor.u32 s13, s16  }
0x4a: {  	s12 =	sor.u32 s30, s13  }
0x4b: {  	s31 =	smulhi.u32 $0xA79C7B17, s12;
	_ =	sdelay $0x1  }
0x4c: {  	s13 =	smulhi.u32 $0xA79C7B17, s13;
	s16 =	sshrl.u32 s31, $0xF  }
0x4d: {  	s16 =	smul.u32 $0xC380, s16  }
0x4e: {  	s13 =	sshrl.u32 s13, $0xF  }
.Ltmp4:
0x4f: {  	s13 =	sand.u32 $0x3, s13;
	s12 =	ssub.s32 s12, s16;
	(pc) =	sbr.rel .LBB1_5-.Ltmp4, $4  }
0x50: {  	[tilespmem:s15+$0x810 ss:$0x81] =	vst.msk $0xffff, v2;
	s13 =	smul.u32 $0x1870, s13;
	s16 =	sshrl.u32 s12, $0x3;
	s12 =	sand.u32 $0x7, s12  }
0x51: {  	[tilespmem:s15+$0x1020 ss:$0x81] =	vst.msk $0xffff, v0;
	s16 =	sadd.s32 s4, s16;
	s12 =	sshll.u32 s12, $0x12  }
0x52: {  	[tilespmem:s15+$0x0 ss:$0x81] =	vst.msk $0xffff, v1;
	s13 =	sadd.s32 s13, s16;
	s12 =	sor.u32 $0x80, s12  }
0x53: {  	[hbm4b:s13+s12] =	stream.strided.scatter [tilespmem:s14], [sflag:$0x2], $0x2000, s8, s12, $0x20;
	[tilespmem:$0x8080] =	vst v63  }
.LBB1_6:
0x54: {  	_ =	sfence.sel $0x180000  }
0x55: {  	s2 =	simm.s32 $0x1;
	[bflag:$0x0] =	sbarrier.arrive $0xFFFF  }
0x56: {  	s31 =	simm.s32 $0x2;
	[sflag:s2] =	ssyncpa.u1 $0x1  }
0x57: {  	[sflag:s31] =	ssyncpa.u1 $0x1  }
0x58: {  	p0 =	sne.s32 s0, $0x0;
	_ =	strace $0x9000004A  }
0x59: {  	s0 =	sadd.s32 @!p0 $0x100000, s1;
	[bflag:$0x2] =	sbarrier.arrive $0xFFFF  }
0x5a: {  	[sflag:s0] =	ssyncadd.tile.s32 @!p0 $0x1;
	_ =	shalt  }
.Lfunc_end1:
_tile_overlayer_lowered:
.L_overlay_start_2:
0x5b: {  	(tag) =	ssettag $0x2  }
0x5c: {  	s0 =	rddreg [dreg:$0x0];
	s2 =	stileid.u32  }
0x5d: {  	s1 =	rddreg [dreg:$0x1];
	p0 =	sne.s32 s2, $0x0  }
0x5e: {  	s3 =	rddreg [dreg:$0x2];
	[bflag:$0x3] =	sbarrier.arrive $0xFFFF;
	s2 =	simm.s32 @!p0 $0x1C01  }
0x5f: {  	[timem:s3], [sflag:s2] =	dma.local @!p0 [hbm:s0], s1  }
0x60: {  	s0 =	simm.s32 @!p0 $0x1  }
0x61: {  	_ =	swait.ge @!p0 [sflag:s0], s1  }
0x62: {  	s1 =	ssub.s32 @!p0 $0x0, s1;
	[sflag:s0] =	ssyncset.done @!p0 $0x0  }
0x63: {  	[sflag:s0] =	ssyncadd.s32 @!p0 s1  }
0x64: {  	[bflag:$0x3] =	sbarrier.arrive $0xFFFF  }
0x65: {  	_ =	shalt  }

// kernel: sparse-core-data-format-call.cloned.1.call-start
scs
called_computation_lowered:
.L_overlay_start_0:
0x0: {  	s2 =	sld [smem:$0x3FD9]  }
0x1: {  	s3 =	sld [smem:$0x3FFE];
	_ =	sdelay $0x1  }
0x2: {  	s1 =	srdreg.scid  }
0x3: {  	s0 =	sand.u32 $0x1, s1  }
0x4: {  	s18 =	sshll.u32 s0, $0xA;
	s2 =	sadd.s32 s3, s2  }
0x5: {  	s2 =	sadd.s32 s2, s18  }
0x6: {  	[smem:$0x3FBC] =	sst s2  }
0x7: {  	_ = 	snop  }
0x8: {  	(tm) =	ssettm $0x1  }
0x9: {  	s19 =	sld [smem:$0x3FFB];
	_ =	sdelay $0x3  }
0xa: {  	_ =	strace s19  }
0xb: {  	s2 =	sld [smem:$0x3FFC];
	_ =	sdelay $0x3  }
0xc: {  	_ =	strace s2  }
0xd: {  	s2 =	sld [smem:$0x3FFD];
	_ =	sdelay $0x3  }
0xe: {  	_ =	strace s2  }
0xf: {  	_ =	strace $0x8FFFFFFF  }
0x10: {  	s20 =	sld [smem:$0x3FDB];
	_ =	sdelay $0x1  }
0x11: {  	s21 =	simm.s32 $_scs_section_size  }
0x12: {  	s4 =	simm.s32 $_size__tile_overlayer_lowered;
	s5 =	simm.s32 $_tile_overlayer_lowered  }
0x13: {  	s6 =	simm.s32 $0x1BFF;
	s22 =	sshll.u32 s5, $0x1;
	s3 =	sadd.s32 s21, s20  }
0x14: {  	s23 =	simm.s32 $0x0;
	s4 =	sshll.u32 s4, $0x1;
	s5 =	sadd.s32 s22, s3  }
0x15: {  	[timem:s23], [sflag:s6] =	dma.local [hbm:s5], s4  }
0x16: {  	_ =	swait.ge [sflag:s6], s4  }
0x17: {  	s4 =	ssub.s32 $0x0, s4;
	[sflag:s6] =	ssyncset.done $0x0  }
0x18: {  	[sflag:s6] =	ssyncadd.s32 s4;
	_ =	sdelay $0x1  }
0x19: {  	s24 =	simm.s32 $0x1B8B  }
0x1a: {  	_ =	swait.ge [sflag:s24], $0x1  }
0x1b: {  	[sflag:s24] =	ssyncset.done $0x0  }
0x1c: {  	[sflag:s24] =	ssyncadd.s32 $0xFFFFFFFF  }
0x1d: {  	s4 =	sld [smem:$0x0]  }
0x1e: {  	s5 =	sand.u32 $0xFFFFFFFE, s1  }
0x1f: {  	p0 =	sne.s32 s1, s5  }
0x20: {  	s5 =	sshll.u32 @p0 s5, $0xE  }
0x21: {  	s5 =	sadd.s32 @p0 $0x11B8D, s5;
	s6 =	sshll.u32 @p0 s4, $0x11  }
0x22: {  	s5 =	sor.u32 @p0 s6, s5  }
0x23: {  	[sflag:s5] =	ssyncadd.remote.s32 @p0 $0x1;
	_ =	sdelay $0x1  }
0x24: {  	s5 =	simm.s32 @p0 $0x1B8D  }
0x25: {  	_ =	swait.eq @p0 [sflag:s5], $0x1  }
0x26: {  	[sflag:s5] =	ssyncadd.s32 @p0 $0xFFFFFFFF  }
0x27: {  	s6 =	sshll.u32 @!p0 s1, $0xE  }
0x28: {  	s6 =	sor.u32 @!p0 $0x4000, s6;
	s5 =	simm.s32 @!p0 $0x1B8D  }
0x29: {  	s4 =	sshll.u32 @!p0 s4, $0x11;
	s6 =	sadd.s32 @!p0 $0x11B8D, s6;
	_ =	swait.eq @!p0 [sflag:s5], $0x1  }
0x2a: {  	s4 =	sor.u32 @!p0 s4, s6;
	[sflag:s5] =	ssyncadd.s32 @!p0 $0xFFFFFFFF  }
0x2b: {  	s26 =	simm.s32 $0x1B8E;
	s25 =	sld [smem:$0x3FFE];
	[sflag:s4] =	ssyncadd.remote.s32 @!p0 $0x1  }
0x2c: {  	s27 =	simm.s32 $execute0_lowered;
	[smem:$0x3FD2] =	sst s26  }
0x2d: {  	s5 =	sshll.u32 s27, $0x1;
	_ =	strace $0x8000004C;
	[dreg:$0x1] =	wrdreg $0xFFFFFFFF  }
0x2e: {  	s28 =	simm.s32 $_size_execute0_lowered;
	s3 =	sadd.s32 s3, s5;
	[dreg:$0x0] =	wrdreg $0x0  }
0x2f: {  	s5 =	sshll.u32 s28, $0x1;
	[dreg:$0x2] =	wrdreg s3  }
0x30: {  	[dreg:$0x3] =	wrdreg s5  }
0x31: {  	[dreg:$0x4] =	wrdreg $0xC0  }
0x32: {  	_ =	task [dreg:s23], $0x5FFFF  }
0x33: {  	[dreg:$0x1] =	wrdreg $0xFFFFFFFF  }
0x34: {  	[dreg:$0x0] =	wrdreg $0x60  }
0x35: {  	[dreg:$0x2] =	wrdreg s25  }
0x36: {  	[dreg:$0x3] =	wrdreg $0x9  }
0x37: {  	_ =	task.clear_ibuf [dreg:s23], $0x4FFFF;
	_ =	strace $0x9000004C  }
0x38: {  	s29 =	simm.s32 $0x9;
	_ =	strace $0x8000004E  }
0x39: {  	_ =	swait.ge [sflag:s29], $0x1  }
0x3a: {  	[sflag:s29] =	ssyncadd.s32 $0xFFFFFFFF  }
0x3b: {  	_ =	strace $0x9000004E  }
0x3c: {  	_ =	sfence  }
0x3d: {  	s30 =	sld [smem:$0x0];
	_ =	sdelay $0x2  }
0x3e: {  	s31 =	sshll.u32 s1, $0xD;
	s1 =	sshrl.u32 s1, $0x2  }
0x3f: {  	s4 =	sand.u32 $0x4000, s31;
	s1 =	sadd.s32 s1, s30  }
0x40: {  	s0 =	sor.u32 s4, s0;
	s1 =	sshll.u32 s1, $0x11  }
0x41: {  	s0 =	sor.u32 s1, s0  }
0x42: {  	s0 =	sadd.s32 $0x8F2B, s0  }
0x43: {  	[sflag:s0] =	ssyncadd.remote.s32 $0x1  }
0x44: {  	_ =	sfence.sel $0xFFFF  }
0x45: {  	[dreg:$0x0] =	wrdreg $0xFFFFFFFF;
	(pc) =	sbr.abs _section_cstart, $3  }
0x46: {  	[dreg:$0x1] =	wrdreg $0xFFFFFFFF  }
0x47: {  	_ =	task.clear_ibuf [dreg:s23], $0x2FFFF;
	_ =	strace $0x9FFFFFFF  }
0x48: {  	(tm) =	ssettm $0x7FFFFFFF  }
0x49: {  	_ =	shalt  }
tec
execute0_lowered:
.L_overlay_start_1:
0x0: {  	(tag) =	ssettag $0x1  }
0x1: {  	s1 =	srdreg.scid  }
0x2: {  	s0 =	stileid.u32;
	s5 =	rddreg [dreg:$0x0];
	s31 =	simm.s32 $0x2  }
0x3: {  	s17 =	simm.s32 $0x0;
	s10 =	simm.s32 $0x80;
	s11 =	simm.s32 $0x400  }
0x4: {  	s12 =	simm.s32 $0x0;
	s18 =	simm.s32 $0x0;
	s19 =	simm.s32 $0x0  }
0x5: {  	s16 =	simm.s32 $0x0;
	s1 =	sshll.u32 s1, $0x7;
	s2 =	sand.u32 $0x1, s0  }
0x6: {  	s3 =	sand.u32 $0x80, s1;
	s1 =	rddreg [dreg:$0x1];
	s4 =	ssub.s32 $0x2, s2  }
0x7: {  	_ =	strace $0x8000004D;
	s15 =	smov.u32 s2;
	s6 =	ssub.s32 $0x3100, s3  }
0x8: {  	s7 =	sshrl.u32 s4, $0x1;
	s9 =	sand.u32 $0x1, s4;
	s8 =	sshrl.u32 s6, $0x7  }
.Ltmp0:
0x9: {  	s6 =	sshrl.u32 s6, $0x8;
	s8 =	sand.u32 $0x1, s8;
	(pc) =	sbr.rel .LBB1_1-.Ltmp0, $4  }
0xa: {  	s4 =	sadd.s32 $0x28D600, s5;
	s7 =	sadd.s32 s9, s7;
	s8 =	sadd.s32 s6, s8  }
0xb: {  	s5 =	sadd.s32 $0x59D600, s5;
	s6 =	simm.s32 $0x1;
	s7 =	smul.u32 s7, s8  }
0xc: {  	s13 =	smov.u32 s3;
	s8 =	sshrl.u32 s0, $0x1;
	[sflag:s6] =	ssyncpa.u1 $0x0  }
0xd: {  	[sflag:s31] =	ssyncpa.u1 $0x0;
	s14 =	smov.u32 s8;
	s9 =	sadd.s32 $0x1, s7  }
.LBB1_4:
0xe: {  	_ =	sdelay $0x3  }
0xf: {  	[tilespmem:v0+s21+$0xFFFFFFA0 ss:$0x1] =	vst.idx.msk $0xffff, v6  }
0x10: {  	v56 =	vld.idx.msk [tilespmem:v1+s22+$0x30 ss:$0x1], $0xffff;
	[tilespmem:v0+s21+$0xFFFFFFB0 ss:$0x1] =	vst.idx.msk $0xffff, v4  }
0x11: {  	v57 =	vld.idx.msk [tilespmem:v1+s22+$0xFFFFFFC0 ss:$0x1], $0xffff;
	[tilespmem:v0+s21+$0xFFFFFFC0 ss:$0x1] =	vst.idx.msk $0xffff, v2  }
0x12: {  	v58 =	vld.idx.msk [tilespmem:v1+s22+$0xFFFFFFD0 ss:$0x1], $0xffff;
	[tilespmem:v0+s21+$0xFFFFFFD0 ss:$0x1] =	vst.idx.msk $0xffff, v3  }
0x13: {  	v59 =	vld.idx.msk [tilespmem:v1+s22+$0xFFFFFFE0 ss:$0x1], $0xffff;
	[tilespmem:v0+s21+$0xFFFFFFE0 ss:$0x1] =	vst.idx.msk $0xffff, v5  }
0x14: {  	v60 =	vld.idx.msk [tilespmem:v1+s22+$0xFFFFFFF0 ss:$0x1], $0xffff;
	[tilespmem:v0+s21+$0xFFFFFFF0 ss:$0x1] =	vst.idx.msk $0xffff, v7  }
0x15: {  	v61 =	vld.idx.msk [tilespmem:v1+s22+$0x0 ss:$0x1], $0xffff;
	[tilespmem:v0+s22+$0x0 ss:$0x1] =	vst.idx.msk $0xffff, v56  }
0x16: {  	v62 =	vld.idx.msk [tilespmem:v1+s22+$0x10 ss:$0x1], $0xffff;
	[tilespmem:v0+s22+$0xFFFFFF90 ss:$0x1] =	vst.idx.msk $0xffff, v57  }
0x17: {  	v63 =	vld.idx.msk [tilespmem:v1+s22+$0x20 ss:$0x1], $0xffff;
	[tilespmem:v0+s22+$0xFFFFFFA0 ss:$0x1] =	vst.idx.msk $0xffff, v58  }
0x18: {  	s19 =	smul.u32 $0x188000, s19;
	[tilespmem:v0+s22+$0xFFFFFFB0 ss:$0x1] =	vst.idx.msk $0xffff, v59  }
0x19: {  	[tilespmem:v0+s22+$0xFFFFFFC0 ss:$0x1] =	vst.idx.msk $0xffff, v60  }
0x1a: {  	s17 =	sshll.u32 s17, $0x7;
	s18 =	sshll.u32 s18, $0x4;
	s19 =	sadd.s32 s5, s19;
	[tilespmem:v0+s22+$0xFFFFFFD0 ss:$0x1] =	vst.idx.msk $0xffff, v61  }
0x1b: {  	s18 =	sand.u32 $0x70, s18;
	s17 =	sadd.s32 s17, s19;
	[tilespmem:v0+s22+$0xFFFFFFE0 ss:$0x1] =	vst.idx.msk $0xffff, v62  }
0x1c: {  	s17 =	sadd.s32 s18, s17;
	[tilespmem:v0+s22+$0xFFFFFFF0 ss:$0x1] =	vst.idx.msk $0xffff, v63  }
0x1d: {  	[hbm4b:s17+s10] =	stream.strided.scatter [tilespmem:s20], [sflag:$0x2], $0x4000, s11, s10, $0x38;
	[tilespmem:$0x10000] =	vst v63  }
.LBB1_5:
0x1e: {  	s20 =	sadd.s32 $0x100, s13  }
0x1f: {  	s17 =	sadd.s32 $0x8, s14;
	s21 =	smov.u32 s14;
	p1 =	sgt.s32 s20, $0x30FF  }
0x20: {  	s21 =	smov.u32 @p1 s17  }
0x21: {  	s23 =	smov.u32 s15;
	s17 =	sadd.s32 $0x2, s15;
	p2 =	sgt.s32 s21, $0x7  }
0x22: {  	s23 =	smov.u32 @p2 s17  }
0x23: {  	s20 =	smov.u32 @p1 s3;
	p1 =	sgt.s32 s23, $0x1  }
0x24: {  	p0 =	slt.u32 s16, $0x2;
	s23 =	smov.u32 @p1 s2;
	p1 =	sne.s32 s16, s9  }
.Ltmp1:
0x25: {  	s22 =	simm.s32 @!p0 $0x2;
	(pc) =	sbr.rel @!p1 .LBB1_6-.Ltmp1, $4  }
0x26: {  	s18 =	smov.u32 s14;
	s19 =	smov.u32 s15;
	_ =	swait.ge @!p0 [sflag:s22], $0x4000  }
0x27: {  	s12 =	sadd.s32 $0x4000, s12;
	[sflag:s22] =	ssyncset.done @!p0 $0x0;
	s21 =	smov.u32 @p2 s8  }
0x28: {  	s17 =	smov.u32 s13;
	[sflag:s22] =	ssyncadd.s32 @!p0 $0xFFFFC000;
	s13 =	smov.u32 s20  }
0x29: {  	s14 =	smov.u32 s21;
	s16 =	sadd.s32 $0x1, s16;
	s15 =	smov.u32 s23  }
.LBB1_1:
0x2a: {  	p0 =	sge.u32 s16, s7  }
0x2b: {  	s20 =	sand.u32 @!p0 $0x1FFFFFF, s13  }
0x2c: {  	s21 =	smulhi.u32 @!p0 $0x14E5E0B, s20;
	_ =	sdelay $0x1  }
0x2d: {  	s22 =	smul.u32 @!p0 $0x188000, s15;
	s21 =	sshrl.u32 @!p0 s21, $0x6  }
0x2e: {  	s21 =	smul.u32 @!p0 $0x3100, s21  }
0x2f: {  	s31 =	sadd.s32 $0xFFFFFFFF, s16;
	s23 =	smul.u32 @!p0 $0x31000, s14  }
0x30: {  	s22 =	sadd.s32 @!p0 s4, s22;
	s20 =	ssub.s32 @!p0 s20, s21;
	s21 =	sxor.u32 @!p0 $0xFFFFFFFF, s16  }
0x31: {  	s22 =	sadd.s32 @!p0 s23, s22;
	s21 =	sshll.u32 @!p0 s21, $0xE;
	s20 =	sshll.u32 @!p0 s20, $0x4  }
0x32: {  	s21 =	sand.u32 @!p0 $0x4000, s21;
	s20 =	sadd.s32 @!p0 s20, s22;
	s22 =	simm.s32 @!p0 $0x0  }
0x33: {  	[tilespmem:s21], [sflag:$0x1] =	stream.linear.gather @!p0 [hbm4b:s20+s22], $0x4000, $0x38;
	[tilespmem:$0x10000] =	vst v63  }
0x34: {  	p0 =	sge.u32 s31, s7  }
.Ltmp2:
0x35: {  	_ = 	snop;
	(pc) =	sbr.rel @p0 .LBB1_5-.Ltmp2, $1  }
0x36: {  	_ =	sdelay $0x3  }
0x37: {  	s20 =	sand.u32 $0x4000, s12  }
0x38: {  	s21 =	sor.u32 $0x40, s20  }
0x39: {  	v1 =	vmov s21;
	_ =	sdelay $0x1  }
0x3a: {  	_ =	swait.ge [sflag:s6], $0x4000  }
0x3b: {  	[sflag:s6] =	ssyncset.done $0x0  }
0x3c: {  	[sflag:s6] =	ssyncadd.s32 $0xFFFFC000;
	s21 =	simm.s32 $0x0  }
0x3d: {  	s20 =	sor.u32 $0x8070, s20;
	v7 =	vld.idx.msk [tilespmem:v1+s21+$0x30 ss:$0x1], $0xffff  }
0x3e: {  	v0 =	vmov s20;
	v8 =	vld.idx.msk [tilespmem:v1+s21+$0xFFFFFFC0 ss:$0x1], $0xffff  }
0x3f: {  	v6 =	vld.idx.msk [tilespmem:v1+s21+$0xFFFFFFD0 ss:$0x1], $0xffff  }
0x40: {  	v4 =	vld.idx.msk [tilespmem:v1+s21+$0xFFFFFFE0 ss:$0x1], $0xffff  }
0x41: {  	v2 =	vld.idx.msk [tilespmem:v1+s21+$0xFFFFFFF0 ss:$0x1], $0xffff  }
0x42: {  	s31 =	sshll.u32 s16, $0xE;
	v3 =	vld.idx.msk [tilespmem:v1+s21+$0x0 ss:$0x1], $0xffff  }
0x43: {  	s20 =	sand.u32 $0x4000, s31;
	v5 =	vld.idx.msk [tilespmem:v1+s21+$0x10 ss:$0x1], $0xffff;
	[tilespmem:v0+s21+$0x0 ss:$0x1] =	vst.idx.msk $0xffff, v7  }
0x44: {  	s22 =	simm.s32 $0x80;
	s23 =	simm.s32 $0x400;
	s20 =	sor.u32 $0x8000, s20;
	[tilespmem:v0+s21+$0xFFFFFF90 ss:$0x1] =	vst.idx.msk $0xffff, v8;
	v7 =	vld.idx.msk [tilespmem:v1+s21+$0x20 ss:$0x1], $0xffff  }
.LBB1_3:
0x45: {  	p0 =	sne.s32 s23, $0xFE00;
	v8 =	vld.idx.msk [tilespmem:v1+s22+$0x30 ss:$0x1], $0xffff;
	[tilespmem:v0+s21+$0xFFFFFFA0 ss:$0x1] =	vst.idx.msk $0xffff, v6  }
0x46: {  	v9 =	vld.idx.msk [tilespmem:v1+s22+$0xFFFFFFC0 ss:$0x1], $0xffff;
	[tilespmem:v0+s21+$0xFFFFFFB0 ss:$0x1] =	vst.idx.msk $0xffff, v4  }
0x47: {  	v6 =	vld.idx.msk [tilespmem:v1+s22+$0xFFFFFFD0 ss:$0x1], $0xffff;
	[tilespmem:v0+s21+$0xFFFFFFC0 ss:$0x1] =	vst.idx.msk $0xffff, v2  }
.Ltmp3:
0x48: {  	v4 =	vld.idx.msk [tilespmem:v1+s22+$0xFFFFFFE0 ss:$0x1], $0xffff;
	[tilespmem:v0+s21+$0xFFFFFFD0 ss:$0x1] =	vst.idx.msk $0xffff, v3;
	(pc) =	sbr.rel @p0 .LBB1_3-.Ltmp3, $4  }
0x49: {  	v2 =	vld.idx.msk [tilespmem:v1+s22+$0xFFFFFFF0 ss:$0x1], $0xffff;
	[tilespmem:v0+s21+$0xFFFFFFE0 ss:$0x1] =	vst.idx.msk $0xffff, v5  }
0x4a: {  	v3 =	vld.idx.msk [tilespmem:v1+s22+$0x0 ss:$0x1], $0xffff;
	[tilespmem:v0+s21+$0xFFFFFFF0 ss:$0x1] =	vst.idx.msk $0xffff, v7;
	s21 =	smov.u32 s22  }
0x4b: {  	v5 =	vld.idx.msk [tilespmem:v1+s21+$0x10 ss:$0x1], $0xffff;
	[tilespmem:v0+s21+$0x0 ss:$0x1] =	vst.idx.msk $0xffff, v8  }
0x4c: {  	s22 =	sshra.s32 s23, $0x2;
	s23 =	sadd.s32 $0x200, s23;
	[tilespmem:v0+s21+$0xFFFFFF90 ss:$0x1] =	vst.idx.msk $0xffff, v9;
	v7 =	vld.idx.msk [tilespmem:v1+s21+$0x20 ss:$0x1], $0xffff  }
.Ltmp4:
0x4d: {  	_ = 	snop;
	(pc) =	sbr.rel .LBB1_4-.Ltmp4, $1  }
0x4e: {  	_ =	sdelay $0x3  }
.LBB1_6:
0x4f: {  	_ =	sfence.sel $0x180000  }
0x50: {  	s2 =	simm.s32 $0x1;
	[bflag:$0x0] =	sbarrier.arrive $0xFFFF  }
0x51: {  	s31 =	simm.s32 $0x2;
	[sflag:s2] =	ssyncpa.u1 $0x1  }
0x52: {  	[sflag:s31] =	ssyncpa.u1 $0x1  }
0x53: {  	p0 =	sne.s32 s0, $0x0;
	_ =	strace $0x9000004D  }
0x54: {  	s0 =	sadd.s32 @!p0 $0x100000, s1;
	[bflag:$0x2] =	sbarrier.arrive $0xFFFF  }
0x55: {  	[sflag:s0] =	ssyncadd.tile.s32 @!p0 $0x1;
	_ =	shalt  }
.Lfunc_end1:
_tile_overlayer_lowered:
.L_overlay_start_2:
0x56: {  	(tag) =	ssettag $0x2  }
0x57: {  	s0 =	rddreg [dreg:$0x0];
	s2 =	stileid.u32  }
0x58: {  	s1 =	rddreg [dreg:$0x1];
	p0 =	sne.s32 s2, $0x0  }
0x59: {  	s3 =	rddreg [dreg:$0x2];
	[bflag:$0x3] =	sbarrier.arrive $0xFFFF;
	s2 =	simm.s32 @!p0 $0x1C01  }
0x5a: {  	[timem:s3], [sflag:s2] =	dma.local @!p0 [hbm:s0], s1  }
0x5b: {  	s0 =	simm.s32 @!p0 $0x1  }
0x5c: {  	_ =	swait.ge @!p0 [sflag:s0], s1  }
0x5d: {  	s1 =	ssub.s32 @!p0 $0x0, s1;
	[sflag:s0] =	ssyncset.done @!p0 $0x0  }
0x5e: {  	[sflag:s0] =	ssyncadd.s32 @!p0 s1  }
0x5f: {  	[bflag:$0x3] =	sbarrier.arrive $0xFFFF  }
0x60: {  	_ =	shalt  }

</sc_bundles>
